<compile_context>
chip_gen: v7x
topology: tpu7x:2x2x1
jax: 0.10.2.dev20260603
libtpu: 0.0.44.dev20260713+nightly
codegen_flags: <defaults>
</compile_context>

<pallas_src>
import functools
import jax
import jax.numpy as jnp
from jax import lax
from jax.experimental import pallas as pl
from jax.experimental.pallas import tpu as pltpu
from jax.experimental.pallas import tpu_sc as plsc

BLK = 128
TI = 2048
_NC, _NS = 2, 16
_NW = _NC * _NS


def _sc_dispatch(x, pos, cap):
    t, h = x.shape
    na = 2 * t
    per_w = na // _NW
    mesh = plsc.VectorSubcoreMesh(core_axis_name="c", subcore_axis_name="s")

    @functools.partial(
        pl.kernel,
        out_type=jax.ShapeDtypeStruct((cap, h), jnp.float32),
        mesh=mesh,
        scratch_types=[
            pltpu.VMEM((per_w,), jnp.int32),
            pltpu.VMEM((per_w, h), jnp.float32),
            pltpu.SemaphoreType.DMA,
        ],
    )
    def k(x_hbm, pos_hbm, xg_hbm, pos_v, rows_v, sem):
        wid = lax.axis_index("s") * _NC + lax.axis_index("c")
        a_base = wid * per_w
        tok_base = lax.rem(a_base, t)
        pltpu.sync_copy(pos_hbm.at[pl.ds(a_base, per_w)], pos_v)
        pltpu.sync_copy(x_hbm.at[pl.ds(tok_base, per_w)], rows_v)
        pltpu.async_copy(rows_v, xg_hbm.at[pos_v], sem).wait()

    return k(x, pos)


def _sc_combine(y, p1, p2, w1, w2):
    t = p1.shape[0]
    h = y.shape[1]
    per_w = t // _NW
    ch = per_w // 2
    ncol = h // 16
    mesh = plsc.VectorSubcoreMesh(core_axis_name="c", subcore_axis_name="s")

    @functools.partial(
        pl.kernel,
        out_type=jax.ShapeDtypeStruct((t, h), jnp.float32),
        mesh=mesh,
        scratch_types=[
            pltpu.VMEM((per_w,), jnp.int32),
            pltpu.VMEM((per_w,), jnp.int32),
            pltpu.VMEM((per_w,), jnp.float32),
            pltpu.VMEM((per_w,), jnp.float32),
            [pltpu.VMEM((ch, h), jnp.float32) for _ in range(2)],
            [pltpu.VMEM((ch, h), jnp.float32) for _ in range(2)],
            pltpu.SemaphoreType.DMA,
            pltpu.SemaphoreType.DMA,
        ],
        compiler_params=pltpu.CompilerParams(needs_layout_passes=False),
    )
    def k(y_hbm, p1_hbm, p2_hbm, w1_hbm, w2_hbm, out_hbm,
          i1_v, i2_v, a1_v, a2_v, r1, r2, gsem, osem):
        wid = lax.axis_index("s") * _NC + lax.axis_index("c")
        base = wid * per_w
        pltpu.sync_copy(p1_hbm.at[pl.ds(base, per_w)], i1_v)
        pltpu.sync_copy(p2_hbm.at[pl.ds(base, per_w)], i2_v)
        pltpu.sync_copy(w1_hbm.at[pl.ds(base, per_w)], a1_v)
        pltpu.sync_copy(w2_hbm.at[pl.ds(base, per_w)], a2_v)
        copies = []
        for half in range(2):
            sl = pl.ds(half * ch, ch)
            copies.append(pltpu.async_copy(y_hbm.at[i1_v.at[sl]], r1[half],
                                           gsem))
            copies.append(pltpu.async_copy(y_hbm.at[i2_v.at[sl]], r2[half],
                                           gsem))
        outs = []
        for half in range(2):
            copies[2 * half].wait()
            copies[2 * half + 1].wait()

            def body(tok, carry, half=half):
                splat = jnp.full((16,), half * ch + tok, jnp.int32)
                s1 = plsc.load_gather(a1_v, [splat])
                s2 = plsc.load_gather(a2_v, [splat])
                for c in range(ncol):
                    cs = pl.ds(c * 16, 16)
                    r1[half][tok, cs] = (s1 * r1[half][tok, cs]
                                         + s2 * r2[half][tok, cs])
                return carry

            lax.fori_loop(0, ch, body, 0)
            outs.append(pltpu.async_copy(
                r1[half], out_hbm.at[pl.ds(base + half * ch, ch)], osem))
        for o in outs:
            o.wait()

    return k(y, p1, p2, w1, w2)


def _route_kernel(x_ref, gw_ref, logits_ref, wcol_ref, pos_ref, aux_ref):
    x = x_ref[...]
    gw = gw_ref[...]
    l = jnp.dot(x, gw, preferred_element_type=jnp.float32)
    logits_ref[...] = l
    tt = l.shape[0]
    lane = jax.lax.broadcasted_iota(jnp.int32, l.shape, 1)
    lanef = lane.astype(jnp.float32)
    valid = lane < 8
    neg = jnp.float32(-jnp.inf)
    lm = jnp.where(valid, l, neg)
    m1 = jnp.max(lm, axis=1, keepdims=True)
    i1 = jnp.min(jnp.where(lm == m1, lane, 128), axis=1, keepdims=True)
    s = jnp.sum(jnp.where(valid, jnp.exp(lm - m1), 0.0), axis=1, keepdims=True)
    lm2 = jnp.where(lane == i1, neg, lm)
    m2 = jnp.max(lm2, axis=1, keepdims=True)
    i2 = jnp.min(jnp.where(lm2 == m2, lane, 128), axis=1, keepdims=True)
    w1 = 1.0 / s
    w2 = jnp.exp(m2 - m1) / s
    wcol_ref[...] = (jnp.where(lane == 0, w1, 0.0)
                     + jnp.where(lane == 1, w2, 0.0))
    i1f = i1.astype(jnp.float32)
    i2f = i2.astype(jnp.float32)
    oh = (jnp.where(lanef == i1f, 1.0, 0.0)
          + jnp.where(lanef == i2f + 8.0, 1.0, 0.0))
    rr = lax.broadcasted_iota(jnp.int32, (tt, tt), 0)
    cc = lax.broadcasted_iota(jnp.int32, (tt, tt), 1)
    tril = jnp.where(rr >= cc, 1.0, 0.0)
    csum = jnp.dot(tril, oh, preferred_element_type=jnp.float32)
    last = csum[tt - 1:tt, :]
    lr = lax.broadcasted_iota(jnp.int32, (128, 128), 0)
    lc = lax.broadcasted_iota(jnp.int32, (128, 128), 1)
    fold = jnp.where((lr == lc) | (lr == lc + 8), 1.0, 0.0)
    fold = fold * jnp.where(lc < 8, 1.0, 0.0)
    counts = jnp.dot(last, fold, preferred_element_type=jnp.float32)
    padded = jnp.ceil(counts / 128.0) * 128.0
    strict = jnp.where(lr < lc, 1.0, 0.0)
    offs = jnp.dot(padded, strict, preferred_element_type=jnp.float32)
    rank1 = jnp.sum(jnp.where(lanef == i1f, csum, 0.0), axis=1,
                    keepdims=True) - 1.0
    cnt1_at_i2 = jnp.sum(jnp.where(lanef == i2f, last, 0.0), axis=1,
                         keepdims=True)
    rank2 = cnt1_at_i2 + jnp.sum(
        jnp.where(lanef == i2f + 8.0, csum, 0.0), axis=1, keepdims=True) - 1.0
    off1 = jnp.sum(jnp.where(lanef == i1f, offs, 0.0), axis=1, keepdims=True)
    off2 = jnp.sum(jnp.where(lanef == i2f, offs, 0.0), axis=1, keepdims=True)
    pos = (jnp.where(lane == 0, off1 + rank1, 0.0)
           + jnp.where(lane == 1, off2 + rank2, 0.0))
    pos_ref[...] = pos.astype(jnp.int32)
    blko_col = jnp.transpose(offs / 128.0)
    ge = jnp.where((lc.astype(jnp.float32) >= blko_col)
                   & (lr < 8), 1.0, 0.0)
    be_row = jnp.dot(jnp.full((1, 128), 1.0, jnp.float32),
                     ge, preferred_element_type=jnp.float32) - 1.0
    be_row = jnp.clip(be_row, 0.0, 7.0)
    nbu = jnp.sum(jnp.where(lane[0:1, :] == 7, offs + padded, 0.0),
                  axis=1, keepdims=True) / 128.0
    row8 = lax.broadcasted_iota(jnp.int32, (8, 128), 0)
    aux = (jnp.where(row8 == 0, be_row, 0.0)
           + jnp.where(row8 == 1, nbu, 0.0))
    aux_ref[...] = aux.astype(jnp.int32)


def _ffn_kernel(be_ref, nbu_ref, xg_ref, win_ref, wv_ref, wout_ref, y_ref):
    i = pl.program_id(0)
    bb = pl.program_id(1)
    ni = pl.num_programs(0)
    valid = bb < nbu_ref[0]

    @pl.when(valid)
    def _():
        xb = xg_ref[...].astype(jnp.bfloat16)
        dotp = functools.partial(
            jax.lax.dot_general,
            dimension_numbers=(((1,), (0,)), ((), ())),
            precision=lax.Precision.DEFAULT,
            preferred_element_type=jnp.float32)
        up = dotp(xb, win_ref[0])
        v = dotp(xb, wv_ref[0])
        hg = jax.nn.gelu(up) * v
        part = dotp(hg, wout_ref[0])

        rows = pl.ds(bb * BLK, BLK)
        if ni == 1:
            y_ref[rows, :] = part
        else:
            @pl.when(i == 0)
            def _():
                y_ref[rows, :] = part

            @pl.when(i > 0)
            def _():
                y_ref[rows, :] += part


def kernel(hidden, gate_w, w_in, w_v, w_out):
    b, s, h = hidden.shape
    e = gate_w.shape[1]
    ii = w_in.shape[2]
    t = b * s
    x = hidden.reshape(t, h)

    cap = 2 * t + e * BLK
    nb = cap // BLK
    gw_pad = jnp.zeros((h, 128), jnp.float32).at[:, :e].set(gate_w)
    logits_pad, wcol, pos2d, aux = pl.pallas_call(
        _route_kernel,
        out_shape=[
            jax.ShapeDtypeStruct((t, 128), jnp.float32),
            jax.ShapeDtypeStruct((t, 128), jnp.float32),
            jax.ShapeDtypeStruct((t, 128), jnp.int32),
            jax.ShapeDtypeStruct((8, 128), jnp.int32),
        ],
    )(x, gw_pad)
    router_logits = logits_pad[:, :e]
    w1 = wcol[:, 0]
    w2 = wcol[:, 1]
    p1, p2 = pos2d[:, 0], pos2d[:, 1]
    pos = jnp.concatenate([p1, p2])
    block_expert = aux[0, :nb]
    nb_used = aux[1, :1]

    xg = _sc_dispatch(x, pos, cap)

    ni = ii // TI
    grid_spec = pltpu.PrefetchScalarGridSpec(
        num_scalar_prefetch=2,
        grid=(ni, nb),
        in_specs=[
            pl.BlockSpec((BLK, h), lambda i, bb, be, nbu: (bb, 0)),
            pl.BlockSpec((1, h, TI), lambda i, bb, be, nbu: (be[bb], 0, i)),
            pl.BlockSpec((1, h, TI), lambda i, bb, be, nbu: (be[bb], 0, i)),
            pl.BlockSpec((1, TI, h), lambda i, bb, be, nbu: (be[bb], i, 0)),
        ],
        out_specs=pl.BlockSpec((cap, h), lambda i, bb, be, nbu: (0, 0)),
    )
    y = pl.pallas_call(
        _ffn_kernel,
        grid_spec=grid_spec,
        out_shape=jax.ShapeDtypeStruct((cap, h), jnp.float32),
        compiler_params=pltpu.CompilerParams(
            dimension_semantics=("arbitrary", "arbitrary"),
            vmem_limit_bytes=120 * 1024 * 1024),
    )(block_expert, nb_used, xg, w_in, w_v, w_out)

    out = _sc_combine(y, p1, p2, w1, w2)
    return out.reshape(b, s, h), router_logits

# --- scband reference (transcript-rebuilt; emitter-appended) ---
"""Pipeline reference for scband-qeff-grok1-moe-block-52269751992572 (READ-ONLY COPY).

The authoritative reference and input builder live on the scoring server;
editing this copy changes nothing except your own understanding.
"""

import jax, jax.numpy as jnp
import numpy as np

B, S, H = 1, 2048, 768
E, K, I = 8, 2, 32768

def setup_inputs(seed: int = 0) -> dict:
    key = jax.random.key(seed)
    ks = jax.random.split(key, 5)
    hidden = jax.random.normal(ks[0], (B, S, H), dtype=jnp.float32)
    gate_w = jax.random.normal(ks[1], (H, E), dtype=jnp.float32) * 0.02
    w_in = jax.random.normal(ks[2], (E, H, I), dtype=jnp.float32) * 0.02
    w_v = jax.random.normal(ks[3], (E, H, I), dtype=jnp.float32) * 0.02
    w_out = jax.random.normal(ks[4], (E, I, H), dtype=jnp.float32) * 0.02
    return {"hidden": hidden, "gate_w": gate_w, "w_in": w_in, "w_v": w_v, "w_out": w_out}

def reference(hidden, gate_w, w_in, w_v, w_out):
    b, s, h = hidden.shape
    T = b * s
    x = hidden.reshape(T, h)
    router_logits = x @ gate_w
    prob = jax.nn.softmax(router_logits.astype(jnp.float32), axis=-1)
    top_w, top_i = jax.lax.top_k(prob, K)
    top_w = top_w.astype(x.dtype)
    expert1_idx, expert2_idx = top_i[:, 0], top_i[:, 1]
    weight1, weight2 = top_w[:, 0], top_w[:, 1]
    upgate1 = jnp.zeros((T, I), dtype=x.dtype)
    upgate2 = jnp.zeros((T, I), dtype=x.dtype)
    expert_out1 = jnp.zeros((T, h), dtype=x.dtype)
    expert_out2 = jnp.zeros((T, h), dtype=x.dtype)
    for e in range(E):
        mask1 = (expert1_idx == e)[:, None]
        mask2 = (expert2_idx == e)[:, None]
        hidden_gate = jax.nn.gelu(x @ w_in[e]) * (x @ w_v[e])
        upgate1 = upgate1 + jnp.where(mask1, hidden_gate, jnp.zeros_like(upgate1))
        upgate2 = upgate2 + jnp.where(mask2, hidden_gate, jnp.zeros_like(upgate2))
    for e in range(E):
        mask1 = (expert1_idx == e)[:, None]
        mask2 = (expert2_idx == e)[:, None]
        expert_out1 = expert_out1 + jnp.where(mask1, (upgate1 @ w_out[e]) * weight1[:, None], jnp.zeros_like(expert_out1))
        expert_out2 = expert_out2 + jnp.where(mask2, (upgate2 @ w_out[e]) * weight2[:, None], jnp.zeros_like(expert_out2))
    expert_out = expert_out1 + expert_out2
    return expert_out.reshape(b, s, h), router_logits

if __name__ == "__main__":
    import jax
    _d = setup_inputs()
    print(jax.jit(kernel)(*tuple(_d.values())))

</pallas_src>

<mosaic_0001>
#map = affine_map<(d0, d1) -> (0, 0)>
#map1 = affine_map<(d0, d1) -> (0)>
module attributes {stable_mosaic.version = 14 : i64} {
  func.func @k(%arg0: i32, %arg1: i32, %arg2: memref<5120x768xf32, #tpu.memory_space<hbm>>, %arg3: memref<2048xi32, #tpu.memory_space<hbm>>, %arg4: memref<2048xi32, #tpu.memory_space<hbm>>, %arg5: memref<2048xf32, #tpu.memory_space<hbm>>, %arg6: memref<2048xf32, #tpu.memory_space<hbm>>, %arg7: memref<2048x768xf32, #tpu.memory_space<hbm>>, %arg8: memref<64xi32, #tpu.memory_space<vmem>>, %arg9: memref<64xi32, #tpu.memory_space<vmem>>, %arg10: memref<64xf32, #tpu.memory_space<vmem>>, %arg11: memref<64xf32, #tpu.memory_space<vmem>>, %arg12: memref<32x768xf32, #tpu.memory_space<vmem>>, %arg13: memref<32x768xf32, #tpu.memory_space<vmem>>, %arg14: memref<32x768xf32, #tpu.memory_space<vmem>>, %arg15: memref<32x768xf32, #tpu.memory_space<vmem>>, %arg16: memref<!tpu.dma_semaphore, #tpu.memory_space<semaphore_mem>>, %arg17: memref<!tpu.dma_semaphore, #tpu.memory_space<semaphore_mem>>) attributes {dimension_semantics = [#tpu.dimension_semantics<core_parallel>, #tpu.dimension_semantics<subcore_parallel>], iteration_bounds = array<i64: 2, 16>, scalar_prefetch = 0 : i64, scratch_operands = 10 : i64, tpu.core_type = #tpu.core_type<sc_vector_subcore>, window_params = [{transform_indices = #map}, {transform_indices = #map1}, {transform_indices = #map1}, {transform_indices = #map1}, {transform_indices = #map1}, {transform_indices = #map}]} {
    %mul3A = arith.constant 2 : i32
    %mul3A_0 = arith.muli %arg1, %mul3A : i32
    %add3A = arith.addi %mul3A_0, %arg0 : i32
    %mul3A_1 = arith.constant 64 : i32
    %mul3A_2 = arith.muli %add3A, %mul3A_1 : i32
    "tpu.region"() ({
      %run_scoped3A = tpu.sem_alloc : memref<!tpu.dma_semaphore, #tpu.memory_space<semaphore_mem>>
      %dma_start3A_72 = tpu.memref_slice %arg3[%mul3A_2] : memref<2048xi32, #tpu.memory_space<hbm>> -> memref<64xi32, #tpu.memory_space<hbm>>
      %dma_start3A_73 = tpu.memref_slice %arg3[%mul3A_2] : memref<2048xi32, #tpu.memory_space<hbm>> -> memref<64xi32, #tpu.memory_space<hbm>>
      tpu.enqueue_dma source(%dma_start3A_73 : memref<64xi32, #tpu.memory_space<hbm>>) target(%arg8 : memref<64xi32, #tpu.memory_space<vmem>>) target_semaphore(%run_scoped3A : memref<!tpu.dma_semaphore, #tpu.memory_space<semaphore_mem>>)
      %dma_wait3A_74 = tpu.memref_slice %arg3[%mul3A_2] : memref<2048xi32, #tpu.memory_space<hbm>> -> memref<64xi32, #tpu.memory_space<hbm>>
      %dma_wait3A_75 = tpu.memref_slice %arg3[%mul3A_2] : memref<2048xi32, #tpu.memory_space<hbm>> -> memref<64xi32, #tpu.memory_space<hbm>>
      tpu.wait_dma2 semaphore(%run_scoped3A : memref<!tpu.dma_semaphore, #tpu.memory_space<semaphore_mem>>) src(%dma_wait3A_75 : memref<64xi32, #tpu.memory_space<hbm>>) dst(%arg8 : memref<64xi32, #tpu.memory_space<vmem>>)
      tpu.yield
    }) : () -> ()
    "tpu.region"() ({
      %run_scoped3A = tpu.sem_alloc : memref<!tpu.dma_semaphore, #tpu.memory_space<semaphore_mem>>
      %dma_start3A_72 = tpu.memref_slice %arg4[%mul3A_2] : memref<2048xi32, #tpu.memory_space<hbm>> -> memref<64xi32, #tpu.memory_space<hbm>>
      %dma_start3A_73 = tpu.memref_slice %arg4[%mul3A_2] : memref<2048xi32, #tpu.memory_space<hbm>> -> memref<64xi32, #tpu.memory_space<hbm>>
      tpu.enqueue_dma source(%dma_start3A_73 : memref<64xi32, #tpu.memory_space<hbm>>) target(%arg9 : memref<64xi32, #tpu.memory_space<vmem>>) target_semaphore(%run_scoped3A : memref<!tpu.dma_semaphore, #tpu.memory_space<semaphore_mem>>)
      %dma_wait3A_74 = tpu.memref_slice %arg4[%mul3A_2] : memref<2048xi32, #tpu.memory_space<hbm>> -> memref<64xi32, #tpu.memory_space<hbm>>
      %dma_wait3A_75 = tpu.memref_slice %arg4[%mul3A_2] : memref<2048xi32, #tpu.memory_space<hbm>> -> memref<64xi32, #tpu.memory_space<hbm>>
      tpu.wait_dma2 semaphore(%run_scoped3A : memref<!tpu.dma_semaphore, #tpu.memory_space<semaphore_mem>>) src(%dma_wait3A_75 : memref<64xi32, #tpu.memory_space<hbm>>) dst(%arg9 : memref<64xi32, #tpu.memory_space<vmem>>)
      tpu.yield
    }) : () -> ()
    "tpu.region"() ({
      %run_scoped3A = tpu.sem_alloc : memref<!tpu.dma_semaphore, #tpu.memory_space<semaphore_mem>>
      %dma_start3A_72 = tpu.memref_slice %arg5[%mul3A_2] : memref<2048xf32, #tpu.memory_space<hbm>> -> memref<64xf32, #tpu.memory_space<hbm>>
      %dma_start3A_73 = tpu.memref_slice %arg5[%mul3A_2] : memref<2048xf32, #tpu.memory_space<hbm>> -> memref<64xf32, #tpu.memory_space<hbm>>
      tpu.enqueue_dma source(%dma_start3A_73 : memref<64xf32, #tpu.memory_space<hbm>>) target(%arg10 : memref<64xf32, #tpu.memory_space<vmem>>) target_semaphore(%run_scoped3A : memref<!tpu.dma_semaphore, #tpu.memory_space<semaphore_mem>>)
      %dma_wait3A_74 = tpu.memref_slice %arg5[%mul3A_2] : memref<2048xf32, #tpu.memory_space<hbm>> -> memref<64xf32, #tpu.memory_space<hbm>>
      %dma_wait3A_75 = tpu.memref_slice %arg5[%mul3A_2] : memref<2048xf32, #tpu.memory_space<hbm>> -> memref<64xf32, #tpu.memory_space<hbm>>
      tpu.wait_dma2 semaphore(%run_scoped3A : memref<!tpu.dma_semaphore, #tpu.memory_space<semaphore_mem>>) src(%dma_wait3A_75 : memref<64xf32, #tpu.memory_space<hbm>>) dst(%arg10 : memref<64xf32, #tpu.memory_space<vmem>>)
      tpu.yield
    }) : () -> ()
    "tpu.region"() ({
      %run_scoped3A = tpu.sem_alloc : memref<!tpu.dma_semaphore, #tpu.memory_space<semaphore_mem>>
      %dma_start3A_72 = tpu.memref_slice %arg6[%mul3A_2] : memref<2048xf32, #tpu.memory_space<hbm>> -> memref<64xf32, #tpu.memory_space<hbm>>
      %dma_start3A_73 = tpu.memref_slice %arg6[%mul3A_2] : memref<2048xf32, #tpu.memory_space<hbm>> -> memref<64xf32, #tpu.memory_space<hbm>>
      tpu.enqueue_dma source(%dma_start3A_73 : memref<64xf32, #tpu.memory_space<hbm>>) target(%arg11 : memref<64xf32, #tpu.memory_space<vmem>>) target_semaphore(%run_scoped3A : memref<!tpu.dma_semaphore, #tpu.memory_space<semaphore_mem>>)
      %dma_wait3A_74 = tpu.memref_slice %arg6[%mul3A_2] : memref<2048xf32, #tpu.memory_space<hbm>> -> memref<64xf32, #tpu.memory_space<hbm>>
      %dma_wait3A_75 = tpu.memref_slice %arg6[%mul3A_2] : memref<2048xf32, #tpu.memory_space<hbm>> -> memref<64xf32, #tpu.memory_space<hbm>>
      tpu.wait_dma2 semaphore(%run_scoped3A : memref<!tpu.dma_semaphore, #tpu.memory_space<semaphore_mem>>) src(%dma_wait3A_75 : memref<64xf32, #tpu.memory_space<hbm>>) dst(%arg11 : memref<64xf32, #tpu.memory_space<vmem>>)
      tpu.yield
    }) : () -> ()
    %dma_start3A = arith.constant 0 : i32
    %dma_start3A_3 = tpu.memref_slice %arg8[%dma_start3A] : memref<64xi32, #tpu.memory_space<vmem>> -> memref<32xi32, #tpu.memory_space<vmem>>
    %dma_start3A_4 = arith.constant 0 : i32
    %dma_start3A_5 = arith.constant 0 : i32
    %dma_start3A_6 = tpu.memref_slice %arg2[%dma_start3A_4, %dma_start3A_5] : memref<5120x768xf32, #tpu.memory_space<hbm>> -> memref<5120x768xf32, #tpu.memory_space<hbm>>
    tpu.enqueue_indirect_dma source(%dma_start3A_6 : memref<5120x768xf32, #tpu.memory_space<hbm>>) target(%arg12 : memref<32x768xf32, #tpu.memory_space<vmem>>) offsets(%dma_start3A_3 : memref<32xi32, #tpu.memory_space<vmem>>) semaphore(%arg16 : memref<!tpu.dma_semaphore, #tpu.memory_space<semaphore_mem>>)
    %dma_start3A_7 = arith.constant 0 : i32
    %dma_start3A_8 = tpu.memref_slice %arg9[%dma_start3A_7] : memref<64xi32, #tpu.memory_space<vmem>> -> memref<32xi32, #tpu.memory_space<vmem>>
    %dma_start3A_9 = arith.constant 0 : i32
    %dma_start3A_10 = arith.constant 0 : i32
    %dma_start3A_11 = tpu.memref_slice %arg2[%dma_start3A_9, %dma_start3A_10] : memref<5120x768xf32, #tpu.memory_space<hbm>> -> memref<5120x768xf32, #tpu.memory_space<hbm>>
    tpu.enqueue_indirect_dma source(%dma_start3A_11 : memref<5120x768xf32, #tpu.memory_space<hbm>>) target(%arg14 : memref<32x768xf32, #tpu.memory_space<vmem>>) offsets(%dma_start3A_8 : memref<32xi32, #tpu.memory_space<vmem>>) semaphore(%arg16 : memref<!tpu.dma_semaphore, #tpu.memory_space<semaphore_mem>>)
    %dma_start3A_12 = arith.constant 32 : i32
    %dma_start3A_13 = tpu.memref_slice %arg8[%dma_start3A_12] : memref<64xi32, #tpu.memory_space<vmem>> -> memref<32xi32, #tpu.memory_space<vmem>>
    %dma_start3A_14 = arith.constant 0 : i32
    %dma_start3A_15 = arith.constant 0 : i32
    %dma_start3A_16 = tpu.memref_slice %arg2[%dma_start3A_14, %dma_start3A_15] : memref<5120x768xf32, #tpu.memory_space<hbm>> -> memref<5120x768xf32, #tpu.memory_space<hbm>>
    tpu.enqueue_indirect_dma source(%dma_start3A_16 : memref<5120x768xf32, #tpu.memory_space<hbm>>) target(%arg13 : memref<32x768xf32, #tpu.memory_space<vmem>>) offsets(%dma_start3A_13 : memref<32xi32, #tpu.memory_space<vmem>>) semaphore(%arg16 : memref<!tpu.dma_semaphore, #tpu.memory_space<semaphore_mem>>)
    %dma_start3A_17 = arith.constant 32 : i32
    %dma_start3A_18 = tpu.memref_slice %arg9[%dma_start3A_17] : memref<64xi32, #tpu.memory_space<vmem>> -> memref<32xi32, #tpu.memory_space<vmem>>
    %dma_start3A_19 = arith.constant 0 : i32
    %dma_start3A_20 = arith.constant 0 : i32
    %dma_start3A_21 = tpu.memref_slice %arg2[%dma_start3A_19, %dma_start3A_20] : memref<5120x768xf32, #tpu.memory_space<hbm>> -> memref<5120x768xf32, #tpu.memory_space<hbm>>
    tpu.enqueue_indirect_dma source(%dma_start3A_21 : memref<5120x768xf32, #tpu.memory_space<hbm>>) target(%arg15 : memref<32x768xf32, #tpu.memory_space<vmem>>) offsets(%dma_start3A_18 : memref<32xi32, #tpu.memory_space<vmem>>) semaphore(%arg16 : memref<!tpu.dma_semaphore, #tpu.memory_space<semaphore_mem>>)
    %dma_wait3A = arith.constant 0 : i32
    %dma_wait3A_22 = tpu.memref_slice %arg8[%dma_wait3A] : memref<64xi32, #tpu.memory_space<vmem>> -> memref<32xi32, #tpu.memory_space<vmem>>
    %dma_wait3A_23 = arith.constant 0 : i32
    %dma_wait3A_24 = arith.constant 0 : i32
    %dma_wait3A_25 = tpu.memref_slice %arg2[%dma_wait3A_23, %dma_wait3A_24] : memref<5120x768xf32, #tpu.memory_space<hbm>> -> memref<5120x768xf32, #tpu.memory_space<hbm>>
    tpu.wait_indirect_dma semaphore(%arg16 : memref<!tpu.dma_semaphore, #tpu.memory_space<semaphore_mem>>) src(%dma_wait3A_25 : memref<5120x768xf32, #tpu.memory_space<hbm>>) dst(%arg12 : memref<32x768xf32, #tpu.memory_space<vmem>>)
    %dma_wait3A_26 = arith.constant 0 : i32
    %dma_wait3A_27 = tpu.memref_slice %arg9[%dma_wait3A_26] : memref<64xi32, #tpu.memory_space<vmem>> -> memref<32xi32, #tpu.memory_space<vmem>>
    %dma_wait3A_28 = arith.constant 0 : i32
    %dma_wait3A_29 = arith.constant 0 : i32
    %dma_wait3A_30 = tpu.memref_slice %arg2[%dma_wait3A_28, %dma_wait3A_29] : memref<5120x768xf32, #tpu.memory_space<hbm>> -> memref<5120x768xf32, #tpu.memory_space<hbm>>
    tpu.wait_indirect_dma semaphore(%arg16 : memref<!tpu.dma_semaphore, #tpu.memory_space<semaphore_mem>>) src(%dma_wait3A_30 : memref<5120x768xf32, #tpu.memory_space<hbm>>) dst(%arg14 : memref<32x768xf32, #tpu.memory_space<vmem>>)
    %scan3A = arith.constant 0 : i32
    %scan3A_31 = arith.constant 0 : i32
    %scan3A_32 = arith.constant 32 : i32
    %scan3A_33 = arith.addi %scan3A_31, %scan3A_32 : i32
    %scan3A_34 = arith.constant 1 : i32
    scf.for %scan3A_72 = %scan3A_31 to %scan3A_33 step %scan3A_34  : i32 {
      %add3A_73 = arith.constant 0 : i32
      %add3A_74 = arith.addi %add3A_73, %scan3A_72 : i32
      %broadcast_in_dim3A = vector.broadcast %add3A_74 : i32 to vector<16xi32>
      %gather3A = tpu.vector_load_idx %arg10[%broadcast_in_dim3A] : memref<64xf32, #tpu.memory_space<vmem>>[vector<16xi32>], vector<16xf32>,
      %gather3A_75 = tpu.vector_load_idx %arg11[%broadcast_in_dim3A] : memref<64xf32, #tpu.memory_space<vmem>>[vector<16xi32>], vector<16xf32>,
      %get3A = arith.index_cast %scan3A_72 : i32 to index
      %get3A_76 = arith.constant 0 : index
      %get3A_77 = tpu.vector_load %arg12[%get3A, %get3A_76] {strides = array<i32>} : memref<32x768xf32, #tpu.memory_space<vmem>>, vector<16xf32>,
      %mul3A_78 = arith.mulf %gather3A, %get3A_77 : vector<16xf32>
      %get3A_79 = arith.index_cast %scan3A_72 : i32 to index
      %get3A_80 = arith.constant 0 : index
      %get3A_81 = tpu.vector_load %arg14[%get3A_79, %get3A_80] {strides = array<i32>} : memref<32x768xf32, #tpu.memory_space<vmem>>, vector<16xf32>,
      %mul3A_82 = arith.mulf %gather3A_75, %get3A_81 : vector<16xf32>
      %add3A_83 = arith.addf %mul3A_78, %mul3A_82 : vector<16xf32>
      %swap3A = arith.index_cast %scan3A_72 : i32 to index
      %swap3A_84 = arith.constant 0 : index
      %swap3A_85 = tpu.vector_load %arg12[%swap3A, %swap3A_84] {strides = array<i32>} : memref<32x768xf32, #tpu.memory_space<vmem>>, vector<16xf32>,
      tpu.vector_store %arg12[%swap3A, %swap3A_84], %add3A_83 {strides = array<i32>} : memref<32x768xf32, #tpu.memory_space<vmem>>, vector<16xf32>,
      %get3A_86 = arith.index_cast %scan3A_72 : i32 to index
      %get3A_87 = arith.constant 16 : index
      %get3A_88 = tpu.vector_load %arg12[%get3A_86, %get3A_87] {strides = array<i32>} : memref<32x768xf32, #tpu.memory_space<vmem>>, vector<16xf32>,
      %mul3A_89 = arith.mulf %gather3A, %get3A_88 : vector<16xf32>
      %get3A_90 = arith.index_cast %scan3A_72 : i32 to index
      %get3A_91 = arith.constant 16 : index
      %get3A_92 = tpu.vector_load %arg14[%get3A_90, %get3A_91] {strides = array<i32>} : memref<32x768xf32, #tpu.memory_space<vmem>>, vector<16xf32>,
      %mul3A_93 = arith.mulf %gather3A_75, %get3A_92 : vector<16xf32>
      %add3A_94 = arith.addf %mul3A_89, %mul3A_93 : vector<16xf32>
      %swap3A_95 = arith.index_cast %scan3A_72 : i32 to index
      %swap3A_96 = arith.constant 16 : index
      %swap3A_97 = tpu.vector_load %arg12[%swap3A_95, %swap3A_96] {strides = array<i32>} : memref<32x768xf32, #tpu.memory_space<vmem>>, vector<16xf32>,
      tpu.vector_store %arg12[%swap3A_95, %swap3A_96], %add3A_94 {strides = array<i32>} : memref<32x768xf32, #tpu.memory_space<vmem>>, vector<16xf32>,
      %get3A_98 = arith.index_cast %scan3A_72 : i32 to index
      %get3A_99 = arith.constant 32 : index
      %get3A_100 = tpu.vector_load %arg12[%get3A_98, %get3A_99] {strides = array<i32>} : memref<32x768xf32, #tpu.memory_space<vmem>>, vector<16xf32>,
      %mul3A_101 = arith.mulf %gather3A, %get3A_100 : vector<16xf32>
      %get3A_102 = arith.index_cast %scan3A_72 : i32 to index
      %get3A_103 = arith.constant 32 : index
      %get3A_104 = tpu.vector_load %arg14[%get3A_102, %get3A_103] {strides = array<i32>} : memref<32x768xf32, #tpu.memory_space<vmem>>, vector<16xf32>,
      %mul3A_105 = arith.mulf %gather3A_75, %get3A_104 : vector<16xf32>
      %add3A_106 = arith.addf %mul3A_101, %mul3A_105 : vector<16xf32>
      %swap3A_107 = arith.index_cast %scan3A_72 : i32 to index
      %swap3A_108 = arith.constant 32 : index
      %swap3A_109 = tpu.vector_load %arg12[%swap3A_107, %swap3A_108] {strides = array<i32>} : memref<32x768xf32, #tpu.memory_space<vmem>>, vector<16xf32>,
      tpu.vector_store %arg12[%swap3A_107, %swap3A_108], %add3A_106 {strides = array<i32>} : memref<32x768xf32, #tpu.memory_space<vmem>>, vector<16xf32>,
      %get3A_110 = arith.index_cast %scan3A_72 : i32 to index
      %get3A_111 = arith.constant 48 : index
      %get3A_112 = tpu.vector_load %arg12[%get3A_110, %get3A_111] {strides = array<i32>} : memref<32x768xf32, #tpu.memory_space<vmem>>, vector<16xf32>,
      %mul3A_113 = arith.mulf %gather3A, %get3A_112 : vector<16xf32>
      %get3A_114 = arith.index_cast %scan3A_72 : i32 to index
      %get3A_115 = arith.constant 48 : index
      %get3A_116 = tpu.vector_load %arg14[%get3A_114, %get3A_115] {strides = array<i32>} : memref<32x768xf32, #tpu.memory_space<vmem>>, vector<16xf32>,
      %mul3A_117 = arith.mulf %gather3A_75, %get3A_116 : vector<16xf32>
      %add3A_118 = arith.addf %mul3A_113, %mul3A_117 : vector<16xf32>
      %swap3A_119 = arith.index_cast %scan3A_72 : i32 to index
      %swap3A_120 = arith.constant 48 : index
      %swap3A_121 = tpu.vector_load %arg12[%swap3A_119, %swap3A_120] {strides = array<i32>} : memref<32x768xf32, #tpu.memory_space<vmem>>, vector<16xf32>,
      tpu.vector_store %arg12[%swap3A_119, %swap3A_120], %add3A_118 {strides = array<i32>} : memref<32x768xf32, #tpu.memory_space<vmem>>, vector<16xf32>,
      %get3A_122 = arith.index_cast %scan3A_72 : i32 to index
      %get3A_123 = arith.constant 64 : index
      %get3A_124 = tpu.vector_load %arg12[%get3A_122, %get3A_123] {strides = array<i32>} : memref<32x768xf32, #tpu.memory_space<vmem>>, vector<16xf32>,
      %mul3A_125 = arith.mulf %gather3A, %get3A_124 : vector<16xf32>
      %get3A_126 = arith.index_cast %scan3A_72 : i32 to index
      %get3A_127 = arith.constant 64 : index
      %get3A_128 = tpu.vector_load %arg14[%get3A_126, %get3A_127] {strides = array<i32>} : memref<32x768xf32, #tpu.memory_space<vmem>>, vector<16xf32>,
      %mul3A_129 = arith.mulf %gather3A_75, %get3A_128 : vector<16xf32>
      %add3A_130 = arith.addf %mul3A_125, %mul3A_129 : vector<16xf32>
      %swap3A_131 = arith.index_cast %scan3A_72 : i32 to index
      %swap3A_132 = arith.constant 64 : index
      %swap3A_133 = tpu.vector_load %arg12[%swap3A_131, %swap3A_132] {strides = array<i32>} : memref<32x768xf32, #tpu.memory_space<vmem>>, vector<16xf32>,
      tpu.vector_store %arg12[%swap3A_131, %swap3A_132], %add3A_130 {strides = array<i32>} : memref<32x768xf32, #tpu.memory_space<vmem>>, vector<16xf32>,
      %get3A_134 = arith.index_cast %scan3A_72 : i32 to index
      %get3A_135 = arith.constant 80 : index
      %get3A_136 = tpu.vector_load %arg12[%get3A_134, %get3A_135] {strides = array<i32>} : memref<32x768xf32, #tpu.memory_space<vmem>>, vector<16xf32>,
      %mul3A_137 = arith.mulf %gather3A, %get3A_136 : vector<16xf32>
      %get3A_138 = arith.index_cast %scan3A_72 : i32 to index
      %get3A_139 = arith.constant 80 : index
      %get3A_140 = tpu.vector_load %arg14[%get3A_138, %get3A_139] {strides = array<i32>} : memref<32x768xf32, #tpu.memory_space<vmem>>, vector<16xf32>,
      %mul3A_141 = arith.mulf %gather3A_75, %get3A_140 : vector<16xf32>
      %add3A_142 = arith.addf %mul3A_137, %mul3A_141 : vector<16xf32>
      %swap3A_143 = arith.index_cast %scan3A_72 : i32 to index
      %swap3A_144 = arith.constant 80 : index
      %swap3A_145 = tpu.vector_load %arg12[%swap3A_143, %swap3A_144] {strides = array<i32>} : memref<32x768xf32, #tpu.memory_space<vmem>>, vector<16xf32>,
      tpu.vector_store %arg12[%swap3A_143, %swap3A_144], %add3A_142 {strides = array<i32>} : memref<32x768xf32, #tpu.memory_space<vmem>>, vector<16xf32>,
      %get3A_146 = arith.index_cast %scan3A_72 : i32 to index
      %get3A_147 = arith.constant 96 : index
      %get3A_148 = tpu.vector_load %arg12[%get3A_146, %get3A_147] {strides = array<i32>} : memref<32x768xf32, #tpu.memory_space<vmem>>, vector<16xf32>,
      %mul3A_149 = arith.mulf %gather3A, %get3A_148 : vector<16xf32>
      %get3A_150 = arith.index_cast %scan3A_72 : i32 to index
      %get3A_151 = arith.constant 96 : index
      %get3A_152 = tpu.vector_load %arg14[%get3A_150, %get3A_151] {strides = array<i32>} : memref<32x768xf32, #tpu.memory_space<vmem>>, vector<16xf32>,
      %mul3A_153 = arith.mulf %gather3A_75, %get3A_152 : vector<16xf32>
      %add3A_154 = arith.addf %mul3A_149, %mul3A_153 : vector<16xf32>
      %swap3A_155 = arith.index_cast %scan3A_72 : i32 to index
      %swap3A_156 = arith.constant 96 : index
      %swap3A_157 = tpu.vector_load %arg12[%swap3A_155, %swap3A_156] {strides = array<i32>} : memref<32x768xf32, #tpu.memory_space<vmem>>, vector<16xf32>,
      tpu.vector_store %arg12[%swap3A_155, %swap3A_156], %add3A_154 {strides = array<i32>} : memref<32x768xf32, #tpu.memory_space<vmem>>, vector<16xf32>,
      %get3A_158 = arith.index_cast %scan3A_72 : i32 to index
      %get3A_159 = arith.constant 112 : index
      %get3A_160 = tpu.vector_load %arg12[%get3A_158, %get3A_159] {strides = array<i32>} : memref<32x768xf32, #tpu.memory_space<vmem>>, vector<16xf32>,
      %mul3A_161 = arith.mulf %gather3A, %get3A_160 : vector<16xf32>
      %get3A_162 = arith.index_cast %scan3A_72 : i32 to index
      %get3A_163 = arith.constant 112 : index
      %get3A_164 = tpu.vector_load %arg14[%get3A_162, %get3A_163] {strides = array<i32>} : memref<32x768xf32, #tpu.memory_space<vmem>>, vector<16xf32>,
      %mul3A_165 = arith.mulf %gather3A_75, %get3A_164 : vector<16xf32>
      %add3A_166 = arith.addf %mul3A_161, %mul3A_165 : vector<16xf32>
      %swap3A_167 = arith.index_cast %scan3A_72 : i32 to index
      %swap3A_168 = arith.constant 112 : index
      %swap3A_169 = tpu.vector_load %arg12[%swap3A_167, %swap3A_168] {strides = array<i32>} : memref<32x768xf32, #tpu.memory_space<vmem>>, vector<16xf32>,
      tpu.vector_store %arg12[%swap3A_167, %swap3A_168], %add3A_166 {strides = array<i32>} : memref<32x768xf32, #tpu.memory_space<vmem>>, vector<16xf32>,
      %get3A_170 = arith.index_cast %scan3A_72 : i32 to index
      %get3A_171 = arith.constant 128 : index
      %get3A_172 = tpu.vector_load %arg12[%get3A_170, %get3A_171] {strides = array<i32>} : memref<32x768xf32, #tpu.memory_space<vmem>>, vector<16xf32>,
      %mul3A_173 = arith.mulf %gather3A, %get3A_172 : vector<16xf32>
      %get3A_174 = arith.index_cast %scan3A_72 : i32 to index
      %get3A_175 = arith.constant 128 : index
      %get3A_176 = tpu.vector_load %arg14[%get3A_174, %get3A_175] {strides = array<i32>} : memref<32x768xf32, #tpu.memory_space<vmem>>, vector<16xf32>,
      %mul3A_177 = arith.mulf %gather3A_75, %get3A_176 : vector<16xf32>
      %add3A_178 = arith.addf %mul3A_173, %mul3A_177 : vector<16xf32>
      %swap3A_179 = arith.index_cast %scan3A_72 : i32 to index
      %swap3A_180 = arith.constant 128 : index
      %swap3A_181 = tpu.vector_load %arg12[%swap3A_179, %swap3A_180] {strides = array<i32>} : memref<32x768xf32, #tpu.memory_space<vmem>>, vector<16xf32>,
      tpu.vector_store %arg12[%swap3A_179, %swap3A_180], %add3A_178 {strides = array<i32>} : memref<32x768xf32, #tpu.memory_space<vmem>>, vector<16xf32>,
      %get3A_182 = arith.index_cast %scan3A_72 : i32 to index
      %get3A_183 = arith.constant 144 : index
      %get3A_184 = tpu.vector_load %arg12[%get3A_182, %get3A_183] {strides = array<i32>} : memref<32x768xf32, #tpu.memory_space<vmem>>, vector<16xf32>,
      %mul3A_185 = arith.mulf %gather3A, %get3A_184 : vector<16xf32>
      %get3A_186 = arith.index_cast %scan3A_72 : i32 to index
      %get3A_187 = arith.constant 144 : index
      %get3A_188 = tpu.vector_load %arg14[%get3A_186, %get3A_187] {strides = array<i32>} : memref<32x768xf32, #tpu.memory_space<vmem>>, vector<16xf32>,
      %mul3A_189 = arith.mulf %gather3A_75, %get3A_188 : vector<16xf32>
      %add3A_190 = arith.addf %mul3A_185, %mul3A_189 : vector<16xf32>
      %swap3A_191 = arith.index_cast %scan3A_72 : i32 to index
      %swap3A_192 = arith.constant 144 : index
      %swap3A_193 = tpu.vector_load %arg12[%swap3A_191, %swap3A_192] {strides = array<i32>} : memref<32x768xf32, #tpu.memory_space<vmem>>, vector<16xf32>,
      tpu.vector_store %arg12[%swap3A_191, %swap3A_192], %add3A_190 {strides = array<i32>} : memref<32x768xf32, #tpu.memory_space<vmem>>, vector<16xf32>,
      %get3A_194 = arith.index_cast %scan3A_72 : i32 to index
      %get3A_195 = arith.constant 160 : index
      %get3A_196 = tpu.vector_load %arg12[%get3A_194, %get3A_195] {strides = array<i32>} : memref<32x768xf32, #tpu.memory_space<vmem>>, vector<16xf32>,
      %mul3A_197 = arith.mulf %gather3A, %get3A_196 : vector<16xf32>
      %get3A_198 = arith.index_cast %scan3A_72 : i32 to index
      %get3A_199 = arith.constant 160 : index
      %get3A_200 = tpu.vector_load %arg14[%get3A_198, %get3A_199] {strides = array<i32>} : memref<32x768xf32, #tpu.memory_space<vmem>>, vector<16xf32>,
      %mul3A_201 = arith.mulf %gather3A_75, %get3A_200 : vector<16xf32>
      %add3A_202 = arith.addf %mul3A_197, %mul3A_201 : vector<16xf32>
      %swap3A_203 = arith.index_cast %scan3A_72 : i32 to index
      %swap3A_204 = arith.constant 160 : index
      %swap3A_205 = tpu.vector_load %arg12[%swap3A_203, %swap3A_204] {strides = array<i32>} : memref<32x768xf32, #tpu.memory_space<vmem>>, vector<16xf32>,
      tpu.vector_store %arg12[%swap3A_203, %swap3A_204], %add3A_202 {strides = array<i32>} : memref<32x768xf32, #tpu.memory_space<vmem>>, vector<16xf32>,
      %get3A_206 = arith.index_cast %scan3A_72 : i32 to index
      %get3A_207 = arith.constant 176 : index
      %get3A_208 = tpu.vector_load %arg12[%get3A_206, %get3A_207] {strides = array<i32>} : memref<32x768xf32, #tpu.memory_space<vmem>>, vector<16xf32>,
      %mul3A_209 = arith.mulf %gather3A, %get3A_208 : vector<16xf32>
      %get3A_210 = arith.index_cast %scan3A_72 : i32 to index
      %get3A_211 = arith.constant 176 : index
      %get3A_212 = tpu.vector_load %arg14[%get3A_210, %get3A_211] {strides = array<i32>} : memref<32x768xf32, #tpu.memory_space<vmem>>, vector<16xf32>,
      %mul3A_213 = arith.mulf %gather3A_75, %get3A_212 : vector<16xf32>
      %add3A_214 = arith.addf %mul3A_209, %mul3A_213 : vector<16xf32>
      %swap3A_215 = arith.index_cast %scan3A_72 : i32 to index
      %swap3A_216 = arith.constant 176 : index
      %swap3A_217 = tpu.vector_load %arg12[%swap3A_215, %swap3A_216] {strides = array<i32>} : memref<32x768xf32, #tpu.memory_space<vmem>>, vector<16xf32>,
      tpu.vector_store %arg12[%swap3A_215, %swap3A_216], %add3A_214 {strides = array<i32>} : memref<32x768xf32, #tpu.memory_space<vmem>>, vector<16xf32>,
      %get3A_218 = arith.index_cast %scan3A_72 : i32 to index
      %get3A_219 = arith.constant 192 : index
      %get3A_220 = tpu.vector_load %arg12[%get3A_218, %get3A_219] {strides = array<i32>} : memref<32x768xf32, #tpu.memory_space<vmem>>, vector<16xf32>,
      %mul3A_221 = arith.mulf %gather3A, %get3A_220 : vector<16xf32>
      %get3A_222 = arith.index_cast %scan3A_72 : i32 to index
      %get3A_223 = arith.constant 192 : index
      %get3A_224 = tpu.vector_load %arg14[%get3A_222, %get3A_223] {strides = array<i32>} : memref<32x768xf32, #tpu.memory_space<vmem>>, vector<16xf32>,
      %mul3A_225 = arith.mulf %gather3A_75, %get3A_224 : vector<16xf32>
      %add3A_226 = arith.addf %mul3A_221, %mul3A_225 : vector<16xf32>
      %swap3A_227 = arith.index_cast %scan3A_72 : i32 to index
      %swap3A_228 = arith.constant 192 : index
      %swap3A_229 = tpu.vector_load %arg12[%swap3A_227, %swap3A_228] {strides = array<i32>} : memref<32x768xf32, #tpu.memory_space<vmem>>, vector<16xf32>,
      tpu.vector_store %arg12[%swap3A_227, %swap3A_228], %add3A_226 {strides = array<i32>} : memref<32x768xf32, #tpu.memory_space<vmem>>, vector<16xf32>,
      %get3A_230 = arith.index_cast %scan3A_72 : i32 to index
      %get3A_231 = arith.constant 208 : index
      %get3A_232 = tpu.vector_load %arg12[%get3A_230, %get3A_231] {strides = array<i32>} : memref<32x768xf32, #tpu.memory_space<vmem>>, vector<16xf32>,
      %mul3A_233 = arith.mulf %gather3A, %get3A_232 : vector<16xf32>
      %get3A_234 = arith.index_cast %scan3A_72 : i32 to index
      %get3A_235 = arith.constant 208 : index
      %get3A_236 = tpu.vector_load %arg14[%get3A_234, %get3A_235] {strides = array<i32>} : memref<32x768xf32, #tpu.memory_space<vmem>>, vector<16xf32>,
      %mul3A_237 = arith.mulf %gather3A_75, %get3A_236 : vector<16xf32>
      %add3A_238 = arith.addf %mul3A_233, %mul3A_237 : vector<16xf32>
      %swap3A_239 = arith.index_cast %scan3A_72 : i32 to index
      %swap3A_240 = arith.constant 208 : index
      %swap3A_241 = tpu.vector_load %arg12[%swap3A_239, %swap3A_240] {strides = array<i32>} : memref<32x768xf32, #tpu.memory_space<vmem>>, vector<16xf32>,
      tpu.vector_store %arg12[%swap3A_239, %swap3A_240], %add3A_238 {strides = array<i32>} : memref<32x768xf32, #tpu.memory_space<vmem>>, vector<16xf32>,
      %get3A_242 = arith.index_cast %scan3A_72 : i32 to index
      %get3A_243 = arith.constant 224 : index
      %get3A_244 = tpu.vector_load %arg12[%get3A_242, %get3A_243] {strides = array<i32>} : memref<32x768xf32, #tpu.memory_space<vmem>>, vector<16xf32>,
      %mul3A_245 = arith.mulf %gather3A, %get3A_244 : vector<16xf32>
      %get3A_246 = arith.index_cast %scan3A_72 : i32 to index
      %get3A_247 = arith.constant 224 : index
      %get3A_248 = tpu.vector_load %arg14[%get3A_246, %get3A_247] {strides = array<i32>} : memref<32x768xf32, #tpu.memory_space<vmem>>, vector<16xf32>,
      %mul3A_249 = arith.mulf %gather3A_75, %get3A_248 : vector<16xf32>
      %add3A_250 = arith.addf %mul3A_245, %mul3A_249 : vector<16xf32>
      %swap3A_251 = arith.index_cast %scan3A_72 : i32 to index
      %swap3A_252 = arith.constant 224 : index
      %swap3A_253 = tpu.vector_load %arg12[%swap3A_251, %swap3A_252] {strides = array<i32>} : memref<32x768xf32, #tpu.memory_space<vmem>>, vector<16xf32>,
      tpu.vector_store %arg12[%swap3A_251, %swap3A_252], %add3A_250 {strides = array<i32>} : memref<32x768xf32, #tpu.memory_space<vmem>>, vector<16xf32>,
      %get3A_254 = arith.index_cast %scan3A_72 : i32 to index
      %get3A_255 = arith.constant 240 : index
      %get3A_256 = tpu.vector_load %arg12[%get3A_254, %get3A_255] {strides = array<i32>} : memref<32x768xf32, #tpu.memory_space<vmem>>, vector<16xf32>,
      %mul3A_257 = arith.mulf %gather3A, %get3A_256 : vector<16xf32>
      %get3A_258 = arith.index_cast %scan3A_72 : i32 to index
      %get3A_259 = arith.constant 240 : index
      %get3A_260 = tpu.vector_load %arg14[%get3A_258, %get3A_259] {strides = array<i32>} : memref<32x768xf32, #tpu.memory_space<vmem>>, vector<16xf32>,
      %mul3A_261 = arith.mulf %gather3A_75, %get3A_260 : vector<16xf32>
      %add3A_262 = arith.addf %mul3A_257, %mul3A_261 : vector<16xf32>
      %swap3A_263 = arith.index_cast %scan3A_72 : i32 to index
      %swap3A_264 = arith.constant 240 : index
      %swap3A_265 = tpu.vector_load %arg12[%swap3A_263, %swap3A_264] {strides = array<i32>} : memref<32x768xf32, #tpu.memory_space<vmem>>, vector<16xf32>,
      tpu.vector_store %arg12[%swap3A_263, %swap3A_264], %add3A_262 {strides = array<i32>} : memref<32x768xf32, #tpu.memory_space<vmem>>, vector<16xf32>,
      %get3A_266 = arith.index_cast %scan3A_72 : i32 to index
      %get3A_267 = arith.constant 256 : index
      %get3A_268 = tpu.vector_load %arg12[%get3A_266, %get3A_267] {strides = array<i32>} : memref<32x768xf32, #tpu.memory_space<vmem>>, vector<16xf32>,
      %mul3A_269 = arith.mulf %gather3A, %get3A_268 : vector<16xf32>
      %get3A_270 = arith.index_cast %scan3A_72 : i32 to index
      %get3A_271 = arith.constant 256 : index
      %get3A_272 = tpu.vector_load %arg14[%get3A_270, %get3A_271] {strides = array<i32>} : memref<32x768xf32, #tpu.memory_space<vmem>>, vector<16xf32>,
      %mul3A_273 = arith.mulf %gather3A_75, %get3A_272 : vector<16xf32>
      %add3A_274 = arith.addf %mul3A_269, %mul3A_273 : vector<16xf32>
      %swap3A_275 = arith.index_cast %scan3A_72 : i32 to index
      %swap3A_276 = arith.constant 256 : index
      %swap3A_277 = tpu.vector_load %arg12[%swap3A_275, %swap3A_276] {strides = array<i32>} : memref<32x768xf32, #tpu.memory_space<vmem>>, vector<16xf32>,
      tpu.vector_store %arg12[%swap3A_275, %swap3A_276], %add3A_274 {strides = array<i32>} : memref<32x768xf32, #tpu.memory_space<vmem>>, vector<16xf32>,
      %get3A_278 = arith.index_cast %scan3A_72 : i32 to index
      %get3A_279 = arith.constant 272 : index
      %get3A_280 = tpu.vector_load %arg12[%get3A_278, %get3A_279] {strides = array<i32>} : memref<32x768xf32, #tpu.memory_space<vmem>>, vector<16xf32>,
      %mul3A_281 = arith.mulf %gather3A, %get3A_280 : vector<16xf32>
      %get3A_282 = arith.index_cast %scan3A_72 : i32 to index
      %get3A_283 = arith.constant 272 : index
      %get3A_284 = tpu.vector_load %arg14[%get3A_282, %get3A_283] {strides = array<i32>} : memref<32x768xf32, #tpu.memory_space<vmem>>, vector<16xf32>,
      %mul3A_285 = arith.mulf %gather3A_75, %get3A_284 : vector<16xf32>
      %add3A_286 = arith.addf %mul3A_281, %mul3A_285 : vector<16xf32>
      %swap3A_287 = arith.index_cast %scan3A_72 : i32 to index
      %swap3A_288 = arith.constant 272 : index
      %swap3A_289 = tpu.vector_load %arg12[%swap3A_287, %swap3A_288] {strides = array<i32>} : memref<32x768xf32, #tpu.memory_space<vmem>>, vector<16xf32>,
      tpu.vector_store %arg12[%swap3A_287, %swap3A_288], %add3A_286 {strides = array<i32>} : memref<32x768xf32, #tpu.memory_space<vmem>>, vector<16xf32>,
      %get3A_290 = arith.index_cast %scan3A_72 : i32 to index
      %get3A_291 = arith.constant 288 : index
      %get3A_292 = tpu.vector_load %arg12[%get3A_290, %get3A_291] {strides = array<i32>} : memref<32x768xf32, #tpu.memory_space<vmem>>, vector<16xf32>,
      %mul3A_293 = arith.mulf %gather3A, %get3A_292 : vector<16xf32>
      %get3A_294 = arith.index_cast %scan3A_72 : i32 to index
      %get3A_295 = arith.constant 288 : index
      %get3A_296 = tpu.vector_load %arg14[%get3A_294, %get3A_295] {strides = array<i32>} : memref<32x768xf32, #tpu.memory_space<vmem>>, vector<16xf32>,
      %mul3A_297 = arith.mulf %gather3A_75, %get3A_296 : vector<16xf32>
      %add3A_298 = arith.addf %mul3A_293, %mul3A_297 : vector<16xf32>
      %swap3A_299 = arith.index_cast %scan3A_72 : i32 to index
      %swap3A_300 = arith.constant 288 : index
      %swap3A_301 = tpu.vector_load %arg12[%swap3A_299, %swap3A_300] {strides = array<i32>} : memref<32x768xf32, #tpu.memory_space<vmem>>, vector<16xf32>,
      tpu.vector_store %arg12[%swap3A_299, %swap3A_300], %add3A_298 {strides = array<i32>} : memref<32x768xf32, #tpu.memory_space<vmem>>, vector<16xf32>,
      %get3A_302 = arith.index_cast %scan3A_72 : i32 to index
      %get3A_303 = arith.constant 304 : index
      %get3A_304 = tpu.vector_load %arg12[%get3A_302, %get3A_303] {strides = array<i32>} : memref<32x768xf32, #tpu.memory_space<vmem>>, vector<16xf32>,
      %mul3A_305 = arith.mulf %gather3A, %get3A_304 : vector<16xf32>
      %get3A_306 = arith.index_cast %scan3A_72 : i32 to index
      %get3A_307 = arith.constant 304 : index
      %get3A_308 = tpu.vector_load %arg14[%get3A_306, %get3A_307] {strides = array<i32>} : memref<32x768xf32, #tpu.memory_space<vmem>>, vector<16xf32>,
      %mul3A_309 = arith.mulf %gather3A_75, %get3A_308 : vector<16xf32>
      %add3A_310 = arith.addf %mul3A_305, %mul3A_309 : vector<16xf32>
      %swap3A_311 = arith.index_cast %scan3A_72 : i32 to index
      %swap3A_312 = arith.constant 304 : index
      %swap3A_313 = tpu.vector_load %arg12[%swap3A_311, %swap3A_312] {strides = array<i32>} : memref<32x768xf32, #tpu.memory_space<vmem>>, vector<16xf32>,
      tpu.vector_store %arg12[%swap3A_311, %swap3A_312], %add3A_310 {strides = array<i32>} : memref<32x768xf32, #tpu.memory_space<vmem>>, vector<16xf32>,
      %get3A_314 = arith.index_cast %scan3A_72 : i32 to index
      %get3A_315 = arith.constant 320 : index
      %get3A_316 = tpu.vector_load %arg12[%get3A_314, %get3A_315] {strides = array<i32>} : memref<32x768xf32, #tpu.memory_space<vmem>>, vector<16xf32>,
      %mul3A_317 = arith.mulf %gather3A, %get3A_316 : vector<16xf32>
      %get3A_318 = arith.index_cast %scan3A_72 : i32 to index
      %get3A_319 = arith.constant 320 : index
      %get3A_320 = tpu.vector_load %arg14[%get3A_318, %get3A_319] {strides = array<i32>} : memref<32x768xf32, #tpu.memory_space<vmem>>, vector<16xf32>,
      %mul3A_321 = arith.mulf %gather3A_75, %get3A_320 : vector<16xf32>
      %add3A_322 = arith.addf %mul3A_317, %mul3A_321 : vector<16xf32>
      %swap3A_323 = arith.index_cast %scan3A_72 : i32 to index
      %swap3A_324 = arith.constant 320 : index
      %swap3A_325 = tpu.vector_load %arg12[%swap3A_323, %swap3A_324] {strides = array<i32>} : memref<32x768xf32, #tpu.memory_space<vmem>>, vector<16xf32>,
      tpu.vector_store %arg12[%swap3A_323, %swap3A_324], %add3A_322 {strides = array<i32>} : memref<32x768xf32, #tpu.memory_space<vmem>>, vector<16xf32>,
      %get3A_326 = arith.index_cast %scan3A_72 : i32 to index
      %get3A_327 = arith.constant 336 : index
      %get3A_328 = tpu.vector_load %arg12[%get3A_326, %get3A_327] {strides = array<i32>} : memref<32x768xf32, #tpu.memory_space<vmem>>, vector<16xf32>,
      %mul3A_329 = arith.mulf %gather3A, %get3A_328 : vector<16xf32>
      %get3A_330 = arith.index_cast %scan3A_72 : i32 to index
      %get3A_331 = arith.constant 336 : index
      %get3A_332 = tpu.vector_load %arg14[%get3A_330, %get3A_331] {strides = array<i32>} : memref<32x768xf32, #tpu.memory_space<vmem>>, vector<16xf32>,
      %mul3A_333 = arith.mulf %gather3A_75, %get3A_332 : vector<16xf32>
      %add3A_334 = arith.addf %mul3A_329, %mul3A_333 : vector<16xf32>
      %swap3A_335 = arith.index_cast %scan3A_72 : i32 to index
      %swap3A_336 = arith.constant 336 : index
      %swap3A_337 = tpu.vector_load %arg12[%swap3A_335, %swap3A_336] {strides = array<i32>} : memref<32x768xf32, #tpu.memory_space<vmem>>, vector<16xf32>,
      tpu.vector_store %arg12[%swap3A_335, %swap3A_336], %add3A_334 {strides = array<i32>} : memref<32x768xf32, #tpu.memory_space<vmem>>, vector<16xf32>,
      %get3A_338 = arith.index_cast %scan3A_72 : i32 to index
      %get3A_339 = arith.constant 352 : index
      %get3A_340 = tpu.vector_load %arg12[%get3A_338, %get3A_339] {strides = array<i32>} : memref<32x768xf32, #tpu.memory_space<vmem>>, vector<16xf32>,
      %mul3A_341 = arith.mulf %gather3A, %get3A_340 : vector<16xf32>
      %get3A_342 = arith.index_cast %scan3A_72 : i32 to index
      %get3A_343 = arith.constant 352 : index
      %get3A_344 = tpu.vector_load %arg14[%get3A_342, %get3A_343] {strides = array<i32>} : memref<32x768xf32, #tpu.memory_space<vmem>>, vector<16xf32>,
      %mul3A_345 = arith.mulf %gather3A_75, %get3A_344 : vector<16xf32>
      %add3A_346 = arith.addf %mul3A_341, %mul3A_345 : vector<16xf32>
      %swap3A_347 = arith.index_cast %scan3A_72 : i32 to index
      %swap3A_348 = arith.constant 352 : index
      %swap3A_349 = tpu.vector_load %arg12[%swap3A_347, %swap3A_348] {strides = array<i32>} : memref<32x768xf32, #tpu.memory_space<vmem>>, vector<16xf32>,
      tpu.vector_store %arg12[%swap3A_347, %swap3A_348], %add3A_346 {strides = array<i32>} : memref<32x768xf32, #tpu.memory_space<vmem>>, vector<16xf32>,
      %get3A_350 = arith.index_cast %scan3A_72 : i32 to index
      %get3A_351 = arith.constant 368 : index
      %get3A_352 = tpu.vector_load %arg12[%get3A_350, %get3A_351] {strides = array<i32>} : memref<32x768xf32, #tpu.memory_space<vmem>>, vector<16xf32>,
      %mul3A_353 = arith.mulf %gather3A, %get3A_352 : vector<16xf32>
      %get3A_354 = arith.index_cast %scan3A_72 : i32 to index
      %get3A_355 = arith.constant 368 : index
      %get3A_356 = tpu.vector_load %arg14[%get3A_354, %get3A_355] {strides = array<i32>} : memref<32x768xf32, #tpu.memory_space<vmem>>, vector<16xf32>,
      %mul3A_357 = arith.mulf %gather3A_75, %get3A_356 : vector<16xf32>
      %add3A_358 = arith.addf %mul3A_353, %mul3A_357 : vector<16xf32>
      %swap3A_359 = arith.index_cast %scan3A_72 : i32 to index
      %swap3A_360 = arith.constant 368 : index
      %swap3A_361 = tpu.vector_load %arg12[%swap3A_359, %swap3A_360] {strides = array<i32>} : memref<32x768xf32, #tpu.memory_space<vmem>>, vector<16xf32>,
      tpu.vector_store %arg12[%swap3A_359, %swap3A_360], %add3A_358 {strides = array<i32>} : memref<32x768xf32, #tpu.memory_space<vmem>>, vector<16xf32>,
      %get3A_362 = arith.index_cast %scan3A_72 : i32 to index
      %get3A_363 = arith.constant 384 : index
      %get3A_364 = tpu.vector_load %arg12[%get3A_362, %get3A_363] {strides = array<i32>} : memref<32x768xf32, #tpu.memory_space<vmem>>, vector<16xf32>,
      %mul3A_365 = arith.mulf %gather3A, %get3A_364 : vector<16xf32>
      %get3A_366 = arith.index_cast %scan3A_72 : i32 to index
      %get3A_367 = arith.constant 384 : index
      %get3A_368 = tpu.vector_load %arg14[%get3A_366, %get3A_367] {strides = array<i32>} : memref<32x768xf32, #tpu.memory_space<vmem>>, vector<16xf32>,
      %mul3A_369 = arith.mulf %gather3A_75, %get3A_368 : vector<16xf32>
      %add3A_370 = arith.addf %mul3A_365, %mul3A_369 : vector<16xf32>
      %swap3A_371 = arith.index_cast %scan3A_72 : i32 to index
      %swap3A_372 = arith.constant 384 : index
      %swap3A_373 = tpu.vector_load %arg12[%swap3A_371, %swap3A_372] {strides = array<i32>} : memref<32x768xf32, #tpu.memory_space<vmem>>, vector<16xf32>,
      tpu.vector_store %arg12[%swap3A_371, %swap3A_372], %add3A_370 {strides = array<i32>} : memref<32x768xf32, #tpu.memory_space<vmem>>, vector<16xf32>,
      %get3A_374 = arith.index_cast %scan3A_72 : i32 to index
      %get3A_375 = arith.constant 400 : index
      %get3A_376 = tpu.vector_load %arg12[%get3A_374, %get3A_375] {strides = array<i32>} : memref<32x768xf32, #tpu.memory_space<vmem>>, vector<16xf32>,
      %mul3A_377 = arith.mulf %gather3A, %get3A_376 : vector<16xf32>
      %get3A_378 = arith.index_cast %scan3A_72 : i32 to index
      %get3A_379 = arith.constant 400 : index
      %get3A_380 = tpu.vector_load %arg14[%get3A_378, %get3A_379] {strides = array<i32>} : memref<32x768xf32, #tpu.memory_space<vmem>>, vector<16xf32>,
      %mul3A_381 = arith.mulf %gather3A_75, %get3A_380 : vector<16xf32>
      %add3A_382 = arith.addf %mul3A_377, %mul3A_381 : vector<16xf32>
      %swap3A_383 = arith.index_cast %scan3A_72 : i32 to index
      %swap3A_384 = arith.constant 400 : index
      %swap3A_385 = tpu.vector_load %arg12[%swap3A_383, %swap3A_384] {strides = array<i32>} : memref<32x768xf32, #tpu.memory_space<vmem>>, vector<16xf32>,
      tpu.vector_store %arg12[%swap3A_383, %swap3A_384], %add3A_382 {strides = array<i32>} : memref<32x768xf32, #tpu.memory_space<vmem>>, vector<16xf32>,
      %get3A_386 = arith.index_cast %scan3A_72 : i32 to index
      %get3A_387 = arith.constant 416 : index
      %get3A_388 = tpu.vector_load %arg12[%get3A_386, %get3A_387] {strides = array<i32>} : memref<32x768xf32, #tpu.memory_space<vmem>>, vector<16xf32>,
      %mul3A_389 = arith.mulf %gather3A, %get3A_388 : vector<16xf32>
      %get3A_390 = arith.index_cast %scan3A_72 : i32 to index
      %get3A_391 = arith.constant 416 : index
      %get3A_392 = tpu.vector_load %arg14[%get3A_390, %get3A_391] {strides = array<i32>} : memref<32x768xf32, #tpu.memory_space<vmem>>, vector<16xf32>,
      %mul3A_393 = arith.mulf %gather3A_75, %get3A_392 : vector<16xf32>
      %add3A_394 = arith.addf %mul3A_389, %mul3A_393 : vector<16xf32>
      %swap3A_395 = arith.index_cast %scan3A_72 : i32 to index
      %swap3A_396 = arith.constant 416 : index
      %swap3A_397 = tpu.vector_load %arg12[%swap3A_395, %swap3A_396] {strides = array<i32>} : memref<32x768xf32, #tpu.memory_space<vmem>>, vector<16xf32>,
      tpu.vector_store %arg12[%swap3A_395, %swap3A_396], %add3A_394 {strides = array<i32>} : memref<32x768xf32, #tpu.memory_space<vmem>>, vector<16xf32>,
      %get3A_398 = arith.index_cast %scan3A_72 : i32 to index
      %get3A_399 = arith.constant 432 : index
      %get3A_400 = tpu.vector_load %arg12[%get3A_398, %get3A_399] {strides = array<i32>} : memref<32x768xf32, #tpu.memory_space<vmem>>, vector<16xf32>,
      %mul3A_401 = arith.mulf %gather3A, %get3A_400 : vector<16xf32>
      %get3A_402 = arith.index_cast %scan3A_72 : i32 to index
      %get3A_403 = arith.constant 432 : index
      %get3A_404 = tpu.vector_load %arg14[%get3A_402, %get3A_403] {strides = array<i32>} : memref<32x768xf32, #tpu.memory_space<vmem>>, vector<16xf32>,
      %mul3A_405 = arith.mulf %gather3A_75, %get3A_404 : vector<16xf32>
      %add3A_406 = arith.addf %mul3A_401, %mul3A_405 : vector<16xf32>
      %swap3A_407 = arith.index_cast %scan3A_72 : i32 to index
      %swap3A_408 = arith.constant 432 : index
      %swap3A_409 = tpu.vector_load %arg12[%swap3A_407, %swap3A_408] {strides = array<i32>} : memref<32x768xf32, #tpu.memory_space<vmem>>, vector<16xf32>,
      tpu.vector_store %arg12[%swap3A_407, %swap3A_408], %add3A_406 {strides = array<i32>} : memref<32x768xf32, #tpu.memory_space<vmem>>, vector<16xf32>,
      %get3A_410 = arith.index_cast %scan3A_72 : i32 to index
      %get3A_411 = arith.constant 448 : index
      %get3A_412 = tpu.vector_load %arg12[%get3A_410, %get3A_411] {strides = array<i32>} : memref<32x768xf32, #tpu.memory_space<vmem>>, vector<16xf32>,
      %mul3A_413 = arith.mulf %gather3A, %get3A_412 : vector<16xf32>
      %get3A_414 = arith.index_cast %scan3A_72 : i32 to index
      %get3A_415 = arith.constant 448 : index
      %get3A_416 = tpu.vector_load %arg14[%get3A_414, %get3A_415] {strides = array<i32>} : memref<32x768xf32, #tpu.memory_space<vmem>>, vector<16xf32>,
      %mul3A_417 = arith.mulf %gather3A_75, %get3A_416 : vector<16xf32>
      %add3A_418 = arith.addf %mul3A_413, %mul3A_417 : vector<16xf32>
      %swap3A_419 = arith.index_cast %scan3A_72 : i32 to index
      %swap3A_420 = arith.constant 448 : index
      %swap3A_421 = tpu.vector_load %arg12[%swap3A_419, %swap3A_420] {strides = array<i32>} : memref<32x768xf32, #tpu.memory_space<vmem>>, vector<16xf32>,
      tpu.vector_store %arg12[%swap3A_419, %swap3A_420], %add3A_418 {strides = array<i32>} : memref<32x768xf32, #tpu.memory_space<vmem>>, vector<16xf32>,
      %get3A_422 = arith.index_cast %scan3A_72 : i32 to index
      %get3A_423 = arith.constant 464 : index
      %get3A_424 = tpu.vector_load %arg12[%get3A_422, %get3A_423] {strides = array<i32>} : memref<32x768xf32, #tpu.memory_space<vmem>>, vector<16xf32>,
      %mul3A_425 = arith.mulf %gather3A, %get3A_424 : vector<16xf32>
      %get3A_426 = arith.index_cast %scan3A_72 : i32 to index
      %get3A_427 = arith.constant 464 : index
      %get3A_428 = tpu.vector_load %arg14[%get3A_426, %get3A_427] {strides = array<i32>} : memref<32x768xf32, #tpu.memory_space<vmem>>, vector<16xf32>,
      %mul3A_429 = arith.mulf %gather3A_75, %get3A_428 : vector<16xf32>
      %add3A_430 = arith.addf %mul3A_425, %mul3A_429 : vector<16xf32>
      %swap3A_431 = arith.index_cast %scan3A_72 : i32 to index
      %swap3A_432 = arith.constant 464 : index
      %swap3A_433 = tpu.vector_load %arg12[%swap3A_431, %swap3A_432] {strides = array<i32>} : memref<32x768xf32, #tpu.memory_space<vmem>>, vector<16xf32>,
      tpu.vector_store %arg12[%swap3A_431, %swap3A_432], %add3A_430 {strides = array<i32>} : memref<32x768xf32, #tpu.memory_space<vmem>>, vector<16xf32>,
      %get3A_434 = arith.index_cast %scan3A_72 : i32 to index
      %get3A_435 = arith.constant 480 : index
      %get3A_436 = tpu.vector_load %arg12[%get3A_434, %get3A_435] {strides = array<i32>} : memref<32x768xf32, #tpu.memory_space<vmem>>, vector<16xf32>,
      %mul3A_437 = arith.mulf %gather3A, %get3A_436 : vector<16xf32>
      %get3A_438 = arith.index_cast %scan3A_72 : i32 to index
      %get3A_439 = arith.constant 480 : index
      %get3A_440 = tpu.vector_load %arg14[%get3A_438, %get3A_439] {strides = array<i32>} : memref<32x768xf32, #tpu.memory_space<vmem>>, vector<16xf32>,
      %mul3A_441 = arith.mulf %gather3A_75, %get3A_440 : vector<16xf32>
      %add3A_442 = arith.addf %mul3A_437, %mul3A_441 : vector<16xf32>
      %swap3A_443 = arith.index_cast %scan3A_72 : i32 to index
      %swap3A_444 = arith.constant 480 : index
      %swap3A_445 = tpu.vector_load %arg12[%swap3A_443, %swap3A_444] {strides = array<i32>} : memref<32x768xf32, #tpu.memory_space<vmem>>, vector<16xf32>,
      tpu.vector_store %arg12[%swap3A_443, %swap3A_444], %add3A_442 {strides = array<i32>} : memref<32x768xf32, #tpu.memory_space<vmem>>, vector<16xf32>,
      %get3A_446 = arith.index_cast %scan3A_72 : i32 to index
      %get3A_447 = arith.constant 496 : index
      %get3A_448 = tpu.vector_load %arg12[%get3A_446, %get3A_447] {strides = array<i32>} : memref<32x768xf32, #tpu.memory_space<vmem>>, vector<16xf32>,
      %mul3A_449 = arith.mulf %gather3A, %get3A_448 : vector<16xf32>
      %get3A_450 = arith.index_cast %scan3A_72 : i32 to index
      %get3A_451 = arith.constant 496 : index
      %get3A_452 = tpu.vector_load %arg14[%get3A_450, %get3A_451] {strides = array<i32>} : memref<32x768xf32, #tpu.memory_space<vmem>>, vector<16xf32>,
      %mul3A_453 = arith.mulf %gather3A_75, %get3A_452 : vector<16xf32>
      %add3A_454 = arith.addf %mul3A_449, %mul3A_453 : vector<16xf32>
      %swap3A_455 = arith.index_cast %scan3A_72 : i32 to index
      %swap3A_456 = arith.constant 496 : index
      %swap3A_457 = tpu.vector_load %arg12[%swap3A_455, %swap3A_456] {strides = array<i32>} : memref<32x768xf32, #tpu.memory_space<vmem>>, vector<16xf32>,
      tpu.vector_store %arg12[%swap3A_455, %swap3A_456], %add3A_454 {strides = array<i32>} : memref<32x768xf32, #tpu.memory_space<vmem>>, vector<16xf32>,
      %get3A_458 = arith.index_cast %scan3A_72 : i32 to index
      %get3A_459 = arith.constant 512 : index
      %get3A_460 = tpu.vector_load %arg12[%get3A_458, %get3A_459] {strides = array<i32>} : memref<32x768xf32, #tpu.memory_space<vmem>>, vector<16xf32>,
      %mul3A_461 = arith.mulf %gather3A, %get3A_460 : vector<16xf32>
      %get3A_462 = arith.index_cast %scan3A_72 : i32 to index
      %get3A_463 = arith.constant 512 : index
      %get3A_464 = tpu.vector_load %arg14[%get3A_462, %get3A_463] {strides = array<i32>} : memref<32x768xf32, #tpu.memory_space<vmem>>, vector<16xf32>,
      %mul3A_465 = arith.mulf %gather3A_75, %get3A_464 : vector<16xf32>
      %add3A_466 = arith.addf %mul3A_461, %mul3A_465 : vector<16xf32>
      %swap3A_467 = arith.index_cast %scan3A_72 : i32 to index
      %swap3A_468 = arith.constant 512 : index
      %swap3A_469 = tpu.vector_load %arg12[%swap3A_467, %swap3A_468] {strides = array<i32>} : memref<32x768xf32, #tpu.memory_space<vmem>>, vector<16xf32>,
      tpu.vector_store %arg12[%swap3A_467, %swap3A_468], %add3A_466 {strides = array<i32>} : memref<32x768xf32, #tpu.memory_space<vmem>>, vector<16xf32>,
      %get3A_470 = arith.index_cast %scan3A_72 : i32 to index
      %get3A_471 = arith.constant 528 : index
      %get3A_472 = tpu.vector_load %arg12[%get3A_470, %get3A_471] {strides = array<i32>} : memref<32x768xf32, #tpu.memory_space<vmem>>, vector<16xf32>,
      %mul3A_473 = arith.mulf %gather3A, %get3A_472 : vector<16xf32>
      %get3A_474 = arith.index_cast %scan3A_72 : i32 to index
      %get3A_475 = arith.constant 528 : index
      %get3A_476 = tpu.vector_load %arg14[%get3A_474, %get3A_475] {strides = array<i32>} : memref<32x768xf32, #tpu.memory_space<vmem>>, vector<16xf32>,
      %mul3A_477 = arith.mulf %gather3A_75, %get3A_476 : vector<16xf32>
      %add3A_478 = arith.addf %mul3A_473, %mul3A_477 : vector<16xf32>
      %swap3A_479 = arith.index_cast %scan3A_72 : i32 to index
      %swap3A_480 = arith.constant 528 : index
      %swap3A_481 = tpu.vector_load %arg12[%swap3A_479, %swap3A_480] {strides = array<i32>} : memref<32x768xf32, #tpu.memory_space<vmem>>, vector<16xf32>,
      tpu.vector_store %arg12[%swap3A_479, %swap3A_480], %add3A_478 {strides = array<i32>} : memref<32x768xf32, #tpu.memory_space<vmem>>, vector<16xf32>,
      %get3A_482 = arith.index_cast %scan3A_72 : i32 to index
      %get3A_483 = arith.constant 544 : index
      %get3A_484 = tpu.vector_load %arg12[%get3A_482, %get3A_483] {strides = array<i32>} : memref<32x768xf32, #tpu.memory_space<vmem>>, vector<16xf32>,
      %mul3A_485 = arith.mulf %gather3A, %get3A_484 : vector<16xf32>
      %get3A_486 = arith.index_cast %scan3A_72 : i32 to index
      %get3A_487 = arith.constant 544 : index
      %get3A_488 = tpu.vector_load %arg14[%get3A_486, %get3A_487] {strides = array<i32>} : memref<32x768xf32, #tpu.memory_space<vmem>>, vector<16xf32>,
      %mul3A_489 = arith.mulf %gather3A_75, %get3A_488 : vector<16xf32>
      %add3A_490 = arith.addf %mul3A_485, %mul3A_489 : vector<16xf32>
      %swap3A_491 = arith.index_cast %scan3A_72 : i32 to index
      %swap3A_492 = arith.constant 544 : index
      %swap3A_493 = tpu.vector_load %arg12[%swap3A_491, %swap3A_492] {strides = array<i32>} : memref<32x768xf32, #tpu.memory_space<vmem>>, vector<16xf32>,
      tpu.vector_store %arg12[%swap3A_491, %swap3A_492], %add3A_490 {strides = array<i32>} : memref<32x768xf32, #tpu.memory_space<vmem>>, vector<16xf32>,
      %get3A_494 = arith.index_cast %scan3A_72 : i32 to index
      %get3A_495 = arith.constant 560 : index
      %get3A_496 = tpu.vector_load %arg12[%get3A_494, %get3A_495] {strides = array<i32>} : memref<32x768xf32, #tpu.memory_space<vmem>>, vector<16xf32>,
      %mul3A_497 = arith.mulf %gather3A, %get3A_496 : vector<16xf32>
      %get3A_498 = arith.index_cast %scan3A_72 : i32 to index
      %get3A_499 = arith.constant 560 : index
      %get3A_500 = tpu.vector_load %arg14[%get3A_498, %get3A_499] {strides = array<i32>} : memref<32x768xf32, #tpu.memory_space<vmem>>, vector<16xf32>,
      %mul3A_501 = arith.mulf %gather3A_75, %get3A_500 : vector<16xf32>
      %add3A_502 = arith.addf %mul3A_497, %mul3A_501 : vector<16xf32>
      %swap3A_503 = arith.index_cast %scan3A_72 : i32 to index
      %swap3A_504 = arith.constant 560 : index
      %swap3A_505 = tpu.vector_load %arg12[%swap3A_503, %swap3A_504] {strides = array<i32>} : memref<32x768xf32, #tpu.memory_space<vmem>>, vector<16xf32>,
      tpu.vector_store %arg12[%swap3A_503, %swap3A_504], %add3A_502 {strides = array<i32>} : memref<32x768xf32, #tpu.memory_space<vmem>>, vector<16xf32>,
      %get3A_506 = arith.index_cast %scan3A_72 : i32 to index
      %get3A_507 = arith.constant 576 : index
      %get3A_508 = tpu.vector_load %arg12[%get3A_506, %get3A_507] {strides = array<i32>} : memref<32x768xf32, #tpu.memory_space<vmem>>, vector<16xf32>,
      %mul3A_509 = arith.mulf %gather3A, %get3A_508 : vector<16xf32>
      %get3A_510 = arith.index_cast %scan3A_72 : i32 to index
      %get3A_511 = arith.constant 576 : index
      %get3A_512 = tpu.vector_load %arg14[%get3A_510, %get3A_511] {strides = array<i32>} : memref<32x768xf32, #tpu.memory_space<vmem>>, vector<16xf32>,
      %mul3A_513 = arith.mulf %gather3A_75, %get3A_512 : vector<16xf32>
      %add3A_514 = arith.addf %mul3A_509, %mul3A_513 : vector<16xf32>
      %swap3A_515 = arith.index_cast %scan3A_72 : i32 to index
      %swap3A_516 = arith.constant 576 : index
      %swap3A_517 = tpu.vector_load %arg12[%swap3A_515, %swap3A_516] {strides = array<i32>} : memref<32x768xf32, #tpu.memory_space<vmem>>, vector<16xf32>,
      tpu.vector_store %arg12[%swap3A_515, %swap3A_516], %add3A_514 {strides = array<i32>} : memref<32x768xf32, #tpu.memory_space<vmem>>, vector<16xf32>,
      %get3A_518 = arith.index_cast %scan3A_72 : i32 to index
      %get3A_519 = arith.constant 592 : index
      %get3A_520 = tpu.vector_load %arg12[%get3A_518, %get3A_519] {strides = array<i32>} : memref<32x768xf32, #tpu.memory_space<vmem>>, vector<16xf32>,
      %mul3A_521 = arith.mulf %gather3A, %get3A_520 : vector<16xf32>
      %get3A_522 = arith.index_cast %scan3A_72 : i32 to index
      %get3A_523 = arith.constant 592 : index
      %get3A_524 = tpu.vector_load %arg14[%get3A_522, %get3A_523] {strides = array<i32>} : memref<32x768xf32, #tpu.memory_space<vmem>>, vector<16xf32>,
      %mul3A_525 = arith.mulf %gather3A_75, %get3A_524 : vector<16xf32>
      %add3A_526 = arith.addf %mul3A_521, %mul3A_525 : vector<16xf32>
      %swap3A_527 = arith.index_cast %scan3A_72 : i32 to index
      %swap3A_528 = arith.constant 592 : index
      %swap3A_529 = tpu.vector_load %arg12[%swap3A_527, %swap3A_528] {strides = array<i32>} : memref<32x768xf32, #tpu.memory_space<vmem>>, vector<16xf32>,
      tpu.vector_store %arg12[%swap3A_527, %swap3A_528], %add3A_526 {strides = array<i32>} : memref<32x768xf32, #tpu.memory_space<vmem>>, vector<16xf32>,
      %get3A_530 = arith.index_cast %scan3A_72 : i32 to index
      %get3A_531 = arith.constant 608 : index
      %get3A_532 = tpu.vector_load %arg12[%get3A_530, %get3A_531] {strides = array<i32>} : memref<32x768xf32, #tpu.memory_space<vmem>>, vector<16xf32>,
      %mul3A_533 = arith.mulf %gather3A, %get3A_532 : vector<16xf32>
      %get3A_534 = arith.index_cast %scan3A_72 : i32 to index
      %get3A_535 = arith.constant 608 : index
      %get3A_536 = tpu.vector_load %arg14[%get3A_534, %get3A_535] {strides = array<i32>} : memref<32x768xf32, #tpu.memory_space<vmem>>, vector<16xf32>,
      %mul3A_537 = arith.mulf %gather3A_75, %get3A_536 : vector<16xf32>
      %add3A_538 = arith.addf %mul3A_533, %mul3A_537 : vector<16xf32>
      %swap3A_539 = arith.index_cast %scan3A_72 : i32 to index
      %swap3A_540 = arith.constant 608 : index
      %swap3A_541 = tpu.vector_load %arg12[%swap3A_539, %swap3A_540] {strides = array<i32>} : memref<32x768xf32, #tpu.memory_space<vmem>>, vector<16xf32>,
      tpu.vector_store %arg12[%swap3A_539, %swap3A_540], %add3A_538 {strides = array<i32>} : memref<32x768xf32, #tpu.memory_space<vmem>>, vector<16xf32>,
      %get3A_542 = arith.index_cast %scan3A_72 : i32 to index
      %get3A_543 = arith.constant 624 : index
      %get3A_544 = tpu.vector_load %arg12[%get3A_542, %get3A_543] {strides = array<i32>} : memref<32x768xf32, #tpu.memory_space<vmem>>, vector<16xf32>,
      %mul3A_545 = arith.mulf %gather3A, %get3A_544 : vector<16xf32>
      %get3A_546 = arith.index_cast %scan3A_72 : i32 to index
      %get3A_547 = arith.constant 624 : index
      %get3A_548 = tpu.vector_load %arg14[%get3A_546, %get3A_547] {strides = array<i32>} : memref<32x768xf32, #tpu.memory_space<vmem>>, vector<16xf32>,
      %mul3A_549 = arith.mulf %gather3A_75, %get3A_548 : vector<16xf32>
      %add3A_550 = arith.addf %mul3A_545, %mul3A_549 : vector<16xf32>
      %swap3A_551 = arith.index_cast %scan3A_72 : i32 to index
      %swap3A_552 = arith.constant 624 : index
      %swap3A_553 = tpu.vector_load %arg12[%swap3A_551, %swap3A_552] {strides = array<i32>} : memref<32x768xf32, #tpu.memory_space<vmem>>, vector<16xf32>,
      tpu.vector_store %arg12[%swap3A_551, %swap3A_552], %add3A_550 {strides = array<i32>} : memref<32x768xf32, #tpu.memory_space<vmem>>, vector<16xf32>,
      %get3A_554 = arith.index_cast %scan3A_72 : i32 to index
      %get3A_555 = arith.constant 640 : index
      %get3A_556 = tpu.vector_load %arg12[%get3A_554, %get3A_555] {strides = array<i32>} : memref<32x768xf32, #tpu.memory_space<vmem>>, vector<16xf32>,
      %mul3A_557 = arith.mulf %gather3A, %get3A_556 : vector<16xf32>
      %get3A_558 = arith.index_cast %scan3A_72 : i32 to index
      %get3A_559 = arith.constant 640 : index
      %get3A_560 = tpu.vector_load %arg14[%get3A_558, %get3A_559] {strides = array<i32>} : memref<32x768xf32, #tpu.memory_space<vmem>>, vector<16xf32>,
      %mul3A_561 = arith.mulf %gather3A_75, %get3A_560 : vector<16xf32>
      %add3A_562 = arith.addf %mul3A_557, %mul3A_561 : vector<16xf32>
      %swap3A_563 = arith.index_cast %scan3A_72 : i32 to index
      %swap3A_564 = arith.constant 640 : index
      %swap3A_565 = tpu.vector_load %arg12[%swap3A_563, %swap3A_564] {strides = array<i32>} : memref<32x768xf32, #tpu.memory_space<vmem>>, vector<16xf32>,
      tpu.vector_store %arg12[%swap3A_563, %swap3A_564], %add3A_562 {strides = array<i32>} : memref<32x768xf32, #tpu.memory_space<vmem>>, vector<16xf32>,
      %get3A_566 = arith.index_cast %scan3A_72 : i32 to index
      %get3A_567 = arith.constant 656 : index
      %get3A_568 = tpu.vector_load %arg12[%get3A_566, %get3A_567] {strides = array<i32>} : memref<32x768xf32, #tpu.memory_space<vmem>>, vector<16xf32>,
      %mul3A_569 = arith.mulf %gather3A, %get3A_568 : vector<16xf32>
      %get3A_570 = arith.index_cast %scan3A_72 : i32 to index
      %get3A_571 = arith.constant 656 : index
      %get3A_572 = tpu.vector_load %arg14[%get3A_570, %get3A_571] {strides = array<i32>} : memref<32x768xf32, #tpu.memory_space<vmem>>, vector<16xf32>,
      %mul3A_573 = arith.mulf %gather3A_75, %get3A_572 : vector<16xf32>
      %add3A_574 = arith.addf %mul3A_569, %mul3A_573 : vector<16xf32>
      %swap3A_575 = arith.index_cast %scan3A_72 : i32 to index
      %swap3A_576 = arith.constant 656 : index
      %swap3A_577 = tpu.vector_load %arg12[%swap3A_575, %swap3A_576] {strides = array<i32>} : memref<32x768xf32, #tpu.memory_space<vmem>>, vector<16xf32>,
      tpu.vector_store %arg12[%swap3A_575, %swap3A_576], %add3A_574 {strides = array<i32>} : memref<32x768xf32, #tpu.memory_space<vmem>>, vector<16xf32>,
      %get3A_578 = arith.index_cast %scan3A_72 : i32 to index
      %get3A_579 = arith.constant 672 : index
      %get3A_580 = tpu.vector_load %arg12[%get3A_578, %get3A_579] {strides = array<i32>} : memref<32x768xf32, #tpu.memory_space<vmem>>, vector<16xf32>,
      %mul3A_581 = arith.mulf %gather3A, %get3A_580 : vector<16xf32>
      %get3A_582 = arith.index_cast %scan3A_72 : i32 to index
      %get3A_583 = arith.constant 672 : index
      %get3A_584 = tpu.vector_load %arg14[%get3A_582, %get3A_583] {strides = array<i32>} : memref<32x768xf32, #tpu.memory_space<vmem>>, vector<16xf32>,
      %mul3A_585 = arith.mulf %gather3A_75, %get3A_584 : vector<16xf32>
      %add3A_586 = arith.addf %mul3A_581, %mul3A_585 : vector<16xf32>
      %swap3A_587 = arith.index_cast %scan3A_72 : i32 to index
      %swap3A_588 = arith.constant 672 : index
      %swap3A_589 = tpu.vector_load %arg12[%swap3A_587, %swap3A_588] {strides = array<i32>} : memref<32x768xf32, #tpu.memory_space<vmem>>, vector<16xf32>,
      tpu.vector_store %arg12[%swap3A_587, %swap3A_588], %add3A_586 {strides = array<i32>} : memref<32x768xf32, #tpu.memory_space<vmem>>, vector<16xf32>,
      %get3A_590 = arith.index_cast %scan3A_72 : i32 to index
      %get3A_591 = arith.constant 688 : index
      %get3A_592 = tpu.vector_load %arg12[%get3A_590, %get3A_591] {strides = array<i32>} : memref<32x768xf32, #tpu.memory_space<vmem>>, vector<16xf32>,
      %mul3A_593 = arith.mulf %gather3A, %get3A_592 : vector<16xf32>
      %get3A_594 = arith.index_cast %scan3A_72 : i32 to index
      %get3A_595 = arith.constant 688 : index
      %get3A_596 = tpu.vector_load %arg14[%get3A_594, %get3A_595] {strides = array<i32>} : memref<32x768xf32, #tpu.memory_space<vmem>>, vector<16xf32>,
      %mul3A_597 = arith.mulf %gather3A_75, %get3A_596 : vector<16xf32>
      %add3A_598 = arith.addf %mul3A_593, %mul3A_597 : vector<16xf32>
      %swap3A_599 = arith.index_cast %scan3A_72 : i32 to index
      %swap3A_600 = arith.constant 688 : index
      %swap3A_601 = tpu.vector_load %arg12[%swap3A_599, %swap3A_600] {strides = array<i32>} : memref<32x768xf32, #tpu.memory_space<vmem>>, vector<16xf32>,
      tpu.vector_store %arg12[%swap3A_599, %swap3A_600], %add3A_598 {strides = array<i32>} : memref<32x768xf32, #tpu.memory_space<vmem>>, vector<16xf32>,
      %get3A_602 = arith.index_cast %scan3A_72 : i32 to index
      %get3A_603 = arith.constant 704 : index
      %get3A_604 = tpu.vector_load %arg12[%get3A_602, %get3A_603] {strides = array<i32>} : memref<32x768xf32, #tpu.memory_space<vmem>>, vector<16xf32>,
      %mul3A_605 = arith.mulf %gather3A, %get3A_604 : vector<16xf32>
      %get3A_606 = arith.index_cast %scan3A_72 : i32 to index
      %get3A_607 = arith.constant 704 : index
      %get3A_608 = tpu.vector_load %arg14[%get3A_606, %get3A_607] {strides = array<i32>} : memref<32x768xf32, #tpu.memory_space<vmem>>, vector<16xf32>,
      %mul3A_609 = arith.mulf %gather3A_75, %get3A_608 : vector<16xf32>
      %add3A_610 = arith.addf %mul3A_605, %mul3A_609 : vector<16xf32>
      %swap3A_611 = arith.index_cast %scan3A_72 : i32 to index
      %swap3A_612 = arith.constant 704 : index
      %swap3A_613 = tpu.vector_load %arg12[%swap3A_611, %swap3A_612] {strides = array<i32>} : memref<32x768xf32, #tpu.memory_space<vmem>>, vector<16xf32>,
      tpu.vector_store %arg12[%swap3A_611, %swap3A_612], %add3A_610 {strides = array<i32>} : memref<32x768xf32, #tpu.memory_space<vmem>>, vector<16xf32>,
      %get3A_614 = arith.index_cast %scan3A_72 : i32 to index
      %get3A_615 = arith.constant 720 : index
      %get3A_616 = tpu.vector_load %arg12[%get3A_614, %get3A_615] {strides = array<i32>} : memref<32x768xf32, #tpu.memory_space<vmem>>, vector<16xf32>,
      %mul3A_617 = arith.mulf %gather3A, %get3A_616 : vector<16xf32>
      %get3A_618 = arith.index_cast %scan3A_72 : i32 to index
      %get3A_619 = arith.constant 720 : index
      %get3A_620 = tpu.vector_load %arg14[%get3A_618, %get3A_619] {strides = array<i32>} : memref<32x768xf32, #tpu.memory_space<vmem>>, vector<16xf32>,
      %mul3A_621 = arith.mulf %gather3A_75, %get3A_620 : vector<16xf32>
      %add3A_622 = arith.addf %mul3A_617, %mul3A_621 : vector<16xf32>
      %swap3A_623 = arith.index_cast %scan3A_72 : i32 to index
      %swap3A_624 = arith.constant 720 : index
      %swap3A_625 = tpu.vector_load %arg12[%swap3A_623, %swap3A_624] {strides = array<i32>} : memref<32x768xf32, #tpu.memory_space<vmem>>, vector<16xf32>,
      tpu.vector_store %arg12[%swap3A_623, %swap3A_624], %add3A_622 {strides = array<i32>} : memref<32x768xf32, #tpu.memory_space<vmem>>, vector<16xf32>,
      %get3A_626 = arith.index_cast %scan3A_72 : i32 to index
      %get3A_627 = arith.constant 736 : index
      %get3A_628 = tpu.vector_load %arg12[%get3A_626, %get3A_627] {strides = array<i32>} : memref<32x768xf32, #tpu.memory_space<vmem>>, vector<16xf32>,
      %mul3A_629 = arith.mulf %gather3A, %get3A_628 : vector<16xf32>
      %get3A_630 = arith.index_cast %scan3A_72 : i32 to index
      %get3A_631 = arith.constant 736 : index
      %get3A_632 = tpu.vector_load %arg14[%get3A_630, %get3A_631] {strides = array<i32>} : memref<32x768xf32, #tpu.memory_space<vmem>>, vector<16xf32>,
      %mul3A_633 = arith.mulf %gather3A_75, %get3A_632 : vector<16xf32>
      %add3A_634 = arith.addf %mul3A_629, %mul3A_633 : vector<16xf32>
      %swap3A_635 = arith.index_cast %scan3A_72 : i32 to index
      %swap3A_636 = arith.constant 736 : index
      %swap3A_637 = tpu.vector_load %arg12[%swap3A_635, %swap3A_636] {strides = array<i32>} : memref<32x768xf32, #tpu.memory_space<vmem>>, vector<16xf32>,
      tpu.vector_store %arg12[%swap3A_635, %swap3A_636], %add3A_634 {strides = array<i32>} : memref<32x768xf32, #tpu.memory_space<vmem>>, vector<16xf32>,
      %get3A_638 = arith.index_cast %scan3A_72 : i32 to index
      %get3A_639 = arith.constant 752 : index
      %get3A_640 = tpu.vector_load %arg12[%get3A_638, %get3A_639] {strides = array<i32>} : memref<32x768xf32, #tpu.memory_space<vmem>>, vector<16xf32>,
      %mul3A_641 = arith.mulf %gather3A, %get3A_640 : vector<16xf32>
      %get3A_642 = arith.index_cast %scan3A_72 : i32 to index
      %get3A_643 = arith.constant 752 : index
      %get3A_644 = tpu.vector_load %arg14[%get3A_642, %get3A_643] {strides = array<i32>} : memref<32x768xf32, #tpu.memory_space<vmem>>, vector<16xf32>,
      %mul3A_645 = arith.mulf %gather3A_75, %get3A_644 : vector<16xf32>
      %add3A_646 = arith.addf %mul3A_641, %mul3A_645 : vector<16xf32>
      %swap3A_647 = arith.index_cast %scan3A_72 : i32 to index
      %swap3A_648 = arith.constant 752 : index
      %swap3A_649 = tpu.vector_load %arg12[%swap3A_647, %swap3A_648] {strides = array<i32>} : memref<32x768xf32, #tpu.memory_space<vmem>>, vector<16xf32>,
      tpu.vector_store %arg12[%swap3A_647, %swap3A_648], %add3A_646 {strides = array<i32>} : memref<32x768xf32, #tpu.memory_space<vmem>>, vector<16xf32>,
    }
    %scan3A_35 = arith.constant 32 : i32
    %add3A_36 = arith.constant 0 : i32
    %add3A_37 = arith.addi %mul3A_2, %add3A_36 : i32
    %dma_start3A_38 = arith.constant 0 : i32
    %dma_start3A_39 = tpu.memref_slice %arg7[%add3A_37, %dma_start3A_38] : memref<2048x768xf32, #tpu.memory_space<hbm>> -> memref<32x768xf32, #tpu.memory_space<hbm>>
    %dma_start3A_40 = arith.constant 0 : i32
    %dma_start3A_41 = tpu.memref_slice %arg7[%add3A_37, %dma_start3A_40] : memref<2048x768xf32, #tpu.memory_space<hbm>> -> memref<32x768xf32, #tpu.memory_space<hbm>>
    tpu.enqueue_dma source(%arg12 : memref<32x768xf32, #tpu.memory_space<vmem>>) target(%dma_start3A_41 : memref<32x768xf32, #tpu.memory_space<hbm>>) target_semaphore(%arg17 : memref<!tpu.dma_semaphore, #tpu.memory_space<semaphore_mem>>)
    %dma_wait3A_42 = arith.constant 32 : i32
    %dma_wait3A_43 = tpu.memref_slice %arg8[%dma_wait3A_42] : memref<64xi32, #tpu.memory_space<vmem>> -> memref<32xi32, #tpu.memory_space<vmem>>
    %dma_wait3A_44 = arith.constant 0 : i32
    %dma_wait3A_45 = arith.constant 0 : i32
    %dma_wait3A_46 = tpu.memref_slice %arg2[%dma_wait3A_44, %dma_wait3A_45] : memref<5120x768xf32, #tpu.memory_space<hbm>> -> memref<5120x768xf32, #tpu.memory_space<hbm>>
    tpu.wait_indirect_dma semaphore(%arg16 : memref<!tpu.dma_semaphore, #tpu.memory_space<semaphore_mem>>) src(%dma_wait3A_46 : memref<5120x768xf32, #tpu.memory_space<hbm>>) dst(%arg13 : memref<32x768xf32, #tpu.memory_space<vmem>>)
    %dma_wait3A_47 = arith.constant 32 : i32
    %dma_wait3A_48 = tpu.memref_slice %arg9[%dma_wait3A_47] : memref<64xi32, #tpu.memory_space<vmem>> -> memref<32xi32, #tpu.memory_space<vmem>>
    %dma_wait3A_49 = arith.constant 0 : i32
    %dma_wait3A_50 = arith.constant 0 : i32
    %dma_wait3A_51 = tpu.memref_slice %arg2[%dma_wait3A_49, %dma_wait3A_50] : memref<5120x768xf32, #tpu.memory_space<hbm>> -> memref<5120x768xf32, #tpu.memory_space<hbm>>
    tpu.wait_indirect_dma semaphore(%arg16 : memref<!tpu.dma_semaphore, #tpu.memory_space<semaphore_mem>>) src(%dma_wait3A_51 : memref<5120x768xf32, #tpu.memory_space<hbm>>) dst(%arg15 : memref<32x768xf32, #tpu.memory_space<vmem>>)
    %scan3A_52 = arith.constant 0 : i32
    %scan3A_53 = arith.constant 0 : i32
    %scan3A_54 = arith.constant 32 : i32
    %scan3A_55 = arith.addi %scan3A_53, %scan3A_54 : i32
    %scan3A_56 = arith.constant 1 : i32
    scf.for %scan3A_72 = %scan3A_53 to %scan3A_55 step %scan3A_56  : i32 {
      %add3A_73 = arith.constant 32 : i32
      %add3A_74 = arith.addi %add3A_73, %scan3A_72 : i32
      %broadcast_in_dim3A = vector.broadcast %add3A_74 : i32 to vector<16xi32>
      %gather3A = tpu.vector_load_idx %arg10[%broadcast_in_dim3A] : memref<64xf32, #tpu.memory_space<vmem>>[vector<16xi32>], vector<16xf32>,
      %gather3A_75 = tpu.vector_load_idx %arg11[%broadcast_in_dim3A] : memref<64xf32, #tpu.memory_space<vmem>>[vector<16xi32>], vector<16xf32>,
      %get3A = arith.index_cast %scan3A_72 : i32 to index
      %get3A_76 = arith.constant 0 : index
      %get3A_77 = tpu.vector_load %arg13[%get3A, %get3A_76] {strides = array<i32>} : memref<32x768xf32, #tpu.memory_space<vmem>>, vector<16xf32>,
      %mul3A_78 = arith.mulf %gather3A, %get3A_77 : vector<16xf32>
      %get3A_79 = arith.index_cast %scan3A_72 : i32 to index
      %get3A_80 = arith.constant 0 : index
      %get3A_81 = tpu.vector_load %arg15[%get3A_79, %get3A_80] {strides = array<i32>} : memref<32x768xf32, #tpu.memory_space<vmem>>, vector<16xf32>,
      %mul3A_82 = arith.mulf %gather3A_75, %get3A_81 : vector<16xf32>
      %add3A_83 = arith.addf %mul3A_78, %mul3A_82 : vector<16xf32>
      %swap3A = arith.index_cast %scan3A_72 : i32 to index
      %swap3A_84 = arith.constant 0 : index
      %swap3A_85 = tpu.vector_load %arg13[%swap3A, %swap3A_84] {strides = array<i32>} : memref<32x768xf32, #tpu.memory_space<vmem>>, vector<16xf32>,
      tpu.vector_store %arg13[%swap3A, %swap3A_84], %add3A_83 {strides = array<i32>} : memref<32x768xf32, #tpu.memory_space<vmem>>, vector<16xf32>,
      %get3A_86 = arith.index_cast %scan3A_72 : i32 to index
      %get3A_87 = arith.constant 16 : index
      %get3A_88 = tpu.vector_load %arg13[%get3A_86, %get3A_87] {strides = array<i32>} : memref<32x768xf32, #tpu.memory_space<vmem>>, vector<16xf32>,
      %mul3A_89 = arith.mulf %gather3A, %get3A_88 : vector<16xf32>
      %get3A_90 = arith.index_cast %scan3A_72 : i32 to index
      %get3A_91 = arith.constant 16 : index
      %get3A_92 = tpu.vector_load %arg15[%get3A_90, %get3A_91] {strides = array<i32>} : memref<32x768xf32, #tpu.memory_space<vmem>>, vector<16xf32>,
      %mul3A_93 = arith.mulf %gather3A_75, %get3A_92 : vector<16xf32>
      %add3A_94 = arith.addf %mul3A_89, %mul3A_93 : vector<16xf32>
      %swap3A_95 = arith.index_cast %scan3A_72 : i32 to index
      %swap3A_96 = arith.constant 16 : index
      %swap3A_97 = tpu.vector_load %arg13[%swap3A_95, %swap3A_96] {strides = array<i32>} : memref<32x768xf32, #tpu.memory_space<vmem>>, vector<16xf32>,
      tpu.vector_store %arg13[%swap3A_95, %swap3A_96], %add3A_94 {strides = array<i32>} : memref<32x768xf32, #tpu.memory_space<vmem>>, vector<16xf32>,
      %get3A_98 = arith.index_cast %scan3A_72 : i32 to index
      %get3A_99 = arith.constant 32 : index
      %get3A_100 = tpu.vector_load %arg13[%get3A_98, %get3A_99] {strides = array<i32>} : memref<32x768xf32, #tpu.memory_space<vmem>>, vector<16xf32>,
      %mul3A_101 = arith.mulf %gather3A, %get3A_100 : vector<16xf32>
      %get3A_102 = arith.index_cast %scan3A_72 : i32 to index
      %get3A_103 = arith.constant 32 : index
      %get3A_104 = tpu.vector_load %arg15[%get3A_102, %get3A_103] {strides = array<i32>} : memref<32x768xf32, #tpu.memory_space<vmem>>, vector<16xf32>,
      %mul3A_105 = arith.mulf %gather3A_75, %get3A_104 : vector<16xf32>
      %add3A_106 = arith.addf %mul3A_101, %mul3A_105 : vector<16xf32>
      %swap3A_107 = arith.index_cast %scan3A_72 : i32 to index
      %swap3A_108 = arith.constant 32 : index
      %swap3A_109 = tpu.vector_load %arg13[%swap3A_107, %swap3A_108] {strides = array<i32>} : memref<32x768xf32, #tpu.memory_space<vmem>>, vector<16xf32>,
      tpu.vector_store %arg13[%swap3A_107, %swap3A_108], %add3A_106 {strides = array<i32>} : memref<32x768xf32, #tpu.memory_space<vmem>>, vector<16xf32>,
      %get3A_110 = arith.index_cast %scan3A_72 : i32 to index
      %get3A_111 = arith.constant 48 : index
      %get3A_112 = tpu.vector_load %arg13[%get3A_110, %get3A_111] {strides = array<i32>} : memref<32x768xf32, #tpu.memory_space<vmem>>, vector<16xf32>,
      %mul3A_113 = arith.mulf %gather3A, %get3A_112 : vector<16xf32>
      %get3A_114 = arith.index_cast %scan3A_72 : i32 to index
      %get3A_115 = arith.constant 48 : index
      %get3A_116 = tpu.vector_load %arg15[%get3A_114, %get3A_115] {strides = array<i32>} : memref<32x768xf32, #tpu.memory_space<vmem>>, vector<16xf32>,
      %mul3A_117 = arith.mulf %gather3A_75, %get3A_116 : vector<16xf32>
      %add3A_118 = arith.addf %mul3A_113, %mul3A_117 : vector<16xf32>
      %swap3A_119 = arith.index_cast %scan3A_72 : i32 to index
      %swap3A_120 = arith.constant 48 : index
      %swap3A_121 = tpu.vector_load %arg13[%swap3A_119, %swap3A_120] {strides = array<i32>} : memref<32x768xf32, #tpu.memory_space<vmem>>, vector<16xf32>,
      tpu.vector_store %arg13[%swap3A_119, %swap3A_120], %add3A_118 {strides = array<i32>} : memref<32x768xf32, #tpu.memory_space<vmem>>, vector<16xf32>,
      %get3A_122 = arith.index_cast %scan3A_72 : i32 to index
      %get3A_123 = arith.constant 64 : index
      %get3A_124 = tpu.vector_load %arg13[%get3A_122, %get3A_123] {strides = array<i32>} : memref<32x768xf32, #tpu.memory_space<vmem>>, vector<16xf32>,
      %mul3A_125 = arith.mulf %gather3A, %get3A_124 : vector<16xf32>
      %get3A_126 = arith.index_cast %scan3A_72 : i32 to index
      %get3A_127 = arith.constant 64 : index
      %get3A_128 = tpu.vector_load %arg15[%get3A_126, %get3A_127] {strides = array<i32>} : memref<32x768xf32, #tpu.memory_space<vmem>>, vector<16xf32>,
      %mul3A_129 = arith.mulf %gather3A_75, %get3A_128 : vector<16xf32>
      %add3A_130 = arith.addf %mul3A_125, %mul3A_129 : vector<16xf32>
      %swap3A_131 = arith.index_cast %scan3A_72 : i32 to index
      %swap3A_132 = arith.constant 64 : index
      %swap3A_133 = tpu.vector_load %arg13[%swap3A_131, %swap3A_132] {strides = array<i32>} : memref<32x768xf32, #tpu.memory_space<vmem>>, vector<16xf32>,
      tpu.vector_store %arg13[%swap3A_131, %swap3A_132], %add3A_130 {strides = array<i32>} : memref<32x768xf32, #tpu.memory_space<vmem>>, vector<16xf32>,
      %get3A_134 = arith.index_cast %scan3A_72 : i32 to index
      %get3A_135 = arith.constant 80 : index
      %get3A_136 = tpu.vector_load %arg13[%get3A_134, %get3A_135] {strides = array<i32>} : memref<32x768xf32, #tpu.memory_space<vmem>>, vector<16xf32>,
      %mul3A_137 = arith.mulf %gather3A, %get3A_136 : vector<16xf32>
      %get3A_138 = arith.index_cast %scan3A_72 : i32 to index
      %get3A_139 = arith.constant 80 : index
      %get3A_140 = tpu.vector_load %arg15[%get3A_138, %get3A_139] {strides = array<i32>} : memref<32x768xf32, #tpu.memory_space<vmem>>, vector<16xf32>,
      %mul3A_141 = arith.mulf %gather3A_75, %get3A_140 : vector<16xf32>
      %add3A_142 = arith.addf %mul3A_137, %mul3A_141 : vector<16xf32>
      %swap3A_143 = arith.index_cast %scan3A_72 : i32 to index
      %swap3A_144 = arith.constant 80 : index
      %swap3A_145 = tpu.vector_load %arg13[%swap3A_143, %swap3A_144] {strides = array<i32>} : memref<32x768xf32, #tpu.memory_space<vmem>>, vector<16xf32>,
      tpu.vector_store %arg13[%swap3A_143, %swap3A_144], %add3A_142 {strides = array<i32>} : memref<32x768xf32, #tpu.memory_space<vmem>>, vector<16xf32>,
      %get3A_146 = arith.index_cast %scan3A_72 : i32 to index
      %get3A_147 = arith.constant 96 : index
      %get3A_148 = tpu.vector_load %arg13[%get3A_146, %get3A_147] {strides = array<i32>} : memref<32x768xf32, #tpu.memory_space<vmem>>, vector<16xf32>,
      %mul3A_149 = arith.mulf %gather3A, %get3A_148 : vector<16xf32>
      %get3A_150 = arith.index_cast %scan3A_72 : i32 to index
      %get3A_151 = arith.constant 96 : index
      %get3A_152 = tpu.vector_load %arg15[%get3A_150, %get3A_151] {strides = array<i32>} : memref<32x768xf32, #tpu.memory_space<vmem>>, vector<16xf32>,
      %mul3A_153 = arith.mulf %gather3A_75, %get3A_152 : vector<16xf32>
      %add3A_154 = arith.addf %mul3A_149, %mul3A_153 : vector<16xf32>
      %swap3A_155 = arith.index_cast %scan3A_72 : i32 to index
      %swap3A_156 = arith.constant 96 : index
      %swap3A_157 = tpu.vector_load %arg13[%swap3A_155, %swap3A_156] {strides = array<i32>} : memref<32x768xf32, #tpu.memory_space<vmem>>, vector<16xf32>,
      tpu.vector_store %arg13[%swap3A_155, %swap3A_156], %add3A_154 {strides = array<i32>} : memref<32x768xf32, #tpu.memory_space<vmem>>, vector<16xf32>,
      %get3A_158 = arith.index_cast %scan3A_72 : i32 to index
      %get3A_159 = arith.constant 112 : index
      %get3A_160 = tpu.vector_load %arg13[%get3A_158, %get3A_159] {strides = array<i32>} : memref<32x768xf32, #tpu.memory_space<vmem>>, vector<16xf32>,
      %mul3A_161 = arith.mulf %gather3A, %get3A_160 : vector<16xf32>
      %get3A_162 = arith.index_cast %scan3A_72 : i32 to index
      %get3A_163 = arith.constant 112 : index
      %get3A_164 = tpu.vector_load %arg15[%get3A_162, %get3A_163] {strides = array<i32>} : memref<32x768xf32, #tpu.memory_space<vmem>>, vector<16xf32>,
      %mul3A_165 = arith.mulf %gather3A_75, %get3A_164 : vector<16xf32>
      %add3A_166 = arith.addf %mul3A_161, %mul3A_165 : vector<16xf32>
      %swap3A_167 = arith.index_cast %scan3A_72 : i32 to index
      %swap3A_168 = arith.constant 112 : index
      %swap3A_169 = tpu.vector_load %arg13[%swap3A_167, %swap3A_168] {strides = array<i32>} : memref<32x768xf32, #tpu.memory_space<vmem>>, vector<16xf32>,
      tpu.vector_store %arg13[%swap3A_167, %swap3A_168], %add3A_166 {strides = array<i32>} : memref<32x768xf32, #tpu.memory_space<vmem>>, vector<16xf32>,
      %get3A_170 = arith.index_cast %scan3A_72 : i32 to index
      %get3A_171 = arith.constant 128 : index
      %get3A_172 = tpu.vector_load %arg13[%get3A_170, %get3A_171] {strides = array<i32>} : memref<32x768xf32, #tpu.memory_space<vmem>>, vector<16xf32>,
      %mul3A_173 = arith.mulf %gather3A, %get3A_172 : vector<16xf32>
      %get3A_174 = arith.index_cast %scan3A_72 : i32 to index
      %get3A_175 = arith.constant 128 : index
      %get3A_176 = tpu.vector_load %arg15[%get3A_174, %get3A_175] {strides = array<i32>} : memref<32x768xf32, #tpu.memory_space<vmem>>, vector<16xf32>,
      %mul3A_177 = arith.mulf %gather3A_75, %get3A_176 : vector<16xf32>
      %add3A_178 = arith.addf %mul3A_173, %mul3A_177 : vector<16xf32>
      %swap3A_179 = arith.index_cast %scan3A_72 : i32 to index
      %swap3A_180 = arith.constant 128 : index
      %swap3A_181 = tpu.vector_load %arg13[%swap3A_179, %swap3A_180] {strides = array<i32>} : memref<32x768xf32, #tpu.memory_space<vmem>>, vector<16xf32>,
      tpu.vector_store %arg13[%swap3A_179, %swap3A_180], %add3A_178 {strides = array<i32>} : memref<32x768xf32, #tpu.memory_space<vmem>>, vector<16xf32>,
      %get3A_182 = arith.index_cast %scan3A_72 : i32 to index
      %get3A_183 = arith.constant 144 : index
      %get3A_184 = tpu.vector_load %arg13[%get3A_182, %get3A_183] {strides = array<i32>} : memref<32x768xf32, #tpu.memory_space<vmem>>, vector<16xf32>,
      %mul3A_185 = arith.mulf %gather3A, %get3A_184 : vector<16xf32>
      %get3A_186 = arith.index_cast %scan3A_72 : i32 to index
      %get3A_187 = arith.constant 144 : index
      %get3A_188 = tpu.vector_load %arg15[%get3A_186, %get3A_187] {strides = array<i32>} : memref<32x768xf32, #tpu.memory_space<vmem>>, vector<16xf32>,
      %mul3A_189 = arith.mulf %gather3A_75, %get3A_188 : vector<16xf32>
      %add3A_190 = arith.addf %mul3A_185, %mul3A_189 : vector<16xf32>
      %swap3A_191 = arith.index_cast %scan3A_72 : i32 to index
      %swap3A_192 = arith.constant 144 : index
      %swap3A_193 = tpu.vector_load %arg13[%swap3A_191, %swap3A_192] {strides = array<i32>} : memref<32x768xf32, #tpu.memory_space<vmem>>, vector<16xf32>,
      tpu.vector_store %arg13[%swap3A_191, %swap3A_192], %add3A_190 {strides = array<i32>} : memref<32x768xf32, #tpu.memory_space<vmem>>, vector<16xf32>,
      %get3A_194 = arith.index_cast %scan3A_72 : i32 to index
      %get3A_195 = arith.constant 160 : index
      %get3A_196 = tpu.vector_load %arg13[%get3A_194, %get3A_195] {strides = array<i32>} : memref<32x768xf32, #tpu.memory_space<vmem>>, vector<16xf32>,
      %mul3A_197 = arith.mulf %gather3A, %get3A_196 : vector<16xf32>
      %get3A_198 = arith.index_cast %scan3A_72 : i32 to index
      %get3A_199 = arith.constant 160 : index
      %get3A_200 = tpu.vector_load %arg15[%get3A_198, %get3A_199] {strides = array<i32>} : memref<32x768xf32, #tpu.memory_space<vmem>>, vector<16xf32>,
      %mul3A_201 = arith.mulf %gather3A_75, %get3A_200 : vector<16xf32>
      %add3A_202 = arith.addf %mul3A_197, %mul3A_201 : vector<16xf32>
      %swap3A_203 = arith.index_cast %scan3A_72 : i32 to index
      %swap3A_204 = arith.constant 160 : index
      %swap3A_205 = tpu.vector_load %arg13[%swap3A_203, %swap3A_204] {strides = array<i32>} : memref<32x768xf32, #tpu.memory_space<vmem>>, vector<16xf32>,
      tpu.vector_store %arg13[%swap3A_203, %swap3A_204], %add3A_202 {strides = array<i32>} : memref<32x768xf32, #tpu.memory_space<vmem>>, vector<16xf32>,
      %get3A_206 = arith.index_cast %scan3A_72 : i32 to index
      %get3A_207 = arith.constant 176 : index
      %get3A_208 = tpu.vector_load %arg13[%get3A_206, %get3A_207] {strides = array<i32>} : memref<32x768xf32, #tpu.memory_space<vmem>>, vector<16xf32>,
      %mul3A_209 = arith.mulf %gather3A, %get3A_208 : vector<16xf32>
      %get3A_210 = arith.index_cast %scan3A_72 : i32 to index
      %get3A_211 = arith.constant 176 : index
      %get3A_212 = tpu.vector_load %arg15[%get3A_210, %get3A_211] {strides = array<i32>} : memref<32x768xf32, #tpu.memory_space<vmem>>, vector<16xf32>,
      %mul3A_213 = arith.mulf %gather3A_75, %get3A_212 : vector<16xf32>
      %add3A_214 = arith.addf %mul3A_209, %mul3A_213 : vector<16xf32>
      %swap3A_215 = arith.index_cast %scan3A_72 : i32 to index
      %swap3A_216 = arith.constant 176 : index
      %swap3A_217 = tpu.vector_load %arg13[%swap3A_215, %swap3A_216] {strides = array<i32>} : memref<32x768xf32, #tpu.memory_space<vmem>>, vector<16xf32>,
      tpu.vector_store %arg13[%swap3A_215, %swap3A_216], %add3A_214 {strides = array<i32>} : memref<32x768xf32, #tpu.memory_space<vmem>>, vector<16xf32>,
      %get3A_218 = arith.index_cast %scan3A_72 : i32 to index
      %get3A_219 = arith.constant 192 : index
      %get3A_220 = tpu.vector_load %arg13[%get3A_218, %get3A_219] {strides = array<i32>} : memref<32x768xf32, #tpu.memory_space<vmem>>, vector<16xf32>,
      %mul3A_221 = arith.mulf %gather3A, %get3A_220 : vector<16xf32>
      %get3A_222 = arith.index_cast %scan3A_72 : i32 to index
      %get3A_223 = arith.constant 192 : index
      %get3A_224 = tpu.vector_load %arg15[%get3A_222, %get3A_223] {strides = array<i32>} : memref<32x768xf32, #tpu.memory_space<vmem>>, vector<16xf32>,
      %mul3A_225 = arith.mulf %gather3A_75, %get3A_224 : vector<16xf32>
      %add3A_226 = arith.addf %mul3A_221, %mul3A_225 : vector<16xf32>
      %swap3A_227 = arith.index_cast %scan3A_72 : i32 to index
      %swap3A_228 = arith.constant 192 : index
      %swap3A_229 = tpu.vector_load %arg13[%swap3A_227, %swap3A_228] {strides = array<i32>} : memref<32x768xf32, #tpu.memory_space<vmem>>, vector<16xf32>,
      tpu.vector_store %arg13[%swap3A_227, %swap3A_228], %add3A_226 {strides = array<i32>} : memref<32x768xf32, #tpu.memory_space<vmem>>, vector<16xf32>,
      %get3A_230 = arith.index_cast %scan3A_72 : i32 to index
      %get3A_231 = arith.constant 208 : index
      %get3A_232 = tpu.vector_load %arg13[%get3A_230, %get3A_231] {strides = array<i32>} : memref<32x768xf32, #tpu.memory_space<vmem>>, vector<16xf32>,
      %mul3A_233 = arith.mulf %gather3A, %get3A_232 : vector<16xf32>
      %get3A_234 = arith.index_cast %scan3A_72 : i32 to index
      %get3A_235 = arith.constant 208 : index
      %get3A_236 = tpu.vector_load %arg15[%get3A_234, %get3A_235] {strides = array<i32>} : memref<32x768xf32, #tpu.memory_space<vmem>>, vector<16xf32>,
      %mul3A_237 = arith.mulf %gather3A_75, %get3A_236 : vector<16xf32>
      %add3A_238 = arith.addf %mul3A_233, %mul3A_237 : vector<16xf32>
      %swap3A_239 = arith.index_cast %scan3A_72 : i32 to index
      %swap3A_240 = arith.constant 208 : index
      %swap3A_241 = tpu.vector_load %arg13[%swap3A_239, %swap3A_240] {strides = array<i32>} : memref<32x768xf32, #tpu.memory_space<vmem>>, vector<16xf32>,
      tpu.vector_store %arg13[%swap3A_239, %swap3A_240], %add3A_238 {strides = array<i32>} : memref<32x768xf32, #tpu.memory_space<vmem>>, vector<16xf32>,
      %get3A_242 = arith.index_cast %scan3A_72 : i32 to index
      %get3A_243 = arith.constant 224 : index
      %get3A_244 = tpu.vector_load %arg13[%get3A_242, %get3A_243] {strides = array<i32>} : memref<32x768xf32, #tpu.memory_space<vmem>>, vector<16xf32>,
      %mul3A_245 = arith.mulf %gather3A, %get3A_244 : vector<16xf32>
      %get3A_246 = arith.index_cast %scan3A_72 : i32 to index
      %get3A_247 = arith.constant 224 : index
      %get3A_248 = tpu.vector_load %arg15[%get3A_246, %get3A_247] {strides = array<i32>} : memref<32x768xf32, #tpu.memory_space<vmem>>, vector<16xf32>,
      %mul3A_249 = arith.mulf %gather3A_75, %get3A_248 : vector<16xf32>
      %add3A_250 = arith.addf %mul3A_245, %mul3A_249 : vector<16xf32>
      %swap3A_251 = arith.index_cast %scan3A_72 : i32 to index
      %swap3A_252 = arith.constant 224 : index
      %swap3A_253 = tpu.vector_load %arg13[%swap3A_251, %swap3A_252] {strides = array<i32>} : memref<32x768xf32, #tpu.memory_space<vmem>>, vector<16xf32>,
      tpu.vector_store %arg13[%swap3A_251, %swap3A_252], %add3A_250 {strides = array<i32>} : memref<32x768xf32, #tpu.memory_space<vmem>>, vector<16xf32>,
      %get3A_254 = arith.index_cast %scan3A_72 : i32 to index
      %get3A_255 = arith.constant 240 : index
      %get3A_256 = tpu.vector_load %arg13[%get3A_254, %get3A_255] {strides = array<i32>} : memref<32x768xf32, #tpu.memory_space<vmem>>, vector<16xf32>,
      %mul3A_257 = arith.mulf %gather3A, %get3A_256 : vector<16xf32>
      %get3A_258 = arith.index_cast %scan3A_72 : i32 to index
      %get3A_259 = arith.constant 240 : index
      %get3A_260 = tpu.vector_load %arg15[%get3A_258, %get3A_259] {strides = array<i32>} : memref<32x768xf32, #tpu.memory_space<vmem>>, vector<16xf32>,
      %mul3A_261 = arith.mulf %gather3A_75, %get3A_260 : vector<16xf32>
      %add3A_262 = arith.addf %mul3A_257, %mul3A_261 : vector<16xf32>
      %swap3A_263 = arith.index_cast %scan3A_72 : i32 to index
      %swap3A_264 = arith.constant 240 : index
      %swap3A_265 = tpu.vector_load %arg13[%swap3A_263, %swap3A_264] {strides = array<i32>} : memref<32x768xf32, #tpu.memory_space<vmem>>, vector<16xf32>,
      tpu.vector_store %arg13[%swap3A_263, %swap3A_264], %add3A_262 {strides = array<i32>} : memref<32x768xf32, #tpu.memory_space<vmem>>, vector<16xf32>,
      %get3A_266 = arith.index_cast %scan3A_72 : i32 to index
      %get3A_267 = arith.constant 256 : index
      %get3A_268 = tpu.vector_load %arg13[%get3A_266, %get3A_267] {strides = array<i32>} : memref<32x768xf32, #tpu.memory_space<vmem>>, vector<16xf32>,
      %mul3A_269 = arith.mulf %gather3A, %get3A_268 : vector<16xf32>
      %get3A_270 = arith.index_cast %scan3A_72 : i32 to index
      %get3A_271 = arith.constant 256 : index
      %get3A_272 = tpu.vector_load %arg15[%get3A_270, %get3A_271] {strides = array<i32>} : memref<32x768xf32, #tpu.memory_space<vmem>>, vector<16xf32>,
      %mul3A_273 = arith.mulf %gather3A_75, %get3A_272 : vector<16xf32>
      %add3A_274 = arith.addf %mul3A_269, %mul3A_273 : vector<16xf32>
      %swap3A_275 = arith.index_cast %scan3A_72 : i32 to index
      %swap3A_276 = arith.constant 256 : index
      %swap3A_277 = tpu.vector_load %arg13[%swap3A_275, %swap3A_276] {strides = array<i32>} : memref<32x768xf32, #tpu.memory_space<vmem>>, vector<16xf32>,
      tpu.vector_store %arg13[%swap3A_275, %swap3A_276], %add3A_274 {strides = array<i32>} : memref<32x768xf32, #tpu.memory_space<vmem>>, vector<16xf32>,
      %get3A_278 = arith.index_cast %scan3A_72 : i32 to index
      %get3A_279 = arith.constant 272 : index
      %get3A_280 = tpu.vector_load %arg13[%get3A_278, %get3A_279] {strides = array<i32>} : memref<32x768xf32, #tpu.memory_space<vmem>>, vector<16xf32>,
      %mul3A_281 = arith.mulf %gather3A, %get3A_280 : vector<16xf32>
      %get3A_282 = arith.index_cast %scan3A_72 : i32 to index
      %get3A_283 = arith.constant 272 : index
      %get3A_284 = tpu.vector_load %arg15[%get3A_282, %get3A_283] {strides = array<i32>} : memref<32x768xf32, #tpu.memory_space<vmem>>, vector<16xf32>,
      %mul3A_285 = arith.mulf %gather3A_75, %get3A_284 : vector<16xf32>
      %add3A_286 = arith.addf %mul3A_281, %mul3A_285 : vector<16xf32>
      %swap3A_287 = arith.index_cast %scan3A_72 : i32 to index
      %swap3A_288 = arith.constant 272 : index
      %swap3A_289 = tpu.vector_load %arg13[%swap3A_287, %swap3A_288] {strides = array<i32>} : memref<32x768xf32, #tpu.memory_space<vmem>>, vector<16xf32>,
      tpu.vector_store %arg13[%swap3A_287, %swap3A_288], %add3A_286 {strides = array<i32>} : memref<32x768xf32, #tpu.memory_space<vmem>>, vector<16xf32>,
      %get3A_290 = arith.index_cast %scan3A_72 : i32 to index
      %get3A_291 = arith.constant 288 : index
      %get3A_292 = tpu.vector_load %arg13[%get3A_290, %get3A_291] {strides = array<i32>} : memref<32x768xf32, #tpu.memory_space<vmem>>, vector<16xf32>,
      %mul3A_293 = arith.mulf %gather3A, %get3A_292 : vector<16xf32>
      %get3A_294 = arith.index_cast %scan3A_72 : i32 to index
      %get3A_295 = arith.constant 288 : index
      %get3A_296 = tpu.vector_load %arg15[%get3A_294, %get3A_295] {strides = array<i32>} : memref<32x768xf32, #tpu.memory_space<vmem>>, vector<16xf32>,
      %mul3A_297 = arith.mulf %gather3A_75, %get3A_296 : vector<16xf32>
      %add3A_298 = arith.addf %mul3A_293, %mul3A_297 : vector<16xf32>
      %swap3A_299 = arith.index_cast %scan3A_72 : i32 to index
      %swap3A_300 = arith.constant 288 : index
      %swap3A_301 = tpu.vector_load %arg13[%swap3A_299, %swap3A_300] {strides = array<i32>} : memref<32x768xf32, #tpu.memory_space<vmem>>, vector<16xf32>,
      tpu.vector_store %arg13[%swap3A_299, %swap3A_300], %add3A_298 {strides = array<i32>} : memref<32x768xf32, #tpu.memory_space<vmem>>, vector<16xf32>,
      %get3A_302 = arith.index_cast %scan3A_72 : i32 to index
      %get3A_303 = arith.constant 304 : index
      %get3A_304 = tpu.vector_load %arg13[%get3A_302, %get3A_303] {strides = array<i32>} : memref<32x768xf32, #tpu.memory_space<vmem>>, vector<16xf32>,
      %mul3A_305 = arith.mulf %gather3A, %get3A_304 : vector<16xf32>
      %get3A_306 = arith.index_cast %scan3A_72 : i32 to index
      %get3A_307 = arith.constant 304 : index
      %get3A_308 = tpu.vector_load %arg15[%get3A_306, %get3A_307] {strides = array<i32>} : memref<32x768xf32, #tpu.memory_space<vmem>>, vector<16xf32>,
      %mul3A_309 = arith.mulf %gather3A_75, %get3A_308 : vector<16xf32>
      %add3A_310 = arith.addf %mul3A_305, %mul3A_309 : vector<16xf32>
      %swap3A_311 = arith.index_cast %scan3A_72 : i32 to index
      %swap3A_312 = arith.constant 304 : index
      %swap3A_313 = tpu.vector_load %arg13[%swap3A_311, %swap3A_312] {strides = array<i32>} : memref<32x768xf32, #tpu.memory_space<vmem>>, vector<16xf32>,
      tpu.vector_store %arg13[%swap3A_311, %swap3A_312], %add3A_310 {strides = array<i32>} : memref<32x768xf32, #tpu.memory_space<vmem>>, vector<16xf32>,
      %get3A_314 = arith.index_cast %scan3A_72 : i32 to index
      %get3A_315 = arith.constant 320 : index
      %get3A_316 = tpu.vector_load %arg13[%get3A_314, %get3A_315] {strides = array<i32>} : memref<32x768xf32, #tpu.memory_space<vmem>>, vector<16xf32>,
      %mul3A_317 = arith.mulf %gather3A, %get3A_316 : vector<16xf32>
      %get3A_318 = arith.index_cast %scan3A_72 : i32 to index
      %get3A_319 = arith.constant 320 : index
      %get3A_320 = tpu.vector_load %arg15[%get3A_318, %get3A_319] {strides = array<i32>} : memref<32x768xf32, #tpu.memory_space<vmem>>, vector<16xf32>,
      %mul3A_321 = arith.mulf %gather3A_75, %get3A_320 : vector<16xf32>
      %add3A_322 = arith.addf %mul3A_317, %mul3A_321 : vector<16xf32>
      %swap3A_323 = arith.index_cast %scan3A_72 : i32 to index
      %swap3A_324 = arith.constant 320 : index
      %swap3A_325 = tpu.vector_load %arg13[%swap3A_323, %swap3A_324] {strides = array<i32>} : memref<32x768xf32, #tpu.memory_space<vmem>>, vector<16xf32>,
      tpu.vector_store %arg13[%swap3A_323, %swap3A_324], %add3A_322 {strides = array<i32>} : memref<32x768xf32, #tpu.memory_space<vmem>>, vector<16xf32>,
      %get3A_326 = arith.index_cast %scan3A_72 : i32 to index
      %get3A_327 = arith.constant 336 : index
      %get3A_328 = tpu.vector_load %arg13[%get3A_326, %get3A_327] {strides = array<i32>} : memref<32x768xf32, #tpu.memory_space<vmem>>, vector<16xf32>,
      %mul3A_329 = arith.mulf %gather3A, %get3A_328 : vector<16xf32>
      %get3A_330 = arith.index_cast %scan3A_72 : i32 to index
      %get3A_331 = arith.constant 336 : index
      %get3A_332 = tpu.vector_load %arg15[%get3A_330, %get3A_331] {strides = array<i32>} : memref<32x768xf32, #tpu.memory_space<vmem>>, vector<16xf32>,
      %mul3A_333 = arith.mulf %gather3A_75, %get3A_332 : vector<16xf32>
      %add3A_334 = arith.addf %mul3A_329, %mul3A_333 : vector<16xf32>
      %swap3A_335 = arith.index_cast %scan3A_72 : i32 to index
      %swap3A_336 = arith.constant 336 : index
      %swap3A_337 = tpu.vector_load %arg13[%swap3A_335, %swap3A_336] {strides = array<i32>} : memref<32x768xf32, #tpu.memory_space<vmem>>, vector<16xf32>,
      tpu.vector_store %arg13[%swap3A_335, %swap3A_336], %add3A_334 {strides = array<i32>} : memref<32x768xf32, #tpu.memory_space<vmem>>, vector<16xf32>,
      %get3A_338 = arith.index_cast %scan3A_72 : i32 to index
      %get3A_339 = arith.constant 352 : index
      %get3A_340 = tpu.vector_load %arg13[%get3A_338, %get3A_339] {strides = array<i32>} : memref<32x768xf32, #tpu.memory_space<vmem>>, vector<16xf32>,
      %mul3A_341 = arith.mulf %gather3A, %get3A_340 : vector<16xf32>
      %get3A_342 = arith.index_cast %scan3A_72 : i32 to index
      %get3A_343 = arith.constant 352 : index
      %get3A_344 = tpu.vector_load %arg15[%get3A_342, %get3A_343] {strides = array<i32>} : memref<32x768xf32, #tpu.memory_space<vmem>>, vector<16xf32>,
      %mul3A_345 = arith.mulf %gather3A_75, %get3A_344 : vector<16xf32>
      %add3A_346 = arith.addf %mul3A_341, %mul3A_345 : vector<16xf32>
      %swap3A_347 = arith.index_cast %scan3A_72 : i32 to index
      %swap3A_348 = arith.constant 352 : index
      %swap3A_349 = tpu.vector_load %arg13[%swap3A_347, %swap3A_348] {strides = array<i32>} : memref<32x768xf32, #tpu.memory_space<vmem>>, vector<16xf32>,
      tpu.vector_store %arg13[%swap3A_347, %swap3A_348], %add3A_346 {strides = array<i32>} : memref<32x768xf32, #tpu.memory_space<vmem>>, vector<16xf32>,
      %get3A_350 = arith.index_cast %scan3A_72 : i32 to index
      %get3A_351 = arith.constant 368 : index
      %get3A_352 = tpu.vector_load %arg13[%get3A_350, %get3A_351] {strides = array<i32>} : memref<32x768xf32, #tpu.memory_space<vmem>>, vector<16xf32>,
      %mul3A_353 = arith.mulf %gather3A, %get3A_352 : vector<16xf32>
      %get3A_354 = arith.index_cast %scan3A_72 : i32 to index
      %get3A_355 = arith.constant 368 : index
      %get3A_356 = tpu.vector_load %arg15[%get3A_354, %get3A_355] {strides = array<i32>} : memref<32x768xf32, #tpu.memory_space<vmem>>, vector<16xf32>,
      %mul3A_357 = arith.mulf %gather3A_75, %get3A_356 : vector<16xf32>
      %add3A_358 = arith.addf %mul3A_353, %mul3A_357 : vector<16xf32>
      %swap3A_359 = arith.index_cast %scan3A_72 : i32 to index
      %swap3A_360 = arith.constant 368 : index
      %swap3A_361 = tpu.vector_load %arg13[%swap3A_359, %swap3A_360] {strides = array<i32>} : memref<32x768xf32, #tpu.memory_space<vmem>>, vector<16xf32>,
      tpu.vector_store %arg13[%swap3A_359, %swap3A_360], %add3A_358 {strides = array<i32>} : memref<32x768xf32, #tpu.memory_space<vmem>>, vector<16xf32>,
      %get3A_362 = arith.index_cast %scan3A_72 : i32 to index
      %get3A_363 = arith.constant 384 : index
      %get3A_364 = tpu.vector_load %arg13[%get3A_362, %get3A_363] {strides = array<i32>} : memref<32x768xf32, #tpu.memory_space<vmem>>, vector<16xf32>,
      %mul3A_365 = arith.mulf %gather3A, %get3A_364 : vector<16xf32>
      %get3A_366 = arith.index_cast %scan3A_72 : i32 to index
      %get3A_367 = arith.constant 384 : index
      %get3A_368 = tpu.vector_load %arg15[%get3A_366, %get3A_367] {strides = array<i32>} : memref<32x768xf32, #tpu.memory_space<vmem>>, vector<16xf32>,
      %mul3A_369 = arith.mulf %gather3A_75, %get3A_368 : vector<16xf32>
      %add3A_370 = arith.addf %mul3A_365, %mul3A_369 : vector<16xf32>
      %swap3A_371 = arith.index_cast %scan3A_72 : i32 to index
      %swap3A_372 = arith.constant 384 : index
      %swap3A_373 = tpu.vector_load %arg13[%swap3A_371, %swap3A_372] {strides = array<i32>} : memref<32x768xf32, #tpu.memory_space<vmem>>, vector<16xf32>,
      tpu.vector_store %arg13[%swap3A_371, %swap3A_372], %add3A_370 {strides = array<i32>} : memref<32x768xf32, #tpu.memory_space<vmem>>, vector<16xf32>,
      %get3A_374 = arith.index_cast %scan3A_72 : i32 to index
      %get3A_375 = arith.constant 400 : index
      %get3A_376 = tpu.vector_load %arg13[%get3A_374, %get3A_375] {strides = array<i32>} : memref<32x768xf32, #tpu.memory_space<vmem>>, vector<16xf32>,
      %mul3A_377 = arith.mulf %gather3A, %get3A_376 : vector<16xf32>
      %get3A_378 = arith.index_cast %scan3A_72 : i32 to index
      %get3A_379 = arith.constant 400 : index
      %get3A_380 = tpu.vector_load %arg15[%get3A_378, %get3A_379] {strides = array<i32>} : memref<32x768xf32, #tpu.memory_space<vmem>>, vector<16xf32>,
      %mul3A_381 = arith.mulf %gather3A_75, %get3A_380 : vector<16xf32>
      %add3A_382 = arith.addf %mul3A_377, %mul3A_381 : vector<16xf32>
      %swap3A_383 = arith.index_cast %scan3A_72 : i32 to index
      %swap3A_384 = arith.constant 400 : index
      %swap3A_385 = tpu.vector_load %arg13[%swap3A_383, %swap3A_384] {strides = array<i32>} : memref<32x768xf32, #tpu.memory_space<vmem>>, vector<16xf32>,
      tpu.vector_store %arg13[%swap3A_383, %swap3A_384], %add3A_382 {strides = array<i32>} : memref<32x768xf32, #tpu.memory_space<vmem>>, vector<16xf32>,
      %get3A_386 = arith.index_cast %scan3A_72 : i32 to index
      %get3A_387 = arith.constant 416 : index
      %get3A_388 = tpu.vector_load %arg13[%get3A_386, %get3A_387] {strides = array<i32>} : memref<32x768xf32, #tpu.memory_space<vmem>>, vector<16xf32>,
      %mul3A_389 = arith.mulf %gather3A, %get3A_388 : vector<16xf32>
      %get3A_390 = arith.index_cast %scan3A_72 : i32 to index
      %get3A_391 = arith.constant 416 : index
      %get3A_392 = tpu.vector_load %arg15[%get3A_390, %get3A_391] {strides = array<i32>} : memref<32x768xf32, #tpu.memory_space<vmem>>, vector<16xf32>,
      %mul3A_393 = arith.mulf %gather3A_75, %get3A_392 : vector<16xf32>
      %add3A_394 = arith.addf %mul3A_389, %mul3A_393 : vector<16xf32>
      %swap3A_395 = arith.index_cast %scan3A_72 : i32 to index
      %swap3A_396 = arith.constant 416 : index
      %swap3A_397 = tpu.vector_load %arg13[%swap3A_395, %swap3A_396] {strides = array<i32>} : memref<32x768xf32, #tpu.memory_space<vmem>>, vector<16xf32>,
      tpu.vector_store %arg13[%swap3A_395, %swap3A_396], %add3A_394 {strides = array<i32>} : memref<32x768xf32, #tpu.memory_space<vmem>>, vector<16xf32>,
      %get3A_398 = arith.index_cast %scan3A_72 : i32 to index
      %get3A_399 = arith.constant 432 : index
      %get3A_400 = tpu.vector_load %arg13[%get3A_398, %get3A_399] {strides = array<i32>} : memref<32x768xf32, #tpu.memory_space<vmem>>, vector<16xf32>,
      %mul3A_401 = arith.mulf %gather3A, %get3A_400 : vector<16xf32>
      %get3A_402 = arith.index_cast %scan3A_72 : i32 to index
      %get3A_403 = arith.constant 432 : index
      %get3A_404 = tpu.vector_load %arg15[%get3A_402, %get3A_403] {strides = array<i32>} : memref<32x768xf32, #tpu.memory_space<vmem>>, vector<16xf32>,
      %mul3A_405 = arith.mulf %gather3A_75, %get3A_404 : vector<16xf32>
      %add3A_406 = arith.addf %mul3A_401, %mul3A_405 : vector<16xf32>
      %swap3A_407 = arith.index_cast %scan3A_72 : i32 to index
      %swap3A_408 = arith.constant 432 : index
      %swap3A_409 = tpu.vector_load %arg13[%swap3A_407, %swap3A_408] {strides = array<i32>} : memref<32x768xf32, #tpu.memory_space<vmem>>, vector<16xf32>,
      tpu.vector_store %arg13[%swap3A_407, %swap3A_408], %add3A_406 {strides = array<i32>} : memref<32x768xf32, #tpu.memory_space<vmem>>, vector<16xf32>,
      %get3A_410 = arith.index_cast %scan3A_72 : i32 to index
      %get3A_411 = arith.constant 448 : index
      %get3A_412 = tpu.vector_load %arg13[%get3A_410, %get3A_411] {strides = array<i32>} : memref<32x768xf32, #tpu.memory_space<vmem>>, vector<16xf32>,
      %mul3A_413 = arith.mulf %gather3A, %get3A_412 : vector<16xf32>
      %get3A_414 = arith.index_cast %scan3A_72 : i32 to index
      %get3A_415 = arith.constant 448 : index
      %get3A_416 = tpu.vector_load %arg15[%get3A_414, %get3A_415] {strides = array<i32>} : memref<32x768xf32, #tpu.memory_space<vmem>>, vector<16xf32>,
      %mul3A_417 = arith.mulf %gather3A_75, %get3A_416 : vector<16xf32>
      %add3A_418 = arith.addf %mul3A_413, %mul3A_417 : vector<16xf32>
      %swap3A_419 = arith.index_cast %scan3A_72 : i32 to index
      %swap3A_420 = arith.constant 448 : index
      %swap3A_421 = tpu.vector_load %arg13[%swap3A_419, %swap3A_420] {strides = array<i32>} : memref<32x768xf32, #tpu.memory_space<vmem>>, vector<16xf32>,
      tpu.vector_store %arg13[%swap3A_419, %swap3A_420], %add3A_418 {strides = array<i32>} : memref<32x768xf32, #tpu.memory_space<vmem>>, vector<16xf32>,
      %get3A_422 = arith.index_cast %scan3A_72 : i32 to index
      %get3A_423 = arith.constant 464 : index
      %get3A_424 = tpu.vector_load %arg13[%get3A_422, %get3A_423] {strides = array<i32>} : memref<32x768xf32, #tpu.memory_space<vmem>>, vector<16xf32>,
      %mul3A_425 = arith.mulf %gather3A, %get3A_424 : vector<16xf32>
      %get3A_426 = arith.index_cast %scan3A_72 : i32 to index
      %get3A_427 = arith.constant 464 : index
      %get3A_428 = tpu.vector_load %arg15[%get3A_426, %get3A_427] {strides = array<i32>} : memref<32x768xf32, #tpu.memory_space<vmem>>, vector<16xf32>,
      %mul3A_429 = arith.mulf %gather3A_75, %get3A_428 : vector<16xf32>
      %add3A_430 = arith.addf %mul3A_425, %mul3A_429 : vector<16xf32>
      %swap3A_431 = arith.index_cast %scan3A_72 : i32 to index
      %swap3A_432 = arith.constant 464 : index
      %swap3A_433 = tpu.vector_load %arg13[%swap3A_431, %swap3A_432] {strides = array<i32>} : memref<32x768xf32, #tpu.memory_space<vmem>>, vector<16xf32>,
      tpu.vector_store %arg13[%swap3A_431, %swap3A_432], %add3A_430 {strides = array<i32>} : memref<32x768xf32, #tpu.memory_space<vmem>>, vector<16xf32>,
      %get3A_434 = arith.index_cast %scan3A_72 : i32 to index
      %get3A_435 = arith.constant 480 : index
      %get3A_436 = tpu.vector_load %arg13[%get3A_434, %get3A_435] {strides = array<i32>} : memref<32x768xf32, #tpu.memory_space<vmem>>, vector<16xf32>,
      %mul3A_437 = arith.mulf %gather3A, %get3A_436 : vector<16xf32>
      %get3A_438 = arith.index_cast %scan3A_72 : i32 to index
      %get3A_439 = arith.constant 480 : index
      %get3A_440 = tpu.vector_load %arg15[%get3A_438, %get3A_439] {strides = array<i32>} : memref<32x768xf32, #tpu.memory_space<vmem>>, vector<16xf32>,
      %mul3A_441 = arith.mulf %gather3A_75, %get3A_440 : vector<16xf32>
      %add3A_442 = arith.addf %mul3A_437, %mul3A_441 : vector<16xf32>
      %swap3A_443 = arith.index_cast %scan3A_72 : i32 to index
      %swap3A_444 = arith.constant 480 : index
      %swap3A_445 = tpu.vector_load %arg13[%swap3A_443, %swap3A_444] {strides = array<i32>} : memref<32x768xf32, #tpu.memory_space<vmem>>, vector<16xf32>,
      tpu.vector_store %arg13[%swap3A_443, %swap3A_444], %add3A_442 {strides = array<i32>} : memref<32x768xf32, #tpu.memory_space<vmem>>, vector<16xf32>,
      %get3A_446 = arith.index_cast %scan3A_72 : i32 to index
      %get3A_447 = arith.constant 496 : index
      %get3A_448 = tpu.vector_load %arg13[%get3A_446, %get3A_447] {strides = array<i32>} : memref<32x768xf32, #tpu.memory_space<vmem>>, vector<16xf32>,
      %mul3A_449 = arith.mulf %gather3A, %get3A_448 : vector<16xf32>
      %get3A_450 = arith.index_cast %scan3A_72 : i32 to index
      %get3A_451 = arith.constant 496 : index
      %get3A_452 = tpu.vector_load %arg15[%get3A_450, %get3A_451] {strides = array<i32>} : memref<32x768xf32, #tpu.memory_space<vmem>>, vector<16xf32>,
      %mul3A_453 = arith.mulf %gather3A_75, %get3A_452 : vector<16xf32>
      %add3A_454 = arith.addf %mul3A_449, %mul3A_453 : vector<16xf32>
      %swap3A_455 = arith.index_cast %scan3A_72 : i32 to index
      %swap3A_456 = arith.constant 496 : index
      %swap3A_457 = tpu.vector_load %arg13[%swap3A_455, %swap3A_456] {strides = array<i32>} : memref<32x768xf32, #tpu.memory_space<vmem>>, vector<16xf32>,
      tpu.vector_store %arg13[%swap3A_455, %swap3A_456], %add3A_454 {strides = array<i32>} : memref<32x768xf32, #tpu.memory_space<vmem>>, vector<16xf32>,
      %get3A_458 = arith.index_cast %scan3A_72 : i32 to index
      %get3A_459 = arith.constant 512 : index
      %get3A_460 = tpu.vector_load %arg13[%get3A_458, %get3A_459] {strides = array<i32>} : memref<32x768xf32, #tpu.memory_space<vmem>>, vector<16xf32>,
      %mul3A_461 = arith.mulf %gather3A, %get3A_460 : vector<16xf32>
      %get3A_462 = arith.index_cast %scan3A_72 : i32 to index
      %get3A_463 = arith.constant 512 : index
      %get3A_464 = tpu.vector_load %arg15[%get3A_462, %get3A_463] {strides = array<i32>} : memref<32x768xf32, #tpu.memory_space<vmem>>, vector<16xf32>,
      %mul3A_465 = arith.mulf %gather3A_75, %get3A_464 : vector<16xf32>
      %add3A_466 = arith.addf %mul3A_461, %mul3A_465 : vector<16xf32>
      %swap3A_467 = arith.index_cast %scan3A_72 : i32 to index
      %swap3A_468 = arith.constant 512 : index
      %swap3A_469 = tpu.vector_load %arg13[%swap3A_467, %swap3A_468] {strides = array<i32>} : memref<32x768xf32, #tpu.memory_space<vmem>>, vector<16xf32>,
      tpu.vector_store %arg13[%swap3A_467, %swap3A_468], %add3A_466 {strides = array<i32>} : memref<32x768xf32, #tpu.memory_space<vmem>>, vector<16xf32>,
      %get3A_470 = arith.index_cast %scan3A_72 : i32 to index
      %get3A_471 = arith.constant 528 : index
      %get3A_472 = tpu.vector_load %arg13[%get3A_470, %get3A_471] {strides = array<i32>} : memref<32x768xf32, #tpu.memory_space<vmem>>, vector<16xf32>,
      %mul3A_473 = arith.mulf %gather3A, %get3A_472 : vector<16xf32>
      %get3A_474 = arith.index_cast %scan3A_72 : i32 to index
      %get3A_475 = arith.constant 528 : index
      %get3A_476 = tpu.vector_load %arg15[%get3A_474, %get3A_475] {strides = array<i32>} : memref<32x768xf32, #tpu.memory_space<vmem>>, vector<16xf32>,
      %mul3A_477 = arith.mulf %gather3A_75, %get3A_476 : vector<16xf32>
      %add3A_478 = arith.addf %mul3A_473, %mul3A_477 : vector<16xf32>
      %swap3A_479 = arith.index_cast %scan3A_72 : i32 to index
      %swap3A_480 = arith.constant 528 : index
      %swap3A_481 = tpu.vector_load %arg13[%swap3A_479, %swap3A_480] {strides = array<i32>} : memref<32x768xf32, #tpu.memory_space<vmem>>, vector<16xf32>,
      tpu.vector_store %arg13[%swap3A_479, %swap3A_480], %add3A_478 {strides = array<i32>} : memref<32x768xf32, #tpu.memory_space<vmem>>, vector<16xf32>,
      %get3A_482 = arith.index_cast %scan3A_72 : i32 to index
      %get3A_483 = arith.constant 544 : index
      %get3A_484 = tpu.vector_load %arg13[%get3A_482, %get3A_483] {strides = array<i32>} : memref<32x768xf32, #tpu.memory_space<vmem>>, vector<16xf32>,
      %mul3A_485 = arith.mulf %gather3A, %get3A_484 : vector<16xf32>
      %get3A_486 = arith.index_cast %scan3A_72 : i32 to index
      %get3A_487 = arith.constant 544 : index
      %get3A_488 = tpu.vector_load %arg15[%get3A_486, %get3A_487] {strides = array<i32>} : memref<32x768xf32, #tpu.memory_space<vmem>>, vector<16xf32>,
      %mul3A_489 = arith.mulf %gather3A_75, %get3A_488 : vector<16xf32>
      %add3A_490 = arith.addf %mul3A_485, %mul3A_489 : vector<16xf32>
      %swap3A_491 = arith.index_cast %scan3A_72 : i32 to index
      %swap3A_492 = arith.constant 544 : index
      %swap3A_493 = tpu.vector_load %arg13[%swap3A_491, %swap3A_492] {strides = array<i32>} : memref<32x768xf32, #tpu.memory_space<vmem>>, vector<16xf32>,
      tpu.vector_store %arg13[%swap3A_491, %swap3A_492], %add3A_490 {strides = array<i32>} : memref<32x768xf32, #tpu.memory_space<vmem>>, vector<16xf32>,
      %get3A_494 = arith.index_cast %scan3A_72 : i32 to index
      %get3A_495 = arith.constant 560 : index
      %get3A_496 = tpu.vector_load %arg13[%get3A_494, %get3A_495] {strides = array<i32>} : memref<32x768xf32, #tpu.memory_space<vmem>>, vector<16xf32>,
      %mul3A_497 = arith.mulf %gather3A, %get3A_496 : vector<16xf32>
      %get3A_498 = arith.index_cast %scan3A_72 : i32 to index
      %get3A_499 = arith.constant 560 : index
      %get3A_500 = tpu.vector_load %arg15[%get3A_498, %get3A_499] {strides = array<i32>} : memref<32x768xf32, #tpu.memory_space<vmem>>, vector<16xf32>,
      %mul3A_501 = arith.mulf %gather3A_75, %get3A_500 : vector<16xf32>
      %add3A_502 = arith.addf %mul3A_497, %mul3A_501 : vector<16xf32>
      %swap3A_503 = arith.index_cast %scan3A_72 : i32 to index
      %swap3A_504 = arith.constant 560 : index
      %swap3A_505 = tpu.vector_load %arg13[%swap3A_503, %swap3A_504] {strides = array<i32>} : memref<32x768xf32, #tpu.memory_space<vmem>>, vector<16xf32>,
      tpu.vector_store %arg13[%swap3A_503, %swap3A_504], %add3A_502 {strides = array<i32>} : memref<32x768xf32, #tpu.memory_space<vmem>>, vector<16xf32>,
      %get3A_506 = arith.index_cast %scan3A_72 : i32 to index
      %get3A_507 = arith.constant 576 : index
      %get3A_508 = tpu.vector_load %arg13[%get3A_506, %get3A_507] {strides = array<i32>} : memref<32x768xf32, #tpu.memory_space<vmem>>, vector<16xf32>,
      %mul3A_509 = arith.mulf %gather3A, %get3A_508 : vector<16xf32>
      %get3A_510 = arith.index_cast %scan3A_72 : i32 to index
      %get3A_511 = arith.constant 576 : index
      %get3A_512 = tpu.vector_load %arg15[%get3A_510, %get3A_511] {strides = array<i32>} : memref<32x768xf32, #tpu.memory_space<vmem>>, vector<16xf32>,
      %mul3A_513 = arith.mulf %gather3A_75, %get3A_512 : vector<16xf32>
      %add3A_514 = arith.addf %mul3A_509, %mul3A_513 : vector<16xf32>
      %swap3A_515 = arith.index_cast %scan3A_72 : i32 to index
      %swap3A_516 = arith.constant 576 : index
      %swap3A_517 = tpu.vector_load %arg13[%swap3A_515, %swap3A_516] {strides = array<i32>} : memref<32x768xf32, #tpu.memory_space<vmem>>, vector<16xf32>,
      tpu.vector_store %arg13[%swap3A_515, %swap3A_516], %add3A_514 {strides = array<i32>} : memref<32x768xf32, #tpu.memory_space<vmem>>, vector<16xf32>,
      %get3A_518 = arith.index_cast %scan3A_72 : i32 to index
      %get3A_519 = arith.constant 592 : index
      %get3A_520 = tpu.vector_load %arg13[%get3A_518, %get3A_519] {strides = array<i32>} : memref<32x768xf32, #tpu.memory_space<vmem>>, vector<16xf32>,
      %mul3A_521 = arith.mulf %gather3A, %get3A_520 : vector<16xf32>
      %get3A_522 = arith.index_cast %scan3A_72 : i32 to index
      %get3A_523 = arith.constant 592 : index
      %get3A_524 = tpu.vector_load %arg15[%get3A_522, %get3A_523] {strides = array<i32>} : memref<32x768xf32, #tpu.memory_space<vmem>>, vector<16xf32>,
      %mul3A_525 = arith.mulf %gather3A_75, %get3A_524 : vector<16xf32>
      %add3A_526 = arith.addf %mul3A_521, %mul3A_525 : vector<16xf32>
      %swap3A_527 = arith.index_cast %scan3A_72 : i32 to index
      %swap3A_528 = arith.constant 592 : index
      %swap3A_529 = tpu.vector_load %arg13[%swap3A_527, %swap3A_528] {strides = array<i32>} : memref<32x768xf32, #tpu.memory_space<vmem>>, vector<16xf32>,
      tpu.vector_store %arg13[%swap3A_527, %swap3A_528], %add3A_526 {strides = array<i32>} : memref<32x768xf32, #tpu.memory_space<vmem>>, vector<16xf32>,
      %get3A_530 = arith.index_cast %scan3A_72 : i32 to index
      %get3A_531 = arith.constant 608 : index
      %get3A_532 = tpu.vector_load %arg13[%get3A_530, %get3A_531] {strides = array<i32>} : memref<32x768xf32, #tpu.memory_space<vmem>>, vector<16xf32>,
      %mul3A_533 = arith.mulf %gather3A, %get3A_532 : vector<16xf32>
      %get3A_534 = arith.index_cast %scan3A_72 : i32 to index
      %get3A_535 = arith.constant 608 : index
      %get3A_536 = tpu.vector_load %arg15[%get3A_534, %get3A_535] {strides = array<i32>} : memref<32x768xf32, #tpu.memory_space<vmem>>, vector<16xf32>,
      %mul3A_537 = arith.mulf %gather3A_75, %get3A_536 : vector<16xf32>
      %add3A_538 = arith.addf %mul3A_533, %mul3A_537 : vector<16xf32>
      %swap3A_539 = arith.index_cast %scan3A_72 : i32 to index
      %swap3A_540 = arith.constant 608 : index
      %swap3A_541 = tpu.vector_load %arg13[%swap3A_539, %swap3A_540] {strides = array<i32>} : memref<32x768xf32, #tpu.memory_space<vmem>>, vector<16xf32>,
      tpu.vector_store %arg13[%swap3A_539, %swap3A_540], %add3A_538 {strides = array<i32>} : memref<32x768xf32, #tpu.memory_space<vmem>>, vector<16xf32>,
      %get3A_542 = arith.index_cast %scan3A_72 : i32 to index
      %get3A_543 = arith.constant 624 : index
      %get3A_544 = tpu.vector_load %arg13[%get3A_542, %get3A_543] {strides = array<i32>} : memref<32x768xf32, #tpu.memory_space<vmem>>, vector<16xf32>,
      %mul3A_545 = arith.mulf %gather3A, %get3A_544 : vector<16xf32>
      %get3A_546 = arith.index_cast %scan3A_72 : i32 to index
      %get3A_547 = arith.constant 624 : index
      %get3A_548 = tpu.vector_load %arg15[%get3A_546, %get3A_547] {strides = array<i32>} : memref<32x768xf32, #tpu.memory_space<vmem>>, vector<16xf32>,
      %mul3A_549 = arith.mulf %gather3A_75, %get3A_548 : vector<16xf32>
      %add3A_550 = arith.addf %mul3A_545, %mul3A_549 : vector<16xf32>
      %swap3A_551 = arith.index_cast %scan3A_72 : i32 to index
      %swap3A_552 = arith.constant 624 : index
      %swap3A_553 = tpu.vector_load %arg13[%swap3A_551, %swap3A_552] {strides = array<i32>} : memref<32x768xf32, #tpu.memory_space<vmem>>, vector<16xf32>,
      tpu.vector_store %arg13[%swap3A_551, %swap3A_552], %add3A_550 {strides = array<i32>} : memref<32x768xf32, #tpu.memory_space<vmem>>, vector<16xf32>,
      %get3A_554 = arith.index_cast %scan3A_72 : i32 to index
      %get3A_555 = arith.constant 640 : index
      %get3A_556 = tpu.vector_load %arg13[%get3A_554, %get3A_555] {strides = array<i32>} : memref<32x768xf32, #tpu.memory_space<vmem>>, vector<16xf32>,
      %mul3A_557 = arith.mulf %gather3A, %get3A_556 : vector<16xf32>
      %get3A_558 = arith.index_cast %scan3A_72 : i32 to index
      %get3A_559 = arith.constant 640 : index
      %get3A_560 = tpu.vector_load %arg15[%get3A_558, %get3A_559] {strides = array<i32>} : memref<32x768xf32, #tpu.memory_space<vmem>>, vector<16xf32>,
      %mul3A_561 = arith.mulf %gather3A_75, %get3A_560 : vector<16xf32>
      %add3A_562 = arith.addf %mul3A_557, %mul3A_561 : vector<16xf32>
      %swap3A_563 = arith.index_cast %scan3A_72 : i32 to index
      %swap3A_564 = arith.constant 640 : index
      %swap3A_565 = tpu.vector_load %arg13[%swap3A_563, %swap3A_564] {strides = array<i32>} : memref<32x768xf32, #tpu.memory_space<vmem>>, vector<16xf32>,
      tpu.vector_store %arg13[%swap3A_563, %swap3A_564], %add3A_562 {strides = array<i32>} : memref<32x768xf32, #tpu.memory_space<vmem>>, vector<16xf32>,
      %get3A_566 = arith.index_cast %scan3A_72 : i32 to index
      %get3A_567 = arith.constant 656 : index
      %get3A_568 = tpu.vector_load %arg13[%get3A_566, %get3A_567] {strides = array<i32>} : memref<32x768xf32, #tpu.memory_space<vmem>>, vector<16xf32>,
      %mul3A_569 = arith.mulf %gather3A, %get3A_568 : vector<16xf32>
      %get3A_570 = arith.index_cast %scan3A_72 : i32 to index
      %get3A_571 = arith.constant 656 : index
      %get3A_572 = tpu.vector_load %arg15[%get3A_570, %get3A_571] {strides = array<i32>} : memref<32x768xf32, #tpu.memory_space<vmem>>, vector<16xf32>,
      %mul3A_573 = arith.mulf %gather3A_75, %get3A_572 : vector<16xf32>
      %add3A_574 = arith.addf %mul3A_569, %mul3A_573 : vector<16xf32>
      %swap3A_575 = arith.index_cast %scan3A_72 : i32 to index
      %swap3A_576 = arith.constant 656 : index
      %swap3A_577 = tpu.vector_load %arg13[%swap3A_575, %swap3A_576] {strides = array<i32>} : memref<32x768xf32, #tpu.memory_space<vmem>>, vector<16xf32>,
      tpu.vector_store %arg13[%swap3A_575, %swap3A_576], %add3A_574 {strides = array<i32>} : memref<32x768xf32, #tpu.memory_space<vmem>>, vector<16xf32>,
      %get3A_578 = arith.index_cast %scan3A_72 : i32 to index
      %get3A_579 = arith.constant 672 : index
      %get3A_580 = tpu.vector_load %arg13[%get3A_578, %get3A_579] {strides = array<i32>} : memref<32x768xf32, #tpu.memory_space<vmem>>, vector<16xf32>,
      %mul3A_581 = arith.mulf %gather3A, %get3A_580 : vector<16xf32>
      %get3A_582 = arith.index_cast %scan3A_72 : i32 to index
      %get3A_583 = arith.constant 672 : index
      %get3A_584 = tpu.vector_load %arg15[%get3A_582, %get3A_583] {strides = array<i32>} : memref<32x768xf32, #tpu.memory_space<vmem>>, vector<16xf32>,
      %mul3A_585 = arith.mulf %gather3A_75, %get3A_584 : vector<16xf32>
      %add3A_586 = arith.addf %mul3A_581, %mul3A_585 : vector<16xf32>
      %swap3A_587 = arith.index_cast %scan3A_72 : i32 to index
      %swap3A_588 = arith.constant 672 : index
      %swap3A_589 = tpu.vector_load %arg13[%swap3A_587, %swap3A_588] {strides = array<i32>} : memref<32x768xf32, #tpu.memory_space<vmem>>, vector<16xf32>,
      tpu.vector_store %arg13[%swap3A_587, %swap3A_588], %add3A_586 {strides = array<i32>} : memref<32x768xf32, #tpu.memory_space<vmem>>, vector<16xf32>,
      %get3A_590 = arith.index_cast %scan3A_72 : i32 to index
      %get3A_591 = arith.constant 688 : index
      %get3A_592 = tpu.vector_load %arg13[%get3A_590, %get3A_591] {strides = array<i32>} : memref<32x768xf32, #tpu.memory_space<vmem>>, vector<16xf32>,
      %mul3A_593 = arith.mulf %gather3A, %get3A_592 : vector<16xf32>
      %get3A_594 = arith.index_cast %scan3A_72 : i32 to index
      %get3A_595 = arith.constant 688 : index
      %get3A_596 = tpu.vector_load %arg15[%get3A_594, %get3A_595] {strides = array<i32>} : memref<32x768xf32, #tpu.memory_space<vmem>>, vector<16xf32>,
      %mul3A_597 = arith.mulf %gather3A_75, %get3A_596 : vector<16xf32>
      %add3A_598 = arith.addf %mul3A_593, %mul3A_597 : vector<16xf32>
      %swap3A_599 = arith.index_cast %scan3A_72 : i32 to index
      %swap3A_600 = arith.constant 688 : index
      %swap3A_601 = tpu.vector_load %arg13[%swap3A_599, %swap3A_600] {strides = array<i32>} : memref<32x768xf32, #tpu.memory_space<vmem>>, vector<16xf32>,
      tpu.vector_store %arg13[%swap3A_599, %swap3A_600], %add3A_598 {strides = array<i32>} : memref<32x768xf32, #tpu.memory_space<vmem>>, vector<16xf32>,
      %get3A_602 = arith.index_cast %scan3A_72 : i32 to index
      %get3A_603 = arith.constant 704 : index
      %get3A_604 = tpu.vector_load %arg13[%get3A_602, %get3A_603] {strides = array<i32>} : memref<32x768xf32, #tpu.memory_space<vmem>>, vector<16xf32>,
      %mul3A_605 = arith.mulf %gather3A, %get3A_604 : vector<16xf32>
      %get3A_606 = arith.index_cast %scan3A_72 : i32 to index
      %get3A_607 = arith.constant 704 : index
      %get3A_608 = tpu.vector_load %arg15[%get3A_606, %get3A_607] {strides = array<i32>} : memref<32x768xf32, #tpu.memory_space<vmem>>, vector<16xf32>,
      %mul3A_609 = arith.mulf %gather3A_75, %get3A_608 : vector<16xf32>
      %add3A_610 = arith.addf %mul3A_605, %mul3A_609 : vector<16xf32>
      %swap3A_611 = arith.index_cast %scan3A_72 : i32 to index
      %swap3A_612 = arith.constant 704 : index
      %swap3A_613 = tpu.vector_load %arg13[%swap3A_611, %swap3A_612] {strides = array<i32>} : memref<32x768xf32, #tpu.memory_space<vmem>>, vector<16xf32>,
      tpu.vector_store %arg13[%swap3A_611, %swap3A_612], %add3A_610 {strides = array<i32>} : memref<32x768xf32, #tpu.memory_space<vmem>>, vector<16xf32>,
      %get3A_614 = arith.index_cast %scan3A_72 : i32 to index
      %get3A_615 = arith.constant 720 : index
      %get3A_616 = tpu.vector_load %arg13[%get3A_614, %get3A_615] {strides = array<i32>} : memref<32x768xf32, #tpu.memory_space<vmem>>, vector<16xf32>,
      %mul3A_617 = arith.mulf %gather3A, %get3A_616 : vector<16xf32>
      %get3A_618 = arith.index_cast %scan3A_72 : i32 to index
      %get3A_619 = arith.constant 720 : index
      %get3A_620 = tpu.vector_load %arg15[%get3A_618, %get3A_619] {strides = array<i32>} : memref<32x768xf32, #tpu.memory_space<vmem>>, vector<16xf32>,
      %mul3A_621 = arith.mulf %gather3A_75, %get3A_620 : vector<16xf32>
      %add3A_622 = arith.addf %mul3A_617, %mul3A_621 : vector<16xf32>
      %swap3A_623 = arith.index_cast %scan3A_72 : i32 to index
      %swap3A_624 = arith.constant 720 : index
      %swap3A_625 = tpu.vector_load %arg13[%swap3A_623, %swap3A_624] {strides = array<i32>} : memref<32x768xf32, #tpu.memory_space<vmem>>, vector<16xf32>,
      tpu.vector_store %arg13[%swap3A_623, %swap3A_624], %add3A_622 {strides = array<i32>} : memref<32x768xf32, #tpu.memory_space<vmem>>, vector<16xf32>,
      %get3A_626 = arith.index_cast %scan3A_72 : i32 to index
      %get3A_627 = arith.constant 736 : index
      %get3A_628 = tpu.vector_load %arg13[%get3A_626, %get3A_627] {strides = array<i32>} : memref<32x768xf32, #tpu.memory_space<vmem>>, vector<16xf32>,
      %mul3A_629 = arith.mulf %gather3A, %get3A_628 : vector<16xf32>
      %get3A_630 = arith.index_cast %scan3A_72 : i32 to index
      %get3A_631 = arith.constant 736 : index
      %get3A_632 = tpu.vector_load %arg15[%get3A_630, %get3A_631] {strides = array<i32>} : memref<32x768xf32, #tpu.memory_space<vmem>>, vector<16xf32>,
      %mul3A_633 = arith.mulf %gather3A_75, %get3A_632 : vector<16xf32>
      %add3A_634 = arith.addf %mul3A_629, %mul3A_633 : vector<16xf32>
      %swap3A_635 = arith.index_cast %scan3A_72 : i32 to index
      %swap3A_636 = arith.constant 736 : index
      %swap3A_637 = tpu.vector_load %arg13[%swap3A_635, %swap3A_636] {strides = array<i32>} : memref<32x768xf32, #tpu.memory_space<vmem>>, vector<16xf32>,
      tpu.vector_store %arg13[%swap3A_635, %swap3A_636], %add3A_634 {strides = array<i32>} : memref<32x768xf32, #tpu.memory_space<vmem>>, vector<16xf32>,
      %get3A_638 = arith.index_cast %scan3A_72 : i32 to index
      %get3A_639 = arith.constant 752 : index
      %get3A_640 = tpu.vector_load %arg13[%get3A_638, %get3A_639] {strides = array<i32>} : memref<32x768xf32, #tpu.memory_space<vmem>>, vector<16xf32>,
      %mul3A_641 = arith.mulf %gather3A, %get3A_640 : vector<16xf32>
      %get3A_642 = arith.index_cast %scan3A_72 : i32 to index
      %get3A_643 = arith.constant 752 : index
      %get3A_644 = tpu.vector_load %arg15[%get3A_642, %get3A_643] {strides = array<i32>} : memref<32x768xf32, #tpu.memory_space<vmem>>, vector<16xf32>,
      %mul3A_645 = arith.mulf %gather3A_75, %get3A_644 : vector<16xf32>
      %add3A_646 = arith.addf %mul3A_641, %mul3A_645 : vector<16xf32>
      %swap3A_647 = arith.index_cast %scan3A_72 : i32 to index
      %swap3A_648 = arith.constant 752 : index
      %swap3A_649 = tpu.vector_load %arg13[%swap3A_647, %swap3A_648] {strides = array<i32>} : memref<32x768xf32, #tpu.memory_space<vmem>>, vector<16xf32>,
      tpu.vector_store %arg13[%swap3A_647, %swap3A_648], %add3A_646 {strides = array<i32>} : memref<32x768xf32, #tpu.memory_space<vmem>>, vector<16xf32>,
    }
    %scan3A_57 = arith.constant 32 : i32
    %add3A_58 = arith.constant 32 : i32
    %add3A_59 = arith.addi %mul3A_2, %add3A_58 : i32
    %dma_start3A_60 = arith.constant 0 : i32
    %dma_start3A_61 = tpu.memref_slice %arg7[%add3A_59, %dma_start3A_60] : memref<2048x768xf32, #tpu.memory_space<hbm>> -> memref<32x768xf32, #tpu.memory_space<hbm>>
    %dma_start3A_62 = arith.constant 0 : i32
    %dma_start3A_63 = tpu.memref_slice %arg7[%add3A_59, %dma_start3A_62] : memref<2048x768xf32, #tpu.memory_space<hbm>> -> memref<32x768xf32, #tpu.memory_space<hbm>>
    tpu.enqueue_dma source(%arg13 : memref<32x768xf32, #tpu.memory_space<vmem>>) target(%dma_start3A_63 : memref<32x768xf32, #tpu.memory_space<hbm>>) target_semaphore(%arg17 : memref<!tpu.dma_semaphore, #tpu.memory_space<semaphore_mem>>)
    %dma_wait3A_64 = arith.constant 0 : i32
    %dma_wait3A_65 = tpu.memref_slice %arg7[%add3A_37, %dma_wait3A_64] : memref<2048x768xf32, #tpu.memory_space<hbm>> -> memref<32x768xf32, #tpu.memory_space<hbm>>
    %dma_wait3A_66 = arith.constant 0 : i32
    %dma_wait3A_67 = tpu.memref_slice %arg7[%add3A_37, %dma_wait3A_66] : memref<2048x768xf32, #tpu.memory_space<hbm>> -> memref<32x768xf32, #tpu.memory_space<hbm>>
    tpu.wait_dma2 semaphore(%arg17 : memref<!tpu.dma_semaphore, #tpu.memory_space<semaphore_mem>>) src(%arg12 : memref<32x768xf32, #tpu.memory_space<vmem>>) dst(%dma_wait3A_67 : memref<32x768xf32, #tpu.memory_space<hbm>>)
    %dma_wait3A_68 = arith.constant 0 : i32
    %dma_wait3A_69 = tpu.memref_slice %arg7[%add3A_59, %dma_wait3A_68] : memref<2048x768xf32, #tpu.memory_space<hbm>> -> memref<32x768xf32, #tpu.memory_space<hbm>>
    %dma_wait3A_70 = arith.constant 0 : i32
    %dma_wait3A_71 = tpu.memref_slice %arg7[%add3A_59, %dma_wait3A_70] : memref<2048x768xf32, #tpu.memory_space<hbm>> -> memref<32x768xf32, #tpu.memory_space<hbm>>
    tpu.wait_dma2 semaphore(%arg17 : memref<!tpu.dma_semaphore, #tpu.memory_space<semaphore_mem>>) src(%arg13 : memref<32x768xf32, #tpu.memory_space<vmem>>) dst(%dma_wait3A_71 : memref<32x768xf32, #tpu.memory_space<hbm>>)
    return
  }
}

#map = affine_map<(d0, d1) -> (0, 0)>
#map1 = affine_map<(d0, d1) -> (0)>
module attributes {stable_mosaic.version = 14 : i64} {
  func.func @k(%arg0: i32, %arg1: i32, %arg2: memref<2048x768xf32, #tpu.memory_space<hbm>>, %arg3: memref<4096xi32, #tpu.memory_space<hbm>>, %arg4: memref<5120x768xf32, #tpu.memory_space<hbm>>, %arg5: memref<128xi32, #tpu.memory_space<vmem>>, %arg6: memref<128x768xf32, #tpu.memory_space<vmem>>, %arg7: memref<!tpu.dma_semaphore, #tpu.memory_space<semaphore_mem>>) attributes {dimension_semantics = [#tpu.dimension_semantics<core_parallel>, #tpu.dimension_semantics<subcore_parallel>], iteration_bounds = array<i64: 2, 16>, scalar_prefetch = 0 : i64, scratch_operands = 3 : i64, tpu.core_type = #tpu.core_type<sc_vector_subcore>, window_params = [{transform_indices = #map}, {transform_indices = #map1}, {transform_indices = #map}]} {
    %mul3A = arith.constant 2 : i32
    %mul3A_0 = arith.muli %arg1, %mul3A : i32
    %add3A = arith.addi %mul3A_0, %arg0 : i32
    %mul3A_1 = arith.constant 128 : i32
    %mul3A_2 = arith.muli %add3A, %mul3A_1 : i32
    %rem3A = arith.constant 2048 : i32
    %rem3A_3 = arith.remsi %mul3A_2, %rem3A : i32
    "tpu.region"() ({
      %run_scoped3A = tpu.sem_alloc : memref<!tpu.dma_semaphore, #tpu.memory_space<semaphore_mem>>
      %dma_start3A_8 = tpu.memref_slice %arg3[%mul3A_2] : memref<4096xi32, #tpu.memory_space<hbm>> -> memref<128xi32, #tpu.memory_space<hbm>>
      %dma_start3A_9 = tpu.memref_slice %arg3[%mul3A_2] : memref<4096xi32, #tpu.memory_space<hbm>> -> memref<128xi32, #tpu.memory_space<hbm>>
      tpu.enqueue_dma source(%dma_start3A_9 : memref<128xi32, #tpu.memory_space<hbm>>) target(%arg5 : memref<128xi32, #tpu.memory_space<vmem>>) target_semaphore(%run_scoped3A : memref<!tpu.dma_semaphore, #tpu.memory_space<semaphore_mem>>)
      %dma_wait3A_10 = tpu.memref_slice %arg3[%mul3A_2] : memref<4096xi32, #tpu.memory_space<hbm>> -> memref<128xi32, #tpu.memory_space<hbm>>
      %dma_wait3A_11 = tpu.memref_slice %arg3[%mul3A_2] : memref<4096xi32, #tpu.memory_space<hbm>> -> memref<128xi32, #tpu.memory_space<hbm>>
      tpu.wait_dma2 semaphore(%run_scoped3A : memref<!tpu.dma_semaphore, #tpu.memory_space<semaphore_mem>>) src(%dma_wait3A_11 : memref<128xi32, #tpu.memory_space<hbm>>) dst(%arg5 : memref<128xi32, #tpu.memory_space<vmem>>)
      tpu.yield
    }) : () -> ()
    "tpu.region"() ({
      %run_scoped3A = tpu.sem_alloc : memref<!tpu.dma_semaphore, #tpu.memory_space<semaphore_mem>>
      %dma_start3A_8 = arith.constant 0 : i32
      %dma_start3A_9 = tpu.memref_slice %arg2[%rem3A_3, %dma_start3A_8] : memref<2048x768xf32, #tpu.memory_space<hbm>> -> memref<128x768xf32, #tpu.memory_space<hbm>>
      %dma_start3A_10 = arith.constant 0 : i32
      %dma_start3A_11 = tpu.memref_slice %arg2[%rem3A_3, %dma_start3A_10] : memref<2048x768xf32, #tpu.memory_space<hbm>> -> memref<128x768xf32, #tpu.memory_space<hbm>>
      tpu.enqueue_dma source(%dma_start3A_11 : memref<128x768xf32, #tpu.memory_space<hbm>>) target(%arg6 : memref<128x768xf32, #tpu.memory_space<vmem>>) target_semaphore(%run_scoped3A : memref<!tpu.dma_semaphore, #tpu.memory_space<semaphore_mem>>)
      %dma_wait3A_12 = arith.constant 0 : i32
      %dma_wait3A_13 = tpu.memref_slice %arg2[%rem3A_3, %dma_wait3A_12] : memref<2048x768xf32, #tpu.memory_space<hbm>> -> memref<128x768xf32, #tpu.memory_space<hbm>>
      %dma_wait3A_14 = arith.constant 0 : i32
      %dma_wait3A_15 = tpu.memref_slice %arg2[%rem3A_3, %dma_wait3A_14] : memref<2048x768xf32, #tpu.memory_space<hbm>> -> memref<128x768xf32, #tpu.memory_space<hbm>>
      tpu.wait_dma2 semaphore(%run_scoped3A : memref<!tpu.dma_semaphore, #tpu.memory_space<semaphore_mem>>) src(%dma_wait3A_15 : memref<128x768xf32, #tpu.memory_space<hbm>>) dst(%arg6 : memref<128x768xf32, #tpu.memory_space<vmem>>)
      tpu.yield
    }) : () -> ()
    %dma_start3A = arith.constant 0 : i32
    %dma_start3A_4 = arith.constant 0 : i32
    %dma_start3A_5 = tpu.memref_slice %arg4[%dma_start3A, %dma_start3A_4] : memref<5120x768xf32, #tpu.memory_space<hbm>> -> memref<5120x768xf32, #tpu.memory_space<hbm>>
    tpu.enqueue_indirect_dma source(%arg6 : memref<128x768xf32, #tpu.memory_space<vmem>>) target(%dma_start3A_5 : memref<5120x768xf32, #tpu.memory_space<hbm>>) offsets(%arg5 : memref<128xi32, #tpu.memory_space<vmem>>) semaphore(%arg7 : memref<!tpu.dma_semaphore, #tpu.memory_space<semaphore_mem>>)
    %dma_wait3A = arith.constant 0 : i32
    %dma_wait3A_6 = arith.constant 0 : i32
    %dma_wait3A_7 = tpu.memref_slice %arg4[%dma_wait3A, %dma_wait3A_6] : memref<5120x768xf32, #tpu.memory_space<hbm>> -> memref<5120x768xf32, #tpu.memory_space<hbm>>
    tpu.wait_indirect_dma semaphore(%arg7 : memref<!tpu.dma_semaphore, #tpu.memory_space<semaphore_mem>>) src(%arg6 : memref<128x768xf32, #tpu.memory_space<vmem>>) dst(%dma_wait3A_7 : memref<5120x768xf32, #tpu.memory_space<hbm>>)
    return
  }
}

module attributes {stable_mosaic.version = 14 : i64} {
  func.func @_route_kernel(%arg0: memref<2048x768xf32, #tpu.memory_space<vmem>>, %arg1: memref<768x128xf32, #tpu.memory_space<vmem>>, %arg2: memref<2048x128xf32, #tpu.memory_space<vmem>>, %arg3: memref<2048x128xf32, #tpu.memory_space<vmem>>, %arg4: memref<2048x128xi32, #tpu.memory_space<vmem>>, %arg5: memref<8x128xi32, #tpu.memory_space<vmem>>) attributes {dimension_semantics = [], scalar_prefetch = 0 : i64, scratch_operands = 0 : i64, tpu.core_type = #tpu.core_type<tc>} {
    %get3A = arith.constant 0 : index
    %get3A_0 = arith.constant 0 : index
    %get3A_1 = vector.load %arg0[%get3A, %get3A_0] : memref<2048x768xf32, #tpu.memory_space<vmem>>, vector<2048x768xf32>
    %get3A_2 = arith.constant 0 : index
    %get3A_3 = arith.constant 0 : index
    %get3A_4 = vector.load %arg1[%get3A_2, %get3A_3] : memref<768x128xf32, #tpu.memory_space<vmem>>, vector<768x128xf32>
    %dot_general3A = arith.constant dense<0.000000e+00> : vector<2048x128xf32>
    %dot_general3A_5 = tpu.matmul %get3A_1, %get3A_4, %dot_general3A {dimension_numbers = #tpu.dot_dimension_numbers<[1], [0], [0], [1], [0, 0, 1, 1], [], []>, transpose_lhs_hint = false} : vector<2048x768xf32>, vector<768x128xf32>, vector<2048x128xf32> -> vector<2048x128xf32>
    %swap3A = arith.constant 0 : index
    %swap3A_6 = arith.constant 0 : index
    %swap3A_7 = vector.load %arg2[%swap3A, %swap3A_6] : memref<2048x128xf32, #tpu.memory_space<vmem>>, vector<2048x128xf32>
    tpu.vector_store %arg2[%swap3A, %swap3A_6], %dot_general3A_5 {strides = array<i32>} : memref<2048x128xf32, #tpu.memory_space<vmem>>, vector<2048x128xf32>,
    %iota3A = tpu.iota {dimensions = array<i32: 1>} : vector<2048x128xi32>
    %convert_element_type3A = arith.sitofp %iota3A : vector<2048x128xi32> to vector<2048x128xf32>
    %lt3A = arith.constant 8 : i32
    %lt3A_8 = vector.broadcast %lt3A : i32 to vector<2048x128xi32>
    %lt3A_9 = arith.cmpi slt, %iota3A, %lt3A_8 : vector<2048x128xi32>
    %jit3A = arith.constant 0xFF800000 : f32
    %broadcast_in_dim3A = vector.broadcast %jit3A : f32 to vector<2048x128xf32>
    %select_n3A = arith.select %lt3A_9, %dot_general3A_5, %broadcast_in_dim3A : vector<2048x128xi1>, vector<2048x128xf32>
    %reduce_max3A = arith.constant dense<0xFF800000> : vector<2048xf32>
    %reduce_max3A_10 = vector.multi_reduction <maximumf>, %select_n3A, %reduce_max3A [1] : vector<2048x128xf32> to vector<2048xf32>
    %broadcast_in_dim3A_11 = vector.shape_cast %reduce_max3A_10 : vector<2048xf32> to vector<2048x1xf32>
    %eq3A = vector.broadcast %broadcast_in_dim3A_11 : vector<2048x1xf32> to vector<2048x128xf32>
    %eq3A_12 = arith.cmpf oeq, %select_n3A, %eq3A : vector<2048x128xf32>
    %jit3A_13 = arith.constant 128 : i32
    %broadcast_in_dim3A_14 = vector.broadcast %jit3A_13 : i32 to vector<2048x128xi32>
    %select_n3A_15 = arith.select %eq3A_12, %iota3A, %broadcast_in_dim3A_14 : vector<2048x128xi1>, vector<2048x128xi32>
    %reduce_min3A = arith.constant dense<2147483647> : vector<2048xi32>
    %reduce_min3A_16 = vector.multi_reduction <minsi>, %select_n3A_15, %reduce_min3A [1] : vector<2048x128xi32> to vector<2048xi32>
    %broadcast_in_dim3A_17 = vector.shape_cast %reduce_min3A_16 : vector<2048xi32> to vector<2048x1xi32>
    %sub3A = vector.broadcast %broadcast_in_dim3A_11 : vector<2048x1xf32> to vector<2048x128xf32>
    %sub3A_18 = arith.subf %select_n3A, %sub3A : vector<2048x128xf32>
    %exp3A = math.exp %sub3A_18 : vector<2048x128xf32>
    %jit3A_19 = arith.constant 0.000000e+00 : f32
    %broadcast_in_dim3A_20 = vector.broadcast %jit3A_19 : f32 to vector<2048x128xf32>
    %select_n3A_21 = arith.select %lt3A_9, %exp3A, %broadcast_in_dim3A_20 : vector<2048x128xi1>, vector<2048x128xf32>
    %reduce_sum3A = arith.constant dense<0.000000e+00> : vector<2048xf32>
    %reduce_sum3A_22 = vector.multi_reduction <add>, %select_n3A_21, %reduce_sum3A [1] : vector<2048x128xf32> to vector<2048xf32>
    %broadcast_in_dim3A_23 = vector.shape_cast %reduce_sum3A_22 : vector<2048xf32> to vector<2048x1xf32>
    %eq3A_24 = vector.broadcast %broadcast_in_dim3A_17 : vector<2048x1xi32> to vector<2048x128xi32>
    %eq3A_25 = arith.cmpi eq, %iota3A, %eq3A_24 : vector<2048x128xi32>
    %jit3A_26 = arith.constant 0xFF800000 : f32
    %broadcast_in_dim3A_27 = vector.broadcast %jit3A_26 : f32 to vector<2048x128xf32>
    %select_n3A_28 = arith.select %eq3A_25, %broadcast_in_dim3A_27, %select_n3A : vector<2048x128xi1>, vector<2048x128xf32>
    %reduce_max3A_29 = arith.constant dense<0xFF800000> : vector<2048xf32>
    %reduce_max3A_30 = vector.multi_reduction <maximumf>, %select_n3A_28, %reduce_max3A_29 [1] : vector<2048x128xf32> to vector<2048xf32>
    %broadcast_in_dim3A_31 = vector.shape_cast %reduce_max3A_30 : vector<2048xf32> to vector<2048x1xf32>
    %eq3A_32 = vector.broadcast %broadcast_in_dim3A_31 : vector<2048x1xf32> to vector<2048x128xf32>
    %eq3A_33 = arith.cmpf oeq, %select_n3A_28, %eq3A_32 : vector<2048x128xf32>
    %jit3A_34 = arith.constant 128 : i32
    %broadcast_in_dim3A_35 = vector.broadcast %jit3A_34 : i32 to vector<2048x128xi32>
    %select_n3A_36 = arith.select %eq3A_33, %iota3A, %broadcast_in_dim3A_35 : vector<2048x128xi1>, vector<2048x128xi32>
    %reduce_min3A_37 = arith.constant dense<2147483647> : vector<2048xi32>
    %reduce_min3A_38 = vector.multi_reduction <minsi>, %select_n3A_36, %reduce_min3A_37 [1] : vector<2048x128xi32> to vector<2048xi32>
    %broadcast_in_dim3A_39 = vector.shape_cast %reduce_min3A_38 : vector<2048xi32> to vector<2048x1xi32>
    %div3A = arith.constant 1.000000e+00 : f32
    %div3A_40 = vector.broadcast %div3A : f32 to vector<2048x1xf32>
    %div3A_41 = arith.divf %div3A_40, %broadcast_in_dim3A_23 : vector<2048x1xf32>
    %sub3A_42 = arith.subf %broadcast_in_dim3A_31, %broadcast_in_dim3A_11 : vector<2048x1xf32>
    %exp3A_43 = math.exp %sub3A_42 : vector<2048x1xf32>
    %div3A_44 = arith.divf %exp3A_43, %broadcast_in_dim3A_23 : vector<2048x1xf32>
    %eq3A_45 = arith.constant 0 : i32
    %eq3A_46 = vector.broadcast %eq3A_45 : i32 to vector<2048x128xi32>
    %eq3A_47 = arith.cmpi eq, %iota3A, %eq3A_46 : vector<2048x128xi32>
    %jit3A_48 = arith.constant 0.000000e+00 : f32
    %broadcast_in_dim3A_49 = vector.shape_cast %div3A_41 : vector<2048x1xf32> to vector<2048x1xf32>
    %broadcast_in_dim3A_50 = vector.broadcast %broadcast_in_dim3A_49 : vector<2048x1xf32> to vector<2048x128xf32>
    %broadcast_in_dim3A_51 = vector.broadcast %jit3A_48 : f32 to vector<2048x128xf32>
    %select_n3A_52 = arith.select %eq3A_47, %broadcast_in_dim3A_50, %broadcast_in_dim3A_51 : vector<2048x128xi1>, vector<2048x128xf32>
    %eq3A_53 = arith.constant 1 : i32
    %eq3A_54 = vector.broadcast %eq3A_53 : i32 to vector<2048x128xi32>
    %eq3A_55 = arith.cmpi eq, %iota3A, %eq3A_54 : vector<2048x128xi32>
    %jit3A_56 = arith.constant 0.000000e+00 : f32
    %broadcast_in_dim3A_57 = vector.shape_cast %div3A_44 : vector<2048x1xf32> to vector<2048x1xf32>
    %broadcast_in_dim3A_58 = vector.broadcast %broadcast_in_dim3A_57 : vector<2048x1xf32> to vector<2048x128xf32>
    %broadcast_in_dim3A_59 = vector.broadcast %jit3A_56 : f32 to vector<2048x128xf32>
    %select_n3A_60 = arith.select %eq3A_55, %broadcast_in_dim3A_58, %broadcast_in_dim3A_59 : vector<2048x128xi1>, vector<2048x128xf32>
    %add3A = arith.addf %select_n3A_52, %select_n3A_60 : vector<2048x128xf32>
    %swap3A_61 = arith.constant 0 : index
    %swap3A_62 = arith.constant 0 : index
    %swap3A_63 = vector.load %arg3[%swap3A_61, %swap3A_62] : memref<2048x128xf32, #tpu.memory_space<vmem>>, vector<2048x128xf32>
    tpu.vector_store %arg3[%swap3A_61, %swap3A_62], %add3A {strides = array<i32>} : memref<2048x128xf32, #tpu.memory_space<vmem>>, vector<2048x128xf32>,
    %convert_element_type3A_64 = arith.sitofp %broadcast_in_dim3A_17 : vector<2048x1xi32> to vector<2048x1xf32>
    %convert_element_type3A_65 = arith.sitofp %broadcast_in_dim3A_39 : vector<2048x1xi32> to vector<2048x1xf32>
    %eq3A_66 = vector.broadcast %convert_element_type3A_64 : vector<2048x1xf32> to vector<2048x128xf32>
    %eq3A_67 = arith.cmpf oeq, %convert_element_type3A, %eq3A_66 : vector<2048x128xf32>
    %jit3A_68 = arith.constant 1.000000e+00 : f32
    %jit3A_69 = arith.constant 0.000000e+00 : f32
    %broadcast_in_dim3A_70 = vector.broadcast %jit3A_68 : f32 to vector<2048x128xf32>
    %broadcast_in_dim3A_71 = vector.broadcast %jit3A_69 : f32 to vector<2048x128xf32>
    %select_n3A_72 = arith.select %eq3A_67, %broadcast_in_dim3A_70, %broadcast_in_dim3A_71 : vector<2048x128xi1>, vector<2048x128xf32>
    %add3A_73 = arith.constant 8.000000e+00 : f32
    %add3A_74 = vector.broadcast %add3A_73 : f32 to vector<2048x1xf32>
    %add3A_75 = arith.addf %convert_element_type3A_65, %add3A_74 : vector<2048x1xf32>
    %eq3A_76 = vector.broadcast %add3A_75 : vector<2048x1xf32> to vector<2048x128xf32>
    %eq3A_77 = arith.cmpf oeq, %convert_element_type3A, %eq3A_76 : vector<2048x128xf32>
    %jit3A_78 = arith.constant 1.000000e+00 : f32
    %jit3A_79 = arith.constant 0.000000e+00 : f32
    %broadcast_in_dim3A_80 = vector.broadcast %jit3A_78 : f32 to vector<2048x128xf32>
    %broadcast_in_dim3A_81 = vector.broadcast %jit3A_79 : f32 to vector<2048x128xf32>
    %select_n3A_82 = arith.select %eq3A_77, %broadcast_in_dim3A_80, %broadcast_in_dim3A_81 : vector<2048x128xi1>, vector<2048x128xf32>
    %add3A_83 = arith.addf %select_n3A_72, %select_n3A_82 : vector<2048x128xf32>
    %iota3A_84 = tpu.iota {dimensions = array<i32: 0>} : vector<2048x2048xi32>
    %iota3A_85 = tpu.iota {dimensions = array<i32: 1>} : vector<2048x2048xi32>
    %ge3A = arith.cmpi sge, %iota3A_84, %iota3A_85 : vector<2048x2048xi32>
    %jit3A_86 = arith.constant 1.000000e+00 : f32
    %jit3A_87 = arith.constant 0.000000e+00 : f32
    %broadcast_in_dim3A_88 = vector.broadcast %jit3A_86 : f32 to vector<2048x2048xf32>
    %broadcast_in_dim3A_89 = vector.broadcast %jit3A_87 : f32 to vector<2048x2048xf32>
    %select_n3A_90 = arith.select %ge3A, %broadcast_in_dim3A_88, %broadcast_in_dim3A_89 : vector<2048x2048xi1>, vector<2048x2048xf32>
    %dot_general3A_91 = arith.constant dense<0.000000e+00> : vector<2048x128xf32>
    %dot_general3A_92 = tpu.matmul %select_n3A_90, %add3A_83, %dot_general3A_91 {dimension_numbers = #tpu.dot_dimension_numbers<[1], [0], [0], [1], [0, 0, 1, 1], [], []>, transpose_lhs_hint = false} : vector<2048x2048xf32>, vector<2048x128xf32>, vector<2048x128xf32> -> vector<2048x128xf32>
    %slice3A = vector.extract_strided_slice %dot_general3A_92 {offsets = [2047, 0], sizes = [1, 128], strides = [1, 1]} : vector<2048x128xf32> to vector<1x128xf32>
    %iota3A_93 = tpu.iota {dimensions = array<i32: 0>} : vector<128x128xi32>
    %iota3A_94 = tpu.iota {dimensions = array<i32: 1>} : vector<128x128xi32>
    %eq3A_95 = arith.cmpi eq, %iota3A_93, %iota3A_94 : vector<128x128xi32>
    %add3A_96 = arith.constant 8 : i32
    %add3A_97 = vector.broadcast %add3A_96 : i32 to vector<128x128xi32>
    %add3A_98 = arith.addi %iota3A_94, %add3A_97 : vector<128x128xi32>
    %eq3A_99 = arith.cmpi eq, %iota3A_93, %add3A_98 : vector<128x128xi32>
    %or3A = arith.ori %eq3A_95, %eq3A_99 : vector<128x128xi1>
    %jit3A_100 = arith.constant 1.000000e+00 : f32
    %jit3A_101 = arith.constant 0.000000e+00 : f32
    %broadcast_in_dim3A_102 = vector.broadcast %jit3A_100 : f32 to vector<128x128xf32>
    %broadcast_in_dim3A_103 = vector.broadcast %jit3A_101 : f32 to vector<128x128xf32>
    %select_n3A_104 = arith.select %or3A, %broadcast_in_dim3A_102, %broadcast_in_dim3A_103 : vector<128x128xi1>, vector<128x128xf32>
    %lt3A_105 = arith.constant 8 : i32
    %lt3A_106 = vector.broadcast %lt3A_105 : i32 to vector<128x128xi32>
    %lt3A_107 = arith.cmpi slt, %iota3A_94, %lt3A_106 : vector<128x128xi32>
    %jit3A_108 = arith.constant 1.000000e+00 : f32
    %jit3A_109 = arith.constant 0.000000e+00 : f32
    %broadcast_in_dim3A_110 = vector.broadcast %jit3A_108 : f32 to vector<128x128xf32>
    %broadcast_in_dim3A_111 = vector.broadcast %jit3A_109 : f32 to vector<128x128xf32>
    %select_n3A_112 = arith.select %lt3A_107, %broadcast_in_dim3A_110, %broadcast_in_dim3A_111 : vector<128x128xi1>, vector<128x128xf32>
    %mul3A = arith.mulf %select_n3A_104, %select_n3A_112 : vector<128x128xf32>
    %dot_general3A_113 = arith.constant dense<0.000000e+00> : vector<1x128xf32>
    %dot_general3A_114 = tpu.matmul %slice3A, %mul3A, %dot_general3A_113 {dimension_numbers = #tpu.dot_dimension_numbers<[1], [0], [0], [1], [0, 0, 1, 1], [], []>, transpose_lhs_hint = false} : vector<1x128xf32>, vector<128x128xf32>, vector<1x128xf32> -> vector<1x128xf32>
    %div3A_115 = arith.constant 1.280000e+02 : f32
    %div3A_116 = vector.broadcast %div3A_115 : f32 to vector<1x128xf32>
    %div3A_117 = arith.divf %dot_general3A_114, %div3A_116 : vector<1x128xf32>
    %ceil3A = math.ceil %div3A_117 : vector<1x128xf32>
    %mul3A_118 = arith.constant 1.280000e+02 : f32
    %mul3A_119 = vector.broadcast %mul3A_118 : f32 to vector<1x128xf32>
    %mul3A_120 = arith.mulf %ceil3A, %mul3A_119 : vector<1x128xf32>
    %lt3A_121 = arith.cmpi slt, %iota3A_93, %iota3A_94 : vector<128x128xi32>
    %jit3A_122 = arith.constant 1.000000e+00 : f32
    %jit3A_123 = arith.constant 0.000000e+00 : f32
    %broadcast_in_dim3A_124 = vector.broadcast %jit3A_122 : f32 to vector<128x128xf32>
    %broadcast_in_dim3A_125 = vector.broadcast %jit3A_123 : f32 to vector<128x128xf32>
    %select_n3A_126 = arith.select %lt3A_121, %broadcast_in_dim3A_124, %broadcast_in_dim3A_125 : vector<128x128xi1>, vector<128x128xf32>
    %dot_general3A_127 = arith.constant dense<0.000000e+00> : vector<1x128xf32>
    %dot_general3A_128 = tpu.matmul %mul3A_120, %select_n3A_126, %dot_general3A_127 {dimension_numbers = #tpu.dot_dimension_numbers<[1], [0], [0], [1], [0, 0, 1, 1], [], []>, transpose_lhs_hint = false} : vector<1x128xf32>, vector<128x128xf32>, vector<1x128xf32> -> vector<1x128xf32>
    %eq3A_129 = vector.broadcast %convert_element_type3A_64 : vector<2048x1xf32> to vector<2048x128xf32>
    %eq3A_130 = arith.cmpf oeq, %convert_element_type3A, %eq3A_129 : vector<2048x128xf32>
    %jit3A_131 = arith.constant 0.000000e+00 : f32
    %broadcast_in_dim3A_132 = vector.broadcast %jit3A_131 : f32 to vector<2048x128xf32>
    %select_n3A_133 = arith.select %eq3A_130, %dot_general3A_92, %broadcast_in_dim3A_132 : vector<2048x128xi1>, vector<2048x128xf32>
    %reduce_sum3A_134 = arith.constant dense<0.000000e+00> : vector<2048xf32>
    %reduce_sum3A_135 = vector.multi_reduction <add>, %select_n3A_133, %reduce_sum3A_134 [1] : vector<2048x128xf32> to vector<2048xf32>
    %broadcast_in_dim3A_136 = vector.shape_cast %reduce_sum3A_135 : vector<2048xf32> to vector<2048x1xf32>
    %sub3A_137 = arith.constant 1.000000e+00 : f32
    %sub3A_138 = vector.broadcast %sub3A_137 : f32 to vector<2048x1xf32>
    %sub3A_139 = arith.subf %broadcast_in_dim3A_136, %sub3A_138 : vector<2048x1xf32>
    %eq3A_140 = vector.broadcast %convert_element_type3A_65 : vector<2048x1xf32> to vector<2048x128xf32>
    %eq3A_141 = arith.cmpf oeq, %convert_element_type3A, %eq3A_140 : vector<2048x128xf32>
    %jit3A_142 = arith.constant 0.000000e+00 : f32
    %broadcast_in_dim3A_143 = vector.shape_cast %slice3A : vector<1x128xf32> to vector<1x128xf32>
    %broadcast_in_dim3A_144 = vector.broadcast %broadcast_in_dim3A_143 : vector<1x128xf32> to vector<2048x128xf32>
    %broadcast_in_dim3A_145 = vector.broadcast %jit3A_142 : f32 to vector<2048x128xf32>
    %select_n3A_146 = arith.select %eq3A_141, %broadcast_in_dim3A_144, %broadcast_in_dim3A_145 : vector<2048x128xi1>, vector<2048x128xf32>
    %reduce_sum3A_147 = arith.constant dense<0.000000e+00> : vector<2048xf32>
    %reduce_sum3A_148 = vector.multi_reduction <add>, %select_n3A_146, %reduce_sum3A_147 [1] : vector<2048x128xf32> to vector<2048xf32>
    %broadcast_in_dim3A_149 = vector.shape_cast %reduce_sum3A_148 : vector<2048xf32> to vector<2048x1xf32>
    %add3A_150 = arith.constant 8.000000e+00 : f32
    %add3A_151 = vector.broadcast %add3A_150 : f32 to vector<2048x1xf32>
    %add3A_152 = arith.addf %convert_element_type3A_65, %add3A_151 : vector<2048x1xf32>
    %eq3A_153 = vector.broadcast %add3A_152 : vector<2048x1xf32> to vector<2048x128xf32>
    %eq3A_154 = arith.cmpf oeq, %convert_element_type3A, %eq3A_153 : vector<2048x128xf32>
    %jit3A_155 = arith.constant 0.000000e+00 : f32
    %broadcast_in_dim3A_156 = vector.broadcast %jit3A_155 : f32 to vector<2048x128xf32>
    %select_n3A_157 = arith.select %eq3A_154, %dot_general3A_92, %broadcast_in_dim3A_156 : vector<2048x128xi1>, vector<2048x128xf32>
    %reduce_sum3A_158 = arith.constant dense<0.000000e+00> : vector<2048xf32>
    %reduce_sum3A_159 = vector.multi_reduction <add>, %select_n3A_157, %reduce_sum3A_158 [1] : vector<2048x128xf32> to vector<2048xf32>
    %broadcast_in_dim3A_160 = vector.shape_cast %reduce_sum3A_159 : vector<2048xf32> to vector<2048x1xf32>
    %add3A_161 = arith.addf %broadcast_in_dim3A_149, %broadcast_in_dim3A_160 : vector<2048x1xf32>
    %sub3A_162 = arith.constant 1.000000e+00 : f32
    %sub3A_163 = vector.broadcast %sub3A_162 : f32 to vector<2048x1xf32>
    %sub3A_164 = arith.subf %add3A_161, %sub3A_163 : vector<2048x1xf32>
    %eq3A_165 = vector.broadcast %convert_element_type3A_64 : vector<2048x1xf32> to vector<2048x128xf32>
    %eq3A_166 = arith.cmpf oeq, %convert_element_type3A, %eq3A_165 : vector<2048x128xf32>
    %jit3A_167 = arith.constant 0.000000e+00 : f32
    %broadcast_in_dim3A_168 = vector.shape_cast %dot_general3A_128 : vector<1x128xf32> to vector<1x128xf32>
    %broadcast_in_dim3A_169 = vector.broadcast %broadcast_in_dim3A_168 : vector<1x128xf32> to vector<2048x128xf32>
    %broadcast_in_dim3A_170 = vector.broadcast %jit3A_167 : f32 to vector<2048x128xf32>
    %select_n3A_171 = arith.select %eq3A_166, %broadcast_in_dim3A_169, %broadcast_in_dim3A_170 : vector<2048x128xi1>, vector<2048x128xf32>
    %reduce_sum3A_172 = arith.constant dense<0.000000e+00> : vector<2048xf32>
    %reduce_sum3A_173 = vector.multi_reduction <add>, %select_n3A_171, %reduce_sum3A_172 [1] : vector<2048x128xf32> to vector<2048xf32>
    %broadcast_in_dim3A_174 = vector.shape_cast %reduce_sum3A_173 : vector<2048xf32> to vector<2048x1xf32>
    %eq3A_175 = vector.broadcast %convert_element_type3A_65 : vector<2048x1xf32> to vector<2048x128xf32>
    %eq3A_176 = arith.cmpf oeq, %convert_element_type3A, %eq3A_175 : vector<2048x128xf32>
    %jit3A_177 = arith.constant 0.000000e+00 : f32
    %broadcast_in_dim3A_178 = vector.shape_cast %dot_general3A_128 : vector<1x128xf32> to vector<1x128xf32>
    %broadcast_in_dim3A_179 = vector.broadcast %broadcast_in_dim3A_178 : vector<1x128xf32> to vector<2048x128xf32>
    %broadcast_in_dim3A_180 = vector.broadcast %jit3A_177 : f32 to vector<2048x128xf32>
    %select_n3A_181 = arith.select %eq3A_176, %broadcast_in_dim3A_179, %broadcast_in_dim3A_180 : vector<2048x128xi1>, vector<2048x128xf32>
    %reduce_sum3A_182 = arith.constant dense<0.000000e+00> : vector<2048xf32>
    %reduce_sum3A_183 = vector.multi_reduction <add>, %select_n3A_181, %reduce_sum3A_182 [1] : vector<2048x128xf32> to vector<2048xf32>
    %broadcast_in_dim3A_184 = vector.shape_cast %reduce_sum3A_183 : vector<2048xf32> to vector<2048x1xf32>
    %eq3A_185 = arith.constant 0 : i32
    %eq3A_186 = vector.broadcast %eq3A_185 : i32 to vector<2048x128xi32>
    %eq3A_187 = arith.cmpi eq, %iota3A, %eq3A_186 : vector<2048x128xi32>
    %add3A_188 = arith.addf %broadcast_in_dim3A_174, %sub3A_139 : vector<2048x1xf32>
    %jit3A_189 = arith.constant 0.000000e+00 : f32
    %broadcast_in_dim3A_190 = vector.shape_cast %add3A_188 : vector<2048x1xf32> to vector<2048x1xf32>
    %broadcast_in_dim3A_191 = vector.broadcast %broadcast_in_dim3A_190 : vector<2048x1xf32> to vector<2048x128xf32>
    %broadcast_in_dim3A_192 = vector.broadcast %jit3A_189 : f32 to vector<2048x128xf32>
    %select_n3A_193 = arith.select %eq3A_187, %broadcast_in_dim3A_191, %broadcast_in_dim3A_192 : vector<2048x128xi1>, vector<2048x128xf32>
    %eq3A_194 = arith.constant 1 : i32
    %eq3A_195 = vector.broadcast %eq3A_194 : i32 to vector<2048x128xi32>
    %eq3A_196 = arith.cmpi eq, %iota3A, %eq3A_195 : vector<2048x128xi32>
    %add3A_197 = arith.addf %broadcast_in_dim3A_184, %sub3A_164 : vector<2048x1xf32>
    %jit3A_198 = arith.constant 0.000000e+00 : f32
    %broadcast_in_dim3A_199 = vector.shape_cast %add3A_197 : vector<2048x1xf32> to vector<2048x1xf32>
    %broadcast_in_dim3A_200 = vector.broadcast %broadcast_in_dim3A_199 : vector<2048x1xf32> to vector<2048x128xf32>
    %broadcast_in_dim3A_201 = vector.broadcast %jit3A_198 : f32 to vector<2048x128xf32>
    %select_n3A_202 = arith.select %eq3A_196, %broadcast_in_dim3A_200, %broadcast_in_dim3A_201 : vector<2048x128xi1>, vector<2048x128xf32>
    %add3A_203 = arith.addf %select_n3A_193, %select_n3A_202 : vector<2048x128xf32>
    %convert_element_type3A_204 = arith.fptosi %add3A_203 : vector<2048x128xf32> to vector<2048x128xi32>
    %swap3A_205 = arith.constant 0 : index
    %swap3A_206 = arith.constant 0 : index
    %swap3A_207 = vector.load %arg4[%swap3A_205, %swap3A_206] : memref<2048x128xi32, #tpu.memory_space<vmem>>, vector<2048x128xi32>
    tpu.vector_store %arg4[%swap3A_205, %swap3A_206], %convert_element_type3A_204 {strides = array<i32>} : memref<2048x128xi32, #tpu.memory_space<vmem>>, vector<2048x128xi32>,
    %div3A_208 = arith.constant 1.280000e+02 : f32
    %div3A_209 = vector.broadcast %div3A_208 : f32 to vector<1x128xf32>
    %div3A_210 = arith.divf %dot_general3A_128, %div3A_209 : vector<1x128xf32>
    %transpose3A = tpu.transpose %div3A_210, [1, 0] : vector<1x128xf32> -> vector<128x1xf32>
    %convert_element_type3A_211 = arith.sitofp %iota3A_94 : vector<128x128xi32> to vector<128x128xf32>
    %ge3A_212 = vector.broadcast %transpose3A : vector<128x1xf32> to vector<128x128xf32>
    %ge3A_213 = arith.cmpf oge, %convert_element_type3A_211, %ge3A_212 : vector<128x128xf32>
    %lt3A_214 = arith.constant 8 : i32
    %lt3A_215 = vector.broadcast %lt3A_214 : i32 to vector<128x128xi32>
    %lt3A_216 = arith.cmpi slt, %iota3A_93, %lt3A_215 : vector<128x128xi32>
    %and3A = arith.andi %ge3A_213, %lt3A_216 : vector<128x128xi1>
    %jit3A_217 = arith.constant 1.000000e+00 : f32
    %jit3A_218 = arith.constant 0.000000e+00 : f32
    %broadcast_in_dim3A_219 = vector.broadcast %jit3A_217 : f32 to vector<128x128xf32>
    %broadcast_in_dim3A_220 = vector.broadcast %jit3A_218 : f32 to vector<128x128xf32>
    %select_n3A_221 = arith.select %and3A, %broadcast_in_dim3A_219, %broadcast_in_dim3A_220 : vector<128x128xi1>, vector<128x128xf32>
    %broadcast_in_dim3A_222 = arith.constant 1.000000e+00 : f32
    %broadcast_in_dim3A_223 = vector.broadcast %broadcast_in_dim3A_222 : f32 to vector<1x128xf32>
    %dot_general3A_224 = arith.constant dense<0.000000e+00> : vector<1x128xf32>
    %dot_general3A_225 = tpu.matmul %broadcast_in_dim3A_223, %select_n3A_221, %dot_general3A_224 {dimension_numbers = #tpu.dot_dimension_numbers<[1], [0], [0], [1], [0, 0, 1, 1], [], []>, transpose_lhs_hint = false} : vector<1x128xf32>, vector<128x128xf32>, vector<1x128xf32> -> vector<1x128xf32>
    %sub3A_226 = arith.constant 1.000000e+00 : f32
    %sub3A_227 = vector.broadcast %sub3A_226 : f32 to vector<1x128xf32>
    %sub3A_228 = arith.subf %dot_general3A_225, %sub3A_227 : vector<1x128xf32>
    %jit3A_229 = arith.constant 0.000000e+00 : f32
    %jit3A_230 = arith.constant 7.000000e+00 : f32
    %max3A = vector.broadcast %jit3A_229 : f32 to vector<1x128xf32>
    %max3A_231 = arith.maximumf %max3A, %sub3A_228 : vector<1x128xf32>
    %min3A = vector.broadcast %jit3A_230 : f32 to vector<1x128xf32>
    %min3A_232 = arith.minimumf %min3A, %max3A_231 : vector<1x128xf32>
    %slice3A_233 = vector.extract_strided_slice %iota3A {offsets = [0, 0], sizes = [1, 128], strides = [1, 1]} : vector<2048x128xi32> to vector<1x128xi32>
    %eq3A_234 = arith.constant 7 : i32
    %eq3A_235 = vector.broadcast %eq3A_234 : i32 to vector<1x128xi32>
    %eq3A_236 = arith.cmpi eq, %slice3A_233, %eq3A_235 : vector<1x128xi32>
    %add3A_237 = arith.addf %dot_general3A_128, %mul3A_120 : vector<1x128xf32>
    %jit3A_238 = arith.constant 0.000000e+00 : f32
    %broadcast_in_dim3A_239 = vector.broadcast %jit3A_238 : f32 to vector<1x128xf32>
    %select_n3A_240 = arith.select %eq3A_236, %add3A_237, %broadcast_in_dim3A_239 : vector<1x128xi1>, vector<1x128xf32>
    %reduce_sum3A_241 = arith.constant dense<0.000000e+00> : vector<1xf32>
    %reduce_sum3A_242 = vector.multi_reduction <add>, %select_n3A_240, %reduce_sum3A_241 [1] : vector<1x128xf32> to vector<1xf32>
    %broadcast_in_dim3A_243 = vector.shape_cast %reduce_sum3A_242 : vector<1xf32> to vector<1x1xf32>
    %div3A_244 = arith.constant 1.280000e+02 : f32
    %div3A_245 = vector.broadcast %div3A_244 : f32 to vector<1x1xf32>
    %div3A_246 = arith.divf %broadcast_in_dim3A_243, %div3A_245 : vector<1x1xf32>
    %iota3A_247 = tpu.iota {dimensions = array<i32: 0>} : vector<8x128xi32>
    %eq3A_248 = arith.constant 0 : i32
    %eq3A_249 = vector.broadcast %eq3A_248 : i32 to vector<8x128xi32>
    %eq3A_250 = arith.cmpi eq, %iota3A_247, %eq3A_249 : vector<8x128xi32>
    %jit3A_251 = arith.constant 0.000000e+00 : f32
    %broadcast_in_dim3A_252 = vector.shape_cast %min3A_232 : vector<1x128xf32> to vector<1x128xf32>
    %broadcast_in_dim3A_253 = vector.broadcast %broadcast_in_dim3A_252 : vector<1x128xf32> to vector<8x128xf32>
    %broadcast_in_dim3A_254 = vector.broadcast %jit3A_251 : f32 to vector<8x128xf32>
    %select_n3A_255 = arith.select %eq3A_250, %broadcast_in_dim3A_253, %broadcast_in_dim3A_254 : vector<8x128xi1>, vector<8x128xf32>
    %eq3A_256 = arith.constant 1 : i32
    %eq3A_257 = vector.broadcast %eq3A_256 : i32 to vector<8x128xi32>
    %eq3A_258 = arith.cmpi eq, %iota3A_247, %eq3A_257 : vector<8x128xi32>
    %jit3A_259 = arith.constant 0.000000e+00 : f32
    %broadcast_in_dim3A_260 = vector.shape_cast %div3A_246 : vector<1x1xf32> to vector<1x1xf32>
    %broadcast_in_dim3A_261 = vector.broadcast %broadcast_in_dim3A_260 : vector<1x1xf32> to vector<8x128xf32>
    %broadcast_in_dim3A_262 = vector.broadcast %jit3A_259 : f32 to vector<8x128xf32>
    %select_n3A_263 = arith.select %eq3A_258, %broadcast_in_dim3A_261, %broadcast_in_dim3A_262 : vector<8x128xi1>, vector<8x128xf32>
    %add3A_264 = arith.addf %select_n3A_255, %select_n3A_263 : vector<8x128xf32>
    %convert_element_type3A_265 = arith.fptosi %add3A_264 : vector<8x128xf32> to vector<8x128xi32>
    %swap3A_266 = arith.constant 0 : index
    %swap3A_267 = arith.constant 0 : index
    %swap3A_268 = vector.load %arg5[%swap3A_266, %swap3A_267] : memref<8x128xi32, #tpu.memory_space<vmem>>, vector<8x128xi32>
    tpu.vector_store %arg5[%swap3A_266, %swap3A_267], %convert_element_type3A_265 {strides = array<i32>} : memref<8x128xi32, #tpu.memory_space<vmem>>, vector<8x128xi32>,
    return
  }
}

module attributes {stable_mosaic.version = 14 : i64} {
  func.func @_ffn_kernel(%arg0: i32, %arg1: i32, %arg2: memref<40xi32, #tpu.memory_space<smem>>, %arg3: memref<1xi32, #tpu.memory_space<smem>>, %arg4: memref<128x768xf32, #tpu.memory_space<vmem>>, %arg5: memref<1x768x2048xf32, #tpu.memory_space<vmem>>, %arg6: memref<1x768x2048xf32, #tpu.memory_space<vmem>>, %arg7: memref<1x2048x768xf32, #tpu.memory_space<vmem>>, %arg8: memref<5120x768xf32, #tpu.memory_space<vmem>>) attributes {dimension_semantics = [#tpu.dimension_semantics<arbitrary>, #tpu.dimension_semantics<arbitrary>], iteration_bounds = array<i64: 16, 40>, scalar_prefetch = 2 : i64, scratch_operands = 0 : i64, tpu.core_type = #tpu.core_type<tc>, window_params = [{transform_indices = @transform_0, window_bounds = array<i64: 128, 768>}, {transform_indices = @transform_1, window_bounds = array<i64: 1, 768, 2048>}, {transform_indices = @transform_2, window_bounds = array<i64: 1, 768, 2048>}, {transform_indices = @transform_3, window_bounds = array<i64: 1, 2048, 768>}, {pipeline_mode = #tpu.pipeline_mode<synchronous>, transform_indices = @transform_4, window_bounds = array<i64: 5120, 768>}]} {
    %get3A = arith.constant 0 : index
    %get3A_0 = memref.load %arg3[%get3A] : memref<1xi32, #tpu.memory_space<smem>>
    %lt3A = arith.cmpi slt, %arg1, %get3A_0 : i32
    %convert_element_type3A = arith.extui %lt3A : i1 to i32
    %cond3A = arith.constant 0 : i32
    %cond3A_1 = arith.cmpi ne, %convert_element_type3A, %cond3A : i32
    scf.if %cond3A_1 {
      %get3A_2 = arith.constant 0 : index
      %get3A_3 = arith.constant 0 : index
      %get3A_4 = vector.load %arg4[%get3A_2, %get3A_3] : memref<128x768xf32, #tpu.memory_space<vmem>>, vector<128x768xf32>
      %convert_element_type3A_5 = arith.truncf %get3A_4 : vector<128x768xf32> to vector<128x768xbf16>
      %get3A_6 = arith.constant 0 : index
      %get3A_7 = arith.constant 0 : index
      %get3A_8 = arith.constant 0 : index
      %get3A_9 = vector.load %arg5[%get3A_6, %get3A_7, %get3A_8] : memref<1x768x2048xf32, #tpu.memory_space<vmem>>, vector<1x768x2048xf32>
      %get3A_10 = vector.shape_cast %get3A_9 : vector<1x768x2048xf32> to vector<768x2048xf32>
      %dot_general3A = arith.constant dense<0.000000e+00> : vector<128x2048xf32>
      %dot_general3A_11 = tpu.matmul %convert_element_type3A_5, %get3A_10, %dot_general3A {dimension_numbers = #tpu.dot_dimension_numbers<[1], [0], [0], [1], [0, 0, 1, 1], [], []>, transpose_lhs_hint = false} : vector<128x768xbf16>, vector<768x2048xf32>, vector<128x2048xf32> -> vector<128x2048xf32>
      %get3A_12 = arith.constant 0 : index
      %get3A_13 = arith.constant 0 : index
      %get3A_14 = arith.constant 0 : index
      %get3A_15 = vector.load %arg6[%get3A_12, %get3A_13, %get3A_14] : memref<1x768x2048xf32, #tpu.memory_space<vmem>>, vector<1x768x2048xf32>
      %get3A_16 = vector.shape_cast %get3A_15 : vector<1x768x2048xf32> to vector<768x2048xf32>
      %dot_general3A_17 = arith.constant dense<0.000000e+00> : vector<128x2048xf32>
      %dot_general3A_18 = tpu.matmul %convert_element_type3A_5, %get3A_16, %dot_general3A_17 {dimension_numbers = #tpu.dot_dimension_numbers<[1], [0], [0], [1], [0, 0, 1, 1], [], []>, transpose_lhs_hint = false} : vector<128x768xbf16>, vector<768x2048xf32>, vector<128x2048xf32> -> vector<128x2048xf32>
      %integer_pow3A = arith.mulf %dot_general3A_11, %dot_general3A_11 : vector<128x2048xf32>
      %integer_pow3A_19 = arith.mulf %dot_general3A_11, %integer_pow3A : vector<128x2048xf32>
      %mul3A = arith.constant 4.471500e-02 : f32
      %mul3A_20 = vector.broadcast %mul3A : f32 to vector<128x2048xf32>
      %mul3A_21 = arith.mulf %mul3A_20, %integer_pow3A_19 : vector<128x2048xf32>
      %add3A = arith.addf %dot_general3A_11, %mul3A_21 : vector<128x2048xf32>
      %mul3A_22 = arith.constant 0.797884583 : f32
      %mul3A_23 = vector.broadcast %mul3A_22 : f32 to vector<128x2048xf32>
      %mul3A_24 = arith.mulf %mul3A_23, %add3A : vector<128x2048xf32>
      %tanh3A = math.tanh %mul3A_24 : vector<128x2048xf32>
      %add3A_25 = arith.constant 1.000000e+00 : f32
      %add3A_26 = vector.broadcast %add3A_25 : f32 to vector<128x2048xf32>
      %add3A_27 = arith.addf %add3A_26, %tanh3A : vector<128x2048xf32>
      %mul3A_28 = arith.constant 5.000000e-01 : f32
      %mul3A_29 = vector.broadcast %mul3A_28 : f32 to vector<128x2048xf32>
      %mul3A_30 = arith.mulf %mul3A_29, %add3A_27 : vector<128x2048xf32>
      %mul3A_31 = arith.mulf %dot_general3A_11, %mul3A_30 : vector<128x2048xf32>
      %mul3A_32 = arith.mulf %mul3A_31, %dot_general3A_18 : vector<128x2048xf32>
      %get3A_33 = arith.constant 0 : index
      %get3A_34 = arith.constant 0 : index
      %get3A_35 = arith.constant 0 : index
      %get3A_36 = vector.load %arg7[%get3A_33, %get3A_34, %get3A_35] : memref<1x2048x768xf32, #tpu.memory_space<vmem>>, vector<1x2048x768xf32>
      %get3A_37 = vector.shape_cast %get3A_36 : vector<1x2048x768xf32> to vector<2048x768xf32>
      %dot_general3A_38 = arith.constant dense<0.000000e+00> : vector<128x768xf32>
      %dot_general3A_39 = tpu.matmul %mul3A_32, %get3A_37, %dot_general3A_38 {dimension_numbers = #tpu.dot_dimension_numbers<[1], [0], [0], [1], [0, 0, 1, 1], [], []>, transpose_lhs_hint = false} : vector<128x2048xf32>, vector<2048x768xf32>, vector<128x768xf32> -> vector<128x768xf32>
      %mul3A_40 = arith.constant 128 : i32
      %mul3A_41 = arith.muli %arg1, %mul3A_40 : i32
      %eq3A = arith.constant 0 : i32
      %eq3A_42 = arith.cmpi eq, %arg0, %eq3A : i32
      %convert_element_type3A_43 = arith.extui %eq3A_42 : i1 to i32
      %cond3A_44 = arith.constant 0 : i32
      %cond3A_45 = arith.cmpi ne, %convert_element_type3A_43, %cond3A_44 : i32
      scf.if %cond3A_45 {
        %swap3A = arith.index_cast %mul3A_41 : i32 to index
        %swap3A_50 = arith.constant 0 : index
        %swap3A_51 = vector.load %arg8[%swap3A, %swap3A_50] : memref<5120x768xf32, #tpu.memory_space<vmem>>, vector<128x768xf32>
        tpu.vector_store %arg8[%swap3A, %swap3A_50], %dot_general3A_39 {strides = array<i32>} : memref<5120x768xf32, #tpu.memory_space<vmem>>, vector<128x768xf32>,
      } else {
      }
      %gt3A = arith.constant 0 : i32
      %gt3A_46 = arith.cmpi sgt, %arg0, %gt3A : i32
      %convert_element_type3A_47 = arith.extui %gt3A_46 : i1 to i32
      %cond3A_48 = arith.constant 0 : i32
      %cond3A_49 = arith.cmpi ne, %convert_element_type3A_47, %cond3A_48 : i32
      scf.if %cond3A_49 {
        %get3A_50 = arith.index_cast %mul3A_41 : i32 to index
        %get3A_51 = arith.constant 0 : index
        %get3A_52 = vector.load %arg8[%get3A_50, %get3A_51] : memref<5120x768xf32, #tpu.memory_space<vmem>>, vector<128x768xf32>
        %add3A_53 = arith.addf %get3A_52, %dot_general3A_39 : vector<128x768xf32>
        %swap3A = arith.index_cast %mul3A_41 : i32 to index
        %swap3A_54 = arith.constant 0 : index
        %swap3A_55 = vector.load %arg8[%swap3A, %swap3A_54] : memref<5120x768xf32, #tpu.memory_space<vmem>>, vector<128x768xf32>
        tpu.vector_store %arg8[%swap3A, %swap3A_54], %add3A_53 {strides = array<i32>} : memref<5120x768xf32, #tpu.memory_space<vmem>>, vector<128x768xf32>,
      } else {
      }
    } else {
    }
    return
  }
  func.func @transform_0(%arg0: i32, %arg1: i32, %arg2: memref<40xi32, #tpu.memory_space<smem>>, %arg3: memref<1xi32, #tpu.memory_space<smem>>) -> (i32, i32) {
    %c0_i32 = arith.constant 0 : i32
    %c0_i32_0 = arith.constant 0 : i32
    return %arg1, %c0_i32 : i32, i32
  }
  func.func @transform_1(%arg0: i32, %arg1: i32, %arg2: memref<40xi32, #tpu.memory_space<smem>>, %arg3: memref<1xi32, #tpu.memory_space<smem>>) -> (i32, i32, i32) {
    %get3A = arith.index_cast %arg1 : i32 to index
    %get3A_0 = memref.load %arg2[%get3A] : memref<40xi32, #tpu.memory_space<smem>>
    %c0_i32 = arith.constant 0 : i32
    %c0_i32_1 = arith.constant 0 : i32
    return %get3A_0, %c0_i32, %arg0 : i32, i32, i32
  }
  func.func @transform_2(%arg0: i32, %arg1: i32, %arg2: memref<40xi32, #tpu.memory_space<smem>>, %arg3: memref<1xi32, #tpu.memory_space<smem>>) -> (i32, i32, i32) {
    %get3A = arith.index_cast %arg1 : i32 to index
    %get3A_0 = memref.load %arg2[%get3A] : memref<40xi32, #tpu.memory_space<smem>>
    %c0_i32 = arith.constant 0 : i32
    %c0_i32_1 = arith.constant 0 : i32
    return %get3A_0, %c0_i32, %arg0 : i32, i32, i32
  }
  func.func @transform_3(%arg0: i32, %arg1: i32, %arg2: memref<40xi32, #tpu.memory_space<smem>>, %arg3: memref<1xi32, #tpu.memory_space<smem>>) -> (i32, i32, i32) {
    %get3A = arith.index_cast %arg1 : i32 to index
    %get3A_0 = memref.load %arg2[%get3A] : memref<40xi32, #tpu.memory_space<smem>>
    %c0_i32 = arith.constant 0 : i32
    %c0_i32_1 = arith.constant 0 : i32
    return %get3A_0, %arg0, %c0_i32 : i32, i32, i32
  }
  func.func @transform_4(%arg0: i32, %arg1: i32, %arg2: memref<40xi32, #tpu.memory_space<smem>>, %arg3: memref<1xi32, #tpu.memory_space<smem>>) -> (i32, i32) {
    %c0_i32 = arith.constant 0 : i32
    %c0_i32_0 = arith.constant 0 : i32
    %c0_i32_1 = arith.constant 0 : i32
    return %c0_i32, %c0_i32_0 : i32, i32
  }
}

</mosaic_0001>

<sc_bundles>
// kernel: kernel.6.cloned.1.call-start
scs
__scs_entry_jumppad:
0x0: {  	(pc) =	sbr.rel $0x88, $3  }
0x1: {  	(tag) =	ssettag $0x0;
	lr =	simm.s32 $0x1  }
0x2: {  	[smem:$0x3F9C] =	sst lr;
	_ =	strace $0xD0000000  }
0x3: {  	_ = 	snop  }
0x4: {  	_ = 	snop  }
0x5: {  	_ = 	snop  }
0x6: {  	_ = 	snop  }
0x7: {  	_ = 	snop  }
__scs_overlays_trampoline_lowered:
0x8: {  	[smem:$0x3FAB] =	sst s0  }
0x9: {  	[smem:$0x3FAC] =	sst s1  }
0xa: {  	[smem:$0x3FAD] =	sst s2  }
0xb: {  	[smem:$0x3FAE] =	sst s3  }
0xc: {  	[smem:$0x3FAF] =	sst s4  }
0xd: {  	[smem:$0x3FB0] =	sst s5  }
0xe: {  	[smem:$0x3FB1] =	sst s6  }
0xf: {  	[smem:$0x3FB2] =	sst s7  }
0x10: {  	[smem:$0x3FB3] =	sst s8  }
0x11: {  	[smem:$0x3FB4] =	sst s9;
	s0 =	simm.s32 @!p0 $0x0  }
0x12: {  	s1 =	sld [smem:$0x3F9A];
	s0 =	simm.s32 @p0 $0x1  }
0x13: {  	[smem:$0x3FB5] =	sst s0;
	s0 =	simm.s32 @!p1 $0x0  }
0x14: {  	s2 =	sld [smem:$0x3F99];
	s0 =	simm.s32 @p1 $0x1  }
0x15: {  	[smem:$0x3FB6] =	sst s0;
	s0 =	simm.s32 @!p2 $0x0  }
0x16: {  	s3 =	sld [smem:$0x3FDB];
	s0 =	simm.s32 @p2 $0x1  }
0x17: {  	s4 =	simm.s32 $0x1BF5;
	[smem:$0x3FB8] =	sst s0  }
0x18: {  	s0 =	sld [smem:$0x3F9B];
	_ =	swait.ge [sflag:s4], $0x0  }
0x19: {  	s7 =	sld [smem:$0x3F9C]  }
0x1a: {  	s8 =	sadd.s32 $0xFFFFE003, lr  }
0x1b: {  	s9 =	sadd.s32 $0xFFFFFEF7, lr;
	s5 =	simm.s32 $0xFFFFFFFF;
	p2 =	slt.u32 s8, $0xFFFFF086  }
0x1c: {  	p1 =	slt.u32 s9, $0xF7A;
	s5 =	simm.s32 @!p2 $0x0  }
0x1d: {  	s5 =	simm.s32 @p1 $0x1;
	p0 =	seq.s32 s7, s2  }
0x1e: {  	s7 =	smul.u32 @!p0 $0xF7A, s2;
	p2 =	seq.s32 @!p0 s5, $0x0  }
0x1f: {  	s9 =	smul.u32 $0xF7A, s1;
	s8 =	simm.s32 @!p0 $0x1BF5;
	p2 =	por !p2, p0  }
0x20: {  	[sflag:s8] =	ssyncset.s32 @!p0 $0xFFFFF086;
	s6 =	sadd.s32 @!p0 s3, s7;
	s7 =	simm.s32 @!p0 $0x108  }
0x21: {  	s3 =	sadd.s32 s3, s9;
	s6 =	sadd.s32 @!p0 $0x88, s6;
	s7 =	simm.s32 @p2 $0x1082  }
0x22: {  	[simem:s7], [sflag:s8] =	dma.local @!p0 [hbm:s6], $0xF7A  }
0x23: {  	s9 =	sor.u32 $0xD0000000, s2;
	s6 =	simm.s32 $0x108;
	_ =	swait.ge @!p0 [sflag:s8], $0x0  }
0x24: {  	s3 =	sadd.s32 $0x88, s3;
	s6 =	simm.s32 @!p1 $0x1082;
	[sflag:s4] =	ssyncset.s32 $0xFFFFF086  }
0x25: {  	[simem:s6], [sflag:s4] =	dma.local [hbm:s3], $0xF7A  }
0x26: {  	[smem:$0x3F9C] =	sst s1;
	(tag) =	ssettag s2;
	_ =	strace s9  }
0x27: {  	s1 =	sld [smem:$0x3FAC]  }
0x28: {  	s2 =	sld [smem:$0x3FAD]  }
0x29: {  	s4 =	sld [smem:$0x3FAF]  }
0x2a: {  	p0 =	seq.s32 s5, $0x0;
	s5 =	sld [smem:$0x3FB0]  }
0x2b: {  	s6 =	sld [smem:$0x3FB1]  }
0x2c: {  	s7 =	sld [smem:$0x3FB2]  }
0x2d: {  	s3 =	simm.s32 $0x108;
	s8 =	sld [smem:$0x3FB3]  }
0x2e: {  	s3 =	simm.s32 @!p0 $0x1082;
	s9 =	sld [smem:$0x3FB4]  }
0x2f: {  	lr =	sadd.s32 s0, s3;
	s0 =	sld [smem:$0x3FAB]  }
0x30: {  	s3 =	sld [smem:$0x3FAE]  }
0x31: {  	[smem:$0x3FB7] =	sst s10  }
0x32: {  	s10 =	sld [smem:$0x3FB5];
	_ =	sdelay $0x3  }
0x33: {  	p0 =	seq.s32 s10, $0x1;
	s10 =	sld [smem:$0x3FB7];
	_ =	sdelay $0x3  }
0x34: {  	[smem:$0x3FB7] =	sst s10  }
0x35: {  	s10 =	sld [smem:$0x3FB6];
	_ =	sdelay $0x3  }
0x36: {  	p1 =	seq.s32 s10, $0x1;
	s10 =	sld [smem:$0x3FB7];
	_ =	sdelay $0x3  }
0x37: {  	[smem:$0x3FB7] =	sst s10  }
0x38: {  	s10 =	sld [smem:$0x3FB8]  }
0x39: {  	_ = 	snop;
	(pc) =	sbr.ind lr, $3  }
0x3a: {  	_ = 	snop  }
0x3b: {  	_ = 	snop  }
0x3c: {  	p2 =	seq.s32 s10, $0x1;
	s10 =	sld [smem:$0x3FB7]  }
0x3d: {  	_ =	shalt  }
0x3e: {  	_ =	shalt  }
0x3f: {  	_ =	shalt  }
0x40: {  	_ =	shalt  }
0x41: {  	_ =	shalt  }
0x42: {  	_ =	shalt  }
0x43: {  	_ =	shalt  }
0x44: {  	_ =	shalt  }
0x45: {  	_ =	shalt  }
0x46: {  	_ =	shalt  }
0x47: {  	_ =	shalt  }
0x48: {  	_ =	shalt  }
0x49: {  	_ =	shalt  }
0x4a: {  	_ =	shalt  }
0x4b: {  	_ =	shalt  }
0x4c: {  	_ =	shalt  }
0x4d: {  	_ =	shalt  }
0x4e: {  	_ =	shalt  }
0x4f: {  	_ =	shalt  }
0x50: {  	_ =	shalt  }
0x51: {  	_ =	shalt  }
0x52: {  	_ =	shalt  }
0x53: {  	_ =	shalt  }
0x54: {  	_ =	shalt  }
0x55: {  	_ =	shalt  }
0x56: {  	_ =	shalt  }
0x57: {  	_ =	shalt  }
0x58: {  	_ =	shalt  }
0x59: {  	_ =	shalt  }
0x5a: {  	_ =	shalt  }
0x5b: {  	_ =	shalt  }
0x5c: {  	_ =	shalt  }
0x5d: {  	_ =	shalt  }
0x5e: {  	_ =	shalt  }
0x5f: {  	_ =	shalt  }
0x60: {  	_ =	shalt  }
0x61: {  	_ =	shalt  }
0x62: {  	_ =	shalt  }
0x63: {  	_ =	shalt  }
0x64: {  	_ =	shalt  }
0x65: {  	_ =	shalt  }
0x66: {  	_ =	shalt  }
0x67: {  	_ =	shalt  }
0x68: {  	_ =	shalt  }
0x69: {  	_ =	shalt  }
0x6a: {  	_ =	shalt  }
0x6b: {  	_ =	shalt  }
0x6c: {  	_ =	shalt  }
0x6d: {  	_ =	shalt  }
0x6e: {  	_ =	shalt  }
0x6f: {  	_ =	shalt  }
0x70: {  	_ =	shalt  }
0x71: {  	_ =	shalt  }
0x72: {  	_ =	shalt  }
0x73: {  	_ =	shalt  }
0x74: {  	_ =	shalt  }
0x75: {  	_ =	shalt  }
0x76: {  	_ =	shalt  }
0x77: {  	_ =	shalt  }
0x78: {  	_ =	shalt  }
0x79: {  	_ =	shalt  }
0x7a: {  	_ =	shalt  }
0x7b: {  	_ =	shalt  }
0x7c: {  	_ =	shalt  }
0x7d: {  	_ =	shalt  }
0x7e: {  	_ =	shalt  }
0x7f: {  	_ =	shalt  }
0x80: {  	_ =	shalt  }
0x81: {  	_ =	shalt  }
0x82: {  	_ =	shalt  }
0x83: {  	_ =	shalt  }
0x84: {  	_ =	shalt  }
0x85: {  	_ =	shalt  }
0x86: {  	_ =	shalt  }
0x87: {  	_ =	shalt  }
.Lfunc_end0:
.L_simem_size_0:
called_computation_lowered:
.L_overlay_start_0:
0x88: {  	s2 =	sld [smem:$0x3FD9]  }
0x89: {  	s3 =	sld [smem:$0x3FFE];
	_ =	sdelay $0x1  }
0x8a: {  	s1 =	srdreg.scid  }
0x8b: {  	s0 =	sand.u32 $0x1, s1  }
0x8c: {  	s14 =	sshll.u32 s0, $0xA;
	s2 =	sadd.s32 s3, s2  }
0x8d: {  	s2 =	sadd.s32 s2, s14  }
0x8e: {  	[smem:$0x3FC3] =	sst s2  }
0x8f: {  	_ = 	snop  }
0x90: {  	s2 =	sld [smem:$0x3FD0];
	_ =	sdelay $0x2  }
0x91: {  	s4 =	simm.s32 $0xA;
	s5 =	simm.s32 $0x10;
	s15 =	sld [smem:$0x3FC9]  }
0x92: {  	[smem:s5], [sflag:s4] =	dma.local [hbm:s2], $0x1  }
0x93: {  	_ =	swait.eq [sflag:s4], $0x1  }
0x94: {  	[sflag:s4] =	ssyncset.done $0x0  }
0x95: {  	[sflag:s4] =	ssyncadd.s32 $0xFFFFFFFF  }
0x96: {  	s16 =	sld [smem:$0x11];
	(tm) =	ssettm $0x1  }
0x97: {  	s17 =	sld [smem:$0x3FFB];
	_ =	sdelay $0x3  }
0x98: {  	_ =	strace s17  }
0x99: {  	s4 =	sld [smem:$0x3FFC];
	_ =	sdelay $0x3  }
0x9a: {  	_ =	strace s4  }
0x9b: {  	s4 =	sld [smem:$0x3FFD];
	_ =	sdelay $0x3  }
0x9c: {  	_ =	strace s4  }
0x9d: {  	_ =	strace $0x8FFFFFFF  }
0x9e: {  	s18 =	sld [smem:$0x3FDB];
	_ =	sdelay $0x1  }
0x9f: {  	s19 =	simm.s32 $_scs_section_size  }
0xa0: {  	s6 =	simm.s32 $_size__tile_overlayer_lowered;
	s7 =	simm.s32 $_tile_overlayer_lowered  }
0xa1: {  	s22 =	simm.s32 $0x1BFF;
	s21 =	sshll.u32 s7, $0x1;
	s4 =	sadd.s32 s19, s18  }
0xa2: {  	s8 =	simm.s32 $0x0;
	s20 =	sshll.u32 s6, $0x1;
	s6 =	sadd.s32 s21, s4  }
0xa3: {  	[timem:s8], [sflag:s22] =	dma.local [hbm:s6], s20  }
0xa4: {  	_ =	swait.ge [sflag:s22], s20  }
0xa5: {  	s5 =	ssub.s32 $0x0, s20;
	[sflag:s22] =	ssyncset.done $0x0  }
0xa6: {  	[sflag:s22] =	ssyncadd.s32 s5;
	_ =	sdelay $0x1  }
0xa7: {  	s23 =	simm.s32 $0x1B8B  }
0xa8: {  	_ =	swait.ge [sflag:s23], $0x1  }
0xa9: {  	[sflag:s23] =	ssyncset.done $0x0  }
0xaa: {  	s25 =	simm.s32 $0x1B8E;
	s24 =	sld [smem:$0x3FFE];
	[sflag:s23] =	ssyncadd.s32 $0xFFFFFFFF  }
0xab: {  	s26 =	simm.s32 $execute0_lowered;
	[smem:$0x3FD2] =	sst s25  }
0xac: {  	s6 =	sshll.u32 s26, $0x1;
	_ =	strace $0x80000046;
	[dreg:$0x1] =	wrdreg $0xFFFFFFFF  }
0xad: {  	s28 =	simm.s32 $_size_execute0_lowered;
	s4 =	sadd.s32 s4, s6;
	[dreg:$0x0] =	wrdreg $0x0  }
0xae: {  	s6 =	sshll.u32 s28, $0x1;
	[dreg:$0x2] =	wrdreg s4  }
0xaf: {  	[dreg:$0x3] =	wrdreg s6  }
0xb0: {  	[dreg:$0x4] =	wrdreg $0xC0  }
0xb1: {  	_ =	task [dreg:s8], $0x5FFFF  }
0xb2: {  	[dreg:$0x1] =	wrdreg $0xFFFFFFFF  }
0xb3: {  	[dreg:$0x0] =	wrdreg $0x60  }
0xb4: {  	[dreg:$0x2] =	wrdreg s15  }
0xb5: {  	[dreg:$0x3] =	wrdreg s16  }
0xb6: {  	[dreg:$0x4] =	wrdreg s24  }
0xb7: {  	[dreg:$0x5] =	wrdreg $0x9  }
0xb8: {  	_ =	task.clear_ibuf [dreg:s8], $0x6FFFF;
	_ =	strace $0x90000046  }
0xb9: {  	s29 =	simm.s32 $0x9;
	_ =	strace $0x80000048  }
0xba: {  	_ =	swait.ge [sflag:s29], $0x1  }
0xbb: {  	[sflag:s29] =	ssyncadd.s32 $0xFFFFFFFF  }
0xbc: {  	_ =	strace $0x90000048  }
0xbd: {  	_ =	sfence  }
0xbe: {  	s30 =	sld [smem:$0x0];
	_ =	sdelay $0x2  }
0xbf: {  	s31 =	sshll.u32 s1, $0xD;
	s1 =	sshrl.u32 s1, $0x2  }
0xc0: {  	s3 =	sand.u32 $0x4000, s31;
	s1 =	sadd.s32 s1, s30  }
0xc1: {  	s0 =	sor.u32 s3, s0;
	s1 =	sshll.u32 s1, $0x11  }
0xc2: {  	s0 =	sor.u32 s1, s0  }
0xc3: {  	s0 =	sadd.s32 $0x8F2B, s0  }
0xc4: {  	[sflag:s0] =	ssyncadd.remote.s32 $0x1  }
0xc5: {  	_ =	sfence.sel $0xFFFF  }
0xc6: {  	[dreg:$0x0] =	wrdreg $0xFFFFFFFF;
	(pc) =	sbr.abs _section_cstart, $3  }
0xc7: {  	[dreg:$0x1] =	wrdreg $0xFFFFFFFF  }
0xc8: {  	_ =	task.clear_ibuf [dreg:s8], $0x2FFFF;
	_ =	strace $0x9FFFFFFF  }
0xc9: {  	(tm) =	ssettm $0x7FFFFFFF  }
tec
execute0_lowered:
.L_overlay_start_1:
0x0: {  	(tag) =	ssettag $0x1  }
0x1: {  	s1 =	srdreg.scid  }
0x2: {  	s3 =	rddreg [dreg:$0x0];
	s0 =	stileid.u32;
	s1 =	sand.u32 $0x1, s1  }
0x3: {  	s4 =	rddreg [dreg:$0x1];
	s2 =	sshll.u32 s0, $0x5;
	s5 =	sshll.u32 s1, $0x4  }
0x4: {  	s6 =	rddreg [dreg:$0x2];
	s5 =	sor.u32 s5, s2;
	s2 =	simm.s32 $0x0  }
0x5: {  	[smem:$0x7FF] =	sst s2;
	s4 =	sadd.s32 s4, s5  }
0x6: {  	s24 =	simm.s32 $0x880;
	_ =	strace $0x80000047;
	[dreg:$0x4] =	wrdreg s4  }
0x7: {  	s25 =	simm.s32 $0x1080;
	[dreg:$0x6] =	wrdreg s24  }
0x8: {  	s26 =	simm.s32 $0x1880;
	[dreg:$0x7] =	wrdreg s25  }
0x9: {  	s0 =	simm.s32 $0x2080;
	[dreg:$0x8] =	wrdreg s26  }
0xa: {  	s7 =	sand.u32 $0xF0, s5;
	s5 =	simm.s32 $0x3080;
	[dreg:$0x9] =	wrdreg s0  }
0xb: {  	s8 =	simm.s32 $0x4080;
	[dreg:$0xb] =	wrdreg s5  }
0xc: {  	s9 =	simm.s32 $0x4880;
	[dreg:$0xd] =	wrdreg s8  }
0xd: {  	s10 =	simm.s32 $0x5080;
	[dreg:$0xe] =	wrdreg s9  }
0xe: {  	s11 =	simm.s32 $0x5880;
	[dreg:$0xf] =	wrdreg s10  }
0xf: {  	s12 =	simm.s32 $0x6080;
	[dreg:$0x10] =	wrdreg s11  }
0x10: {  	s13 =	simm.s32 $0x6880;
	[dreg:$0x11] =	wrdreg s12  }
0x11: {  	s14 =	simm.s32 $0x7080;
	s15 =	simm.s32 $0x7880;
	[dreg:$0x12] =	wrdreg s13  }
0x12: {  	s16 =	simm.s32 $0x8080;
	s17 =	simm.s32 $0x8880;
	[dreg:$0x13] =	wrdreg s14  }
0x13: {  	s18 =	simm.s32 $0x9080;
	s20 =	simm.s32 $0x9880;
	[dreg:$0x14] =	wrdreg s15  }
0x14: {  	s21 =	simm.s32 $0xA080;
	s22 =	simm.s32 $0xA880;
	[dreg:$0x15] =	wrdreg s16  }
0x15: {  	s23 =	simm.s32 $0xB080;
	s28 =	simm.s32 $0x16080;
	[dreg:$0x16] =	wrdreg s17  }
0x16: {  	s29 =	simm.s32 $0x16880;
	s1 =	ssub.s32 $0x2, s1;
	[dreg:$0x17] =	wrdreg s18  }
0x17: {  	s30 =	simm.s32 $0x17080;
	s19 =	sshrl.u32 s1, $0x1;
	[dreg:$0x18] =	wrdreg s20  }
0x18: {  	s31 =	simm.s32 $0x17880;
	s1 =	ssub.s32 s1, s19;
	[dreg:$0x19] =	wrdreg s21  }
0x19: {  	s19 =	simm.s32 $0x12080;
	s7 =	smul.u32 $0x300, s7;
	[dreg:$0x1a] =	wrdreg s22  }
0x1a: {  	s4 =	simm.s32 $0x2880;
	s5 =	sadd.s32 $0x8600, s6;
	[dreg:$0x1b] =	wrdreg s23  }
0x1b: {  	s24 =	simm.s32 $0xB880;
	s25 =	simm.s32 $0xC080;
	s8 =	simm.s32 $0x80  }
0x1c: {  	s26 =	simm.s32 $0xC880;
	s10 =	simm.s32 $0xD880;
	s11 =	simm.s32 $0xE080  }
0x1d: {  	s12 =	simm.s32 $0xE880;
	s13 =	simm.s32 $0xF080;
	s14 =	simm.s32 $0xF880  }
0x1e: {  	s15 =	simm.s32 $0x10080;
	s16 =	simm.s32 $0x10880;
	s17 =	simm.s32 $0x11080  }
0x1f: {  	s18 =	simm.s32 $0x11880;
	s20 =	simm.s32 $0x12880;
	[dreg:$0xa] =	wrdreg s4  }
0x20: {  	s21 =	simm.s32 $0x13080;
	s22 =	simm.s32 $0x13880;
	[dreg:$0x1c] =	wrdreg s24  }
0x21: {  	s23 =	simm.s32 $0x14080;
	s4 =	sadd.s32 $0x8500, s6;
	[dreg:$0x1d] =	wrdreg s25  }
0x22: {  	[dreg:$0x1e] =	wrdreg s26;
	s24 =	simm.s32 $0x14880;
	s3 =	sadd.s32 s3, s7  }
0x23: {  	v2 =	vlaneseq.u32;
	s25 =	simm.s32 $0x15080;
	s7 =	simm.s32 $0x3880;
	[dreg:$0x5] =	wrdreg s3  }
0x24: {  	vm0 =	vmmov $0xffff;
	v1 =	vshrl.u32 v2, $0x3;
	s26 =	simm.s32 $0x15880;
	[dreg:$0xc] =	wrdreg s7;
	s3 =	sadd.s32 $0x8400, s6  }
0x25: {  	v0 =	vand.u32 $0x7, v2;
	v2 =	vor.u32 $0x8, v2;
	v1 =	vmul.u32 $0x8, v1;
	s6 =	smax.u32 s1, $0x1;
	s7 =	simm.s32 $0x2;
	s1 =	simm.s32 $0x1  }
.LBB2_1:
0x26: {  	s0 =	rddreg [dreg:$0x4]  }
0x27: {  	[tilespmem:s2], [sflag:$0x2] =	stream.linear.gather [hbm4b:s0+s2], $0x80, $0x38;
	[tilespmem:$0x18080] =	vst v63  }
0x28: {  	_ =	swait.ge [sflag:s7], $0x80  }
0x29: {  	[sflag:s7] =	ssyncset.done $0x0  }
0x2a: {  	s9 =	rddreg [dreg:$0x5];
	[sflag:s7] =	ssyncadd.s32 $0xFFFFFF80  }
0x2b: {  	[tilespmem:s8], [sflag:$0x2] =	stream.linear.gather [hbm4b:s9+s2], $0x18000, $0x38;
	[tilespmem:$0x18080] =	vst v63  }
0x2c: {  	_ =	swait.ge [sflag:s7], $0x18000  }
0x2d: {  	[sflag:s7] =	ssyncset.done $0x0  }
0x2e: {  	[sflag:s7] =	ssyncadd.s32 $0xFFFE8000  }
0x2f: {  	v3 =	vld [tilespmem:$0x0];
	_ =	sdelay $0x4  }
0x30: {  	v4 =	vshrl.u32 v3, $0x3  }
0x31: {  	v4 =	vmul.u32 $0x30, v4  }
0x32: {  	v3 =	vand.u32 $0x7, v3  }
0x33: {  	v3 =	vor.u32 v3, v4  }
0x34: {  	v4 =	vperm.xlane v3, v0;
	_ =	sdelay $0x1  }
0x35: {  	v4 =	vadd.s32 v1, v4;
	_ =	sdelay $0x3  }
0x36: {  	v3 =	vperm.xlane v3, v2  }
0x37: {  	[hbm4b:s3+s2] =	stream.indirect_vreg.scatter [tilespmem:s8], [sflag:$0x1], $0x80, v4, vm0, $0xb8;
	[tilespmem:$0x18080] =	vst v63  }
0x38: {  	s0 =	rddreg [dreg:$0x6];
	v3 =	vadd.s32 v1, v3  }
0x39: {  	[hbm4b:s4+s2] =	stream.indirect_vreg.scatter [tilespmem:s0], [sflag:$0x1], $0x80, v4, vm0, $0xb8;
	[tilespmem:$0x18080] =	vst v63  }
0x3a: {  	s9 =	rddreg [dreg:$0x7]  }
0x3b: {  	[hbm4b:s5+s2] =	stream.indirect_vreg.scatter [tilespmem:s9], [sflag:$0x1], $0x80, v4, vm0, $0xb8;
	[tilespmem:$0x18080] =	vst v63  }
0x3c: {  	s0 =	rddreg [dreg:$0x8]  }
0x3d: {  	[hbm4b:s3+s2] =	stream.indirect_vreg.scatter [tilespmem:s0], [sflag:$0x1], $0x80, v3, vm0, $0xb8;
	[tilespmem:$0x18080] =	vst v63  }
0x3e: {  	s9 =	rddreg [dreg:$0x9]  }
0x3f: {  	[hbm4b:s4+s2] =	stream.indirect_vreg.scatter [tilespmem:s9], [sflag:$0x1], $0x80, v3, vm0, $0xb8;
	[tilespmem:$0x18080] =	vst v63  }
0x40: {  	s0 =	rddreg [dreg:$0xa]  }
0x41: {  	[hbm4b:s5+s2] =	stream.indirect_vreg.scatter [tilespmem:s0], [sflag:$0x1], $0x80, v3, vm0, $0xb8;
	[tilespmem:$0x18080] =	vst v63  }
0x42: {  	v3 =	vld [tilespmem:$0x10];
	_ =	sdelay $0x4  }
0x43: {  	v57 =	vshrl.u32 v3, $0x3  }
0x44: {  	v4 =	vmul.u32 $0x30, v57  }
0x45: {  	v3 =	vand.u32 $0x7, v3  }
0x46: {  	v3 =	vor.u32 v3, v4  }
0x47: {  	v4 =	vperm.xlane v3, v0;
	_ =	sdelay $0x1  }
0x48: {  	v4 =	vadd.s32 v1, v4;
	_ =	sdelay $0x3  }
0x49: {  	s0 =	rddreg [dreg:$0xb];
	v3 =	vperm.xlane v3, v2  }
0x4a: {  	[hbm4b:s3+s2] =	stream.indirect_vreg.scatter [tilespmem:s0], [sflag:$0x1], $0x80, v4, vm0, $0xb8;
	[tilespmem:$0x18080] =	vst v63  }
0x4b: {  	s9 =	rddreg [dreg:$0xc];
	v3 =	vadd.s32 v1, v3  }
0x4c: {  	[hbm4b:s4+s2] =	stream.indirect_vreg.scatter [tilespmem:s9], [sflag:$0x1], $0x80, v4, vm0, $0xb8;
	[tilespmem:$0x18080] =	vst v63  }
0x4d: {  	s0 =	rddreg [dreg:$0xd]  }
0x4e: {  	[hbm4b:s5+s2] =	stream.indirect_vreg.scatter [tilespmem:s0], [sflag:$0x1], $0x80, v4, vm0, $0xb8;
	[tilespmem:$0x18080] =	vst v63  }
0x4f: {  	s9 =	rddreg [dreg:$0xe]  }
0x50: {  	[hbm4b:s3+s2] =	stream.indirect_vreg.scatter [tilespmem:s9], [sflag:$0x1], $0x80, v3, vm0, $0xb8;
	[tilespmem:$0x18080] =	vst v63  }
0x51: {  	s0 =	rddreg [dreg:$0xf]  }
0x52: {  	[hbm4b:s4+s2] =	stream.indirect_vreg.scatter [tilespmem:s0], [sflag:$0x1], $0x80, v3, vm0, $0xb8;
	[tilespmem:$0x18080] =	vst v63  }
0x53: {  	s9 =	rddreg [dreg:$0x10]  }
0x54: {  	[hbm4b:s5+s2] =	stream.indirect_vreg.scatter [tilespmem:s9], [sflag:$0x1], $0x80, v3, vm0, $0xb8;
	[tilespmem:$0x18080] =	vst v63  }
0x55: {  	v3 =	vld [tilespmem:$0x20];
	_ =	sdelay $0x4  }
0x56: {  	v58 =	vshrl.u32 v3, $0x3  }
0x57: {  	v4 =	vmul.u32 $0x30, v58  }
0x58: {  	v3 =	vand.u32 $0x7, v3  }
0x59: {  	v3 =	vor.u32 v3, v4  }
0x5a: {  	v4 =	vperm.xlane v3, v0;
	_ =	sdelay $0x1  }
0x5b: {  	v4 =	vadd.s32 v1, v4;
	_ =	sdelay $0x3  }
0x5c: {  	s0 =	rddreg [dreg:$0x11];
	v3 =	vperm.xlane v3, v2  }
0x5d: {  	[hbm4b:s3+s2] =	stream.indirect_vreg.scatter [tilespmem:s0], [sflag:$0x1], $0x80, v4, vm0, $0xb8;
	[tilespmem:$0x18080] =	vst v63  }
0x5e: {  	s9 =	rddreg [dreg:$0x12];
	v3 =	vadd.s32 v1, v3  }
0x5f: {  	[hbm4b:s4+s2] =	stream.indirect_vreg.scatter [tilespmem:s9], [sflag:$0x1], $0x80, v4, vm0, $0xb8;
	[tilespmem:$0x18080] =	vst v63  }
0x60: {  	s0 =	rddreg [dreg:$0x13]  }
0x61: {  	[hbm4b:s5+s2] =	stream.indirect_vreg.scatter [tilespmem:s0], [sflag:$0x1], $0x80, v4, vm0, $0xb8;
	[tilespmem:$0x18080] =	vst v63  }
0x62: {  	s9 =	rddreg [dreg:$0x14]  }
0x63: {  	[hbm4b:s3+s2] =	stream.indirect_vreg.scatter [tilespmem:s9], [sflag:$0x1], $0x80, v3, vm0, $0xb8;
	[tilespmem:$0x18080] =	vst v63  }
0x64: {  	s0 =	rddreg [dreg:$0x15]  }
0x65: {  	[hbm4b:s4+s2] =	stream.indirect_vreg.scatter [tilespmem:s0], [sflag:$0x1], $0x80, v3, vm0, $0xb8;
	[tilespmem:$0x18080] =	vst v63  }
0x66: {  	s9 =	rddreg [dreg:$0x16]  }
0x67: {  	[hbm4b:s5+s2] =	stream.indirect_vreg.scatter [tilespmem:s9], [sflag:$0x1], $0x80, v3, vm0, $0xb8;
	[tilespmem:$0x18080] =	vst v63  }
0x68: {  	v3 =	vld [tilespmem:$0x30];
	_ =	sdelay $0x4  }
0x69: {  	v59 =	vshrl.u32 v3, $0x3  }
0x6a: {  	v4 =	vmul.u32 $0x30, v59  }
0x6b: {  	v3 =	vand.u32 $0x7, v3  }
0x6c: {  	v3 =	vor.u32 v3, v4  }
0x6d: {  	v4 =	vperm.xlane v3, v0;
	_ =	sdelay $0x1  }
0x6e: {  	v4 =	vadd.s32 v1, v4;
	_ =	sdelay $0x3  }
0x6f: {  	s0 =	rddreg [dreg:$0x17];
	v3 =	vperm.xlane v3, v2  }
0x70: {  	[hbm4b:s3+s2] =	stream.indirect_vreg.scatter [tilespmem:s0], [sflag:$0x1], $0x80, v4, vm0, $0xb8;
	[tilespmem:$0x18080] =	vst v63  }
0x71: {  	s9 =	rddreg [dreg:$0x18];
	v3 =	vadd.s32 v1, v3  }
0x72: {  	[hbm4b:s4+s2] =	stream.indirect_vreg.scatter [tilespmem:s9], [sflag:$0x1], $0x80, v4, vm0, $0xb8;
	[tilespmem:$0x18080] =	vst v63  }
0x73: {  	s0 =	rddreg [dreg:$0x19]  }
0x74: {  	[hbm4b:s5+s2] =	stream.indirect_vreg.scatter [tilespmem:s0], [sflag:$0x1], $0x80, v4, vm0, $0xb8;
	[tilespmem:$0x18080] =	vst v63  }
0x75: {  	s9 =	rddreg [dreg:$0x1a]  }
0x76: {  	[hbm4b:s3+s2] =	stream.indirect_vreg.scatter [tilespmem:s9], [sflag:$0x1], $0x80, v3, vm0, $0xb8;
	[tilespmem:$0x18080] =	vst v63  }
0x77: {  	s0 =	rddreg [dreg:$0x1b]  }
0x78: {  	[hbm4b:s4+s2] =	stream.indirect_vreg.scatter [tilespmem:s0], [sflag:$0x1], $0x80, v3, vm0, $0xb8;
	[tilespmem:$0x18080] =	vst v63  }
0x79: {  	s9 =	rddreg [dreg:$0x1c]  }
0x7a: {  	[hbm4b:s5+s2] =	stream.indirect_vreg.scatter [tilespmem:s9], [sflag:$0x1], $0x80, v3, vm0, $0xb8;
	[tilespmem:$0x18080] =	vst v63  }
0x7b: {  	v3 =	vld [tilespmem:$0x40];
	_ =	sdelay $0x4  }
0x7c: {  	v60 =	vshrl.u32 v3, $0x3  }
0x7d: {  	v4 =	vmul.u32 $0x30, v60  }
0x7e: {  	v3 =	vand.u32 $0x7, v3  }
0x7f: {  	v3 =	vor.u32 v3, v4  }
0x80: {  	v4 =	vperm.xlane v3, v0;
	_ =	sdelay $0x1  }
0x81: {  	v4 =	vadd.s32 v1, v4;
	_ =	sdelay $0x3  }
0x82: {  	s0 =	rddreg [dreg:$0x1d];
	v3 =	vperm.xlane v3, v2  }
0x83: {  	[hbm4b:s3+s2] =	stream.indirect_vreg.scatter [tilespmem:s0], [sflag:$0x1], $0x80, v4, vm0, $0xb8;
	[tilespmem:$0x18080] =	vst v63  }
0x84: {  	s9 =	rddreg [dreg:$0x1e];
	v3 =	vadd.s32 v1, v3  }
0x85: {  	[hbm4b:s4+s2] =	stream.indirect_vreg.scatter [tilespmem:s9], [sflag:$0x1], $0x80, v4, vm0, $0xb8;
	[tilespmem:$0x18080] =	vst v63  }
0x86: {  	s9 =	simm.s32 $0xD080  }
0x87: {  	[hbm4b:s5+s2] =	stream.indirect_vreg.scatter [tilespmem:s9], [sflag:$0x1], $0x80, v4, vm0, $0xb8;
	[tilespmem:$0x18080] =	vst v63  }
0x88: {  	_ = 	snop  }
0x89: {  	[hbm4b:s3+s2] =	stream.indirect_vreg.scatter [tilespmem:s10], [sflag:$0x1], $0x80, v3, vm0, $0xb8;
	[tilespmem:$0x18080] =	vst v63  }
0x8a: {  	_ = 	snop  }
0x8b: {  	[hbm4b:s4+s2] =	stream.indirect_vreg.scatter [tilespmem:s11], [sflag:$0x1], $0x80, v3, vm0, $0xb8;
	[tilespmem:$0x18080] =	vst v63  }
0x8c: {  	_ = 	snop  }
0x8d: {  	[hbm4b:s5+s2] =	stream.indirect_vreg.scatter [tilespmem:s12], [sflag:$0x1], $0x80, v3, vm0, $0xb8;
	[tilespmem:$0x18080] =	vst v63  }
0x8e: {  	v3 =	vld [tilespmem:$0x50];
	_ =	sdelay $0x4  }
0x8f: {  	v61 =	vshrl.u32 v3, $0x3  }
0x90: {  	v4 =	vmul.u32 $0x30, v61  }
0x91: {  	v3 =	vand.u32 $0x7, v3  }
0x92: {  	v3 =	vor.u32 v3, v4  }
0x93: {  	v4 =	vperm.xlane v3, v0;
	_ =	sdelay $0x1  }
0x94: {  	v4 =	vadd.s32 v1, v4;
	_ =	sdelay $0x3  }
0x95: {  	v3 =	vperm.xlane v3, v2  }
0x96: {  	[hbm4b:s3+s2] =	stream.indirect_vreg.scatter [tilespmem:s13], [sflag:$0x1], $0x80, v4, vm0, $0xb8;
	[tilespmem:$0x18080] =	vst v63  }
0x97: {  	v3 =	vadd.s32 v1, v3  }
0x98: {  	[hbm4b:s4+s2] =	stream.indirect_vreg.scatter [tilespmem:s14], [sflag:$0x1], $0x80, v4, vm0, $0xb8;
	[tilespmem:$0x18080] =	vst v63  }
0x99: {  	_ = 	snop  }
0x9a: {  	[hbm4b:s5+s2] =	stream.indirect_vreg.scatter [tilespmem:s15], [sflag:$0x1], $0x80, v4, vm0, $0xb8;
	[tilespmem:$0x18080] =	vst v63  }
0x9b: {  	_ = 	snop  }
0x9c: {  	[hbm4b:s3+s2] =	stream.indirect_vreg.scatter [tilespmem:s16], [sflag:$0x1], $0x80, v3, vm0, $0xb8;
	[tilespmem:$0x18080] =	vst v63  }
0x9d: {  	_ = 	snop  }
0x9e: {  	[hbm4b:s4+s2] =	stream.indirect_vreg.scatter [tilespmem:s17], [sflag:$0x1], $0x80, v3, vm0, $0xb8;
	[tilespmem:$0x18080] =	vst v63  }
0x9f: {  	_ = 	snop  }
0xa0: {  	[hbm4b:s5+s2] =	stream.indirect_vreg.scatter [tilespmem:s18], [sflag:$0x1], $0x80, v3, vm0, $0xb8;
	[tilespmem:$0x18080] =	vst v63  }
0xa1: {  	v3 =	vld [tilespmem:$0x60];
	_ =	sdelay $0x4  }
0xa2: {  	v62 =	vshrl.u32 v3, $0x3  }
0xa3: {  	v4 =	vmul.u32 $0x30, v62  }
0xa4: {  	v3 =	vand.u32 $0x7, v3  }
0xa5: {  	v3 =	vor.u32 v3, v4  }
0xa6: {  	v4 =	vperm.xlane v3, v0;
	_ =	sdelay $0x1  }
0xa7: {  	v4 =	vadd.s32 v1, v4;
	_ =	sdelay $0x3  }
0xa8: {  	v3 =	vperm.xlane v3, v2  }
0xa9: {  	[hbm4b:s3+s2] =	stream.indirect_vreg.scatter [tilespmem:s19], [sflag:$0x1], $0x80, v4, vm0, $0xb8;
	[tilespmem:$0x18080] =	vst v63  }
0xaa: {  	v3 =	vadd.s32 v1, v3  }
0xab: {  	[hbm4b:s4+s2] =	stream.indirect_vreg.scatter [tilespmem:s20], [sflag:$0x1], $0x80, v4, vm0, $0xb8;
	[tilespmem:$0x18080] =	vst v63  }
0xac: {  	_ = 	snop  }
0xad: {  	[hbm4b:s5+s2] =	stream.indirect_vreg.scatter [tilespmem:s21], [sflag:$0x1], $0x80, v4, vm0, $0xb8;
	[tilespmem:$0x18080] =	vst v63  }
0xae: {  	_ = 	snop  }
0xaf: {  	[hbm4b:s3+s2] =	stream.indirect_vreg.scatter [tilespmem:s22], [sflag:$0x1], $0x80, v3, vm0, $0xb8;
	[tilespmem:$0x18080] =	vst v63  }
0xb0: {  	_ = 	snop  }
0xb1: {  	[hbm4b:s4+s2] =	stream.indirect_vreg.scatter [tilespmem:s23], [sflag:$0x1], $0x80, v3, vm0, $0xb8;
	[tilespmem:$0x18080] =	vst v63  }
0xb2: {  	_ = 	snop  }
0xb3: {  	[hbm4b:s5+s2] =	stream.indirect_vreg.scatter [tilespmem:s24], [sflag:$0x1], $0x80, v3, vm0, $0xb8;
	[tilespmem:$0x18080] =	vst v63  }
0xb4: {  	v3 =	vld [tilespmem:$0x70];
	_ =	sdelay $0x4  }
0xb5: {  	v63 =	vshrl.u32 v3, $0x3  }
0xb6: {  	v4 =	vmul.u32 $0x30, v63  }
0xb7: {  	v3 =	vand.u32 $0x7, v3  }
0xb8: {  	v3 =	vor.u32 v3, v4  }
0xb9: {  	v4 =	vperm.xlane v3, v0;
	_ =	sdelay $0x1  }
0xba: {  	v4 =	vadd.s32 v1, v4;
	_ =	sdelay $0x3  }
0xbb: {  	v3 =	vperm.xlane v3, v2  }
0xbc: {  	[hbm4b:s3+s2] =	stream.indirect_vreg.scatter [tilespmem:s25], [sflag:$0x1], $0x80, v4, vm0, $0xb8;
	[tilespmem:$0x18080] =	vst v63  }
0xbd: {  	v3 =	vadd.s32 v1, v3  }
0xbe: {  	[hbm4b:s4+s2] =	stream.indirect_vreg.scatter [tilespmem:s26], [sflag:$0x1], $0x80, v4, vm0, $0xb8;
	[tilespmem:$0x18080] =	vst v63  }
0xbf: {  	_ = 	snop  }
0xc0: {  	[hbm4b:s5+s2] =	stream.indirect_vreg.scatter [tilespmem:s28], [sflag:$0x1], $0x80, v4, vm0, $0xb8;
	[tilespmem:$0x18080] =	vst v63  }
0xc1: {  	_ = 	snop  }
0xc2: {  	[hbm4b:s3+s2] =	stream.indirect_vreg.scatter [tilespmem:s29], [sflag:$0x1], $0x80, v3, vm0, $0xb8;
	[tilespmem:$0x18080] =	vst v63  }
0xc3: {  	p0 =	sne.s32 s6, $0x1  }
0xc4: {  	[hbm4b:s4+s2] =	stream.indirect_vreg.scatter [tilespmem:s30], [sflag:$0x1], $0x80, v3, vm0, $0xb8;
	[tilespmem:$0x18080] =	vst v63  }
.Ltmp0:
0xc5: {  	_ = 	snop;
	(pc) =	sbr.rel @p0 .LBB2_1-.Ltmp0, $4  }
0xc6: {  	[hbm4b:s5+s2] =	stream.indirect_vreg.scatter [tilespmem:s31], [sflag:$0x1], $0x80, v3, vm0, $0xb8;
	[tilespmem:$0x18080] =	vst v63  }
0xc7: {  	_ =	swait.ge [sflag:s1], $0x18000  }
0xc8: {  	[sflag:s1] =	ssyncset.done $0x0  }
0xc9: {  	s6 =	sadd.s32 $0xFFFFFFFF, s6;
	[sflag:s1] =	ssyncadd.s32 $0xFFFE8000  }
0xca: {  	_ =	sfence.sel $0x180000  }
0xcb: {  	[bflag:$0x0] =	sbarrier.arrive $0xFFFF  }
0xcc: {  	_ =	strace $0x90000047  }
0xcd: {  	s0 =	stileid.u32;
	[bflag:$0x2] =	sbarrier.arrive $0xFFFF  }
0xce: {  	p0 =	sne.s32 s0, $0x0;
	s0 =	rddreg [dreg:$0x3]  }
0xcf: {  	s0 =	sadd.s32 @!p0 $0x100000, s0  }
0xd0: {  	[sflag:s0] =	ssyncadd.tile.s32 @!p0 $0x1;
	_ =	shalt  }
.Lfunc_end2:
_tile_overlayer_lowered:
.L_overlay_start_2:
0xd1: {  	(tag) =	ssettag $0x2  }
0xd2: {  	s0 =	rddreg [dreg:$0x0];
	s2 =	stileid.u32  }
0xd3: {  	s1 =	rddreg [dreg:$0x1];
	p0 =	sne.s32 s2, $0x0  }
0xd4: {  	s3 =	rddreg [dreg:$0x2];
	[bflag:$0x3] =	sbarrier.arrive $0xFFFF;
	s2 =	simm.s32 @!p0 $0x1C02  }
0xd5: {  	[timem:s3], [sflag:s2] =	dma.local @!p0 [hbm:s0], s1  }
0xd6: {  	s0 =	simm.s32 @!p0 $0x2  }
0xd7: {  	_ =	swait.ge @!p0 [sflag:s0], s1  }
0xd8: {  	s1 =	ssub.s32 @!p0 $0x0, s1;
	[sflag:s0] =	ssyncset.done @!p0 $0x0  }
0xd9: {  	[sflag:s0] =	ssyncadd.s32 @!p0 s1  }
0xda: {  	[bflag:$0x3] =	sbarrier.arrive $0xFFFF  }
0xdb: {  	_ =	shalt  }

// kernel: kernel.9.cloned.1.call-start
scs
__scs_entry_jumppad:
0x0: {  	(pc) =	sbr.rel $0x88, $3  }
0x1: {  	(tag) =	ssettag $0x0;
	lr =	simm.s32 $0x1  }
0x2: {  	[smem:$0x3F9C] =	sst lr;
	_ =	strace $0xD0000000  }
0x3: {  	_ = 	snop  }
0x4: {  	_ = 	snop  }
0x5: {  	_ = 	snop  }
0x6: {  	_ = 	snop  }
0x7: {  	_ = 	snop  }
__scs_overlays_trampoline_lowered:
0x8: {  	[smem:$0x3FAB] =	sst s0  }
0x9: {  	[smem:$0x3FAC] =	sst s1  }
0xa: {  	[smem:$0x3FAD] =	sst s2  }
0xb: {  	[smem:$0x3FAE] =	sst s3  }
0xc: {  	[smem:$0x3FAF] =	sst s4  }
0xd: {  	[smem:$0x3FB0] =	sst s5  }
0xe: {  	[smem:$0x3FB1] =	sst s6  }
0xf: {  	[smem:$0x3FB2] =	sst s7  }
0x10: {  	[smem:$0x3FB3] =	sst s8  }
0x11: {  	[smem:$0x3FB4] =	sst s9;
	s0 =	simm.s32 @!p0 $0x0  }
0x12: {  	s1 =	sld [smem:$0x3F9A];
	s0 =	simm.s32 @p0 $0x1  }
0x13: {  	[smem:$0x3FB5] =	sst s0;
	s0 =	simm.s32 @!p1 $0x0  }
0x14: {  	s2 =	sld [smem:$0x3F99];
	s0 =	simm.s32 @p1 $0x1  }
0x15: {  	[smem:$0x3FB6] =	sst s0;
	s0 =	simm.s32 @!p2 $0x0  }
0x16: {  	s3 =	sld [smem:$0x3FDB];
	s0 =	simm.s32 @p2 $0x1  }
0x17: {  	s4 =	simm.s32 $0x1BF5;
	[smem:$0x3FB8] =	sst s0  }
0x18: {  	s0 =	sld [smem:$0x3F9B];
	_ =	swait.ge [sflag:s4], $0x0  }
0x19: {  	s7 =	sld [smem:$0x3F9C]  }
0x1a: {  	s8 =	sadd.s32 $0xFFFFE003, lr  }
0x1b: {  	s9 =	sadd.s32 $0xFFFFFEF7, lr;
	s5 =	simm.s32 $0xFFFFFFFF;
	p2 =	slt.u32 s8, $0xFFFFF086  }
0x1c: {  	p1 =	slt.u32 s9, $0xF7A;
	s5 =	simm.s32 @!p2 $0x0  }
0x1d: {  	s5 =	simm.s32 @p1 $0x1;
	p0 =	seq.s32 s7, s2  }
0x1e: {  	s7 =	smul.u32 @!p0 $0xF7A, s2;
	p2 =	seq.s32 @!p0 s5, $0x0  }
0x1f: {  	s9 =	smul.u32 $0xF7A, s1;
	s8 =	simm.s32 @!p0 $0x1BF5;
	p2 =	por !p2, p0  }
0x20: {  	[sflag:s8] =	ssyncset.s32 @!p0 $0xFFFFF086;
	s6 =	sadd.s32 @!p0 s3, s7;
	s7 =	simm.s32 @!p0 $0x108  }
0x21: {  	s3 =	sadd.s32 s3, s9;
	s6 =	sadd.s32 @!p0 $0x88, s6;
	s7 =	simm.s32 @p2 $0x1082  }
0x22: {  	[simem:s7], [sflag:s8] =	dma.local @!p0 [hbm:s6], $0xF7A  }
0x23: {  	s9 =	sor.u32 $0xD0000000, s2;
	s6 =	simm.s32 $0x108;
	_ =	swait.ge @!p0 [sflag:s8], $0x0  }
0x24: {  	s3 =	sadd.s32 $0x88, s3;
	s6 =	simm.s32 @!p1 $0x1082;
	[sflag:s4] =	ssyncset.s32 $0xFFFFF086  }
0x25: {  	[simem:s6], [sflag:s4] =	dma.local [hbm:s3], $0xF7A  }
0x26: {  	[smem:$0x3F9C] =	sst s1;
	(tag) =	ssettag s2;
	_ =	strace s9  }
0x27: {  	s1 =	sld [smem:$0x3FAC]  }
0x28: {  	s2 =	sld [smem:$0x3FAD]  }
0x29: {  	s4 =	sld [smem:$0x3FAF]  }
0x2a: {  	p0 =	seq.s32 s5, $0x0;
	s5 =	sld [smem:$0x3FB0]  }
0x2b: {  	s6 =	sld [smem:$0x3FB1]  }
0x2c: {  	s7 =	sld [smem:$0x3FB2]  }
0x2d: {  	s3 =	simm.s32 $0x108;
	s8 =	sld [smem:$0x3FB3]  }
0x2e: {  	s3 =	simm.s32 @!p0 $0x1082;
	s9 =	sld [smem:$0x3FB4]  }
0x2f: {  	lr =	sadd.s32 s0, s3;
	s0 =	sld [smem:$0x3FAB]  }
0x30: {  	s3 =	sld [smem:$0x3FAE]  }
0x31: {  	[smem:$0x3FB7] =	sst s10  }
0x32: {  	s10 =	sld [smem:$0x3FB5];
	_ =	sdelay $0x3  }
0x33: {  	p0 =	seq.s32 s10, $0x1;
	s10 =	sld [smem:$0x3FB7];
	_ =	sdelay $0x3  }
0x34: {  	[smem:$0x3FB7] =	sst s10  }
0x35: {  	s10 =	sld [smem:$0x3FB6];
	_ =	sdelay $0x3  }
0x36: {  	p1 =	seq.s32 s10, $0x1;
	s10 =	sld [smem:$0x3FB7];
	_ =	sdelay $0x3  }
0x37: {  	[smem:$0x3FB7] =	sst s10  }
0x38: {  	s10 =	sld [smem:$0x3FB8]  }
0x39: {  	_ = 	snop;
	(pc) =	sbr.ind lr, $3  }
0x3a: {  	_ = 	snop  }
0x3b: {  	_ = 	snop  }
0x3c: {  	p2 =	seq.s32 s10, $0x1;
	s10 =	sld [smem:$0x3FB7]  }
0x3d: {  	_ =	shalt  }
0x3e: {  	_ =	shalt  }
0x3f: {  	_ =	shalt  }
0x40: {  	_ =	shalt  }
0x41: {  	_ =	shalt  }
0x42: {  	_ =	shalt  }
0x43: {  	_ =	shalt  }
0x44: {  	_ =	shalt  }
0x45: {  	_ =	shalt  }
0x46: {  	_ =	shalt  }
0x47: {  	_ =	shalt  }
0x48: {  	_ =	shalt  }
0x49: {  	_ =	shalt  }
0x4a: {  	_ =	shalt  }
0x4b: {  	_ =	shalt  }
0x4c: {  	_ =	shalt  }
0x4d: {  	_ =	shalt  }
0x4e: {  	_ =	shalt  }
0x4f: {  	_ =	shalt  }
0x50: {  	_ =	shalt  }
0x51: {  	_ =	shalt  }
0x52: {  	_ =	shalt  }
0x53: {  	_ =	shalt  }
0x54: {  	_ =	shalt  }
0x55: {  	_ =	shalt  }
0x56: {  	_ =	shalt  }
0x57: {  	_ =	shalt  }
0x58: {  	_ =	shalt  }
0x59: {  	_ =	shalt  }
0x5a: {  	_ =	shalt  }
0x5b: {  	_ =	shalt  }
0x5c: {  	_ =	shalt  }
0x5d: {  	_ =	shalt  }
0x5e: {  	_ =	shalt  }
0x5f: {  	_ =	shalt  }
0x60: {  	_ =	shalt  }
0x61: {  	_ =	shalt  }
0x62: {  	_ =	shalt  }
0x63: {  	_ =	shalt  }
0x64: {  	_ =	shalt  }
0x65: {  	_ =	shalt  }
0x66: {  	_ =	shalt  }
0x67: {  	_ =	shalt  }
0x68: {  	_ =	shalt  }
0x69: {  	_ =	shalt  }
0x6a: {  	_ =	shalt  }
0x6b: {  	_ =	shalt  }
0x6c: {  	_ =	shalt  }
0x6d: {  	_ =	shalt  }
0x6e: {  	_ =	shalt  }
0x6f: {  	_ =	shalt  }
0x70: {  	_ =	shalt  }
0x71: {  	_ =	shalt  }
0x72: {  	_ =	shalt  }
0x73: {  	_ =	shalt  }
0x74: {  	_ =	shalt  }
0x75: {  	_ =	shalt  }
0x76: {  	_ =	shalt  }
0x77: {  	_ =	shalt  }
0x78: {  	_ =	shalt  }
0x79: {  	_ =	shalt  }
0x7a: {  	_ =	shalt  }
0x7b: {  	_ =	shalt  }
0x7c: {  	_ =	shalt  }
0x7d: {  	_ =	shalt  }
0x7e: {  	_ =	shalt  }
0x7f: {  	_ =	shalt  }
0x80: {  	_ =	shalt  }
0x81: {  	_ =	shalt  }
0x82: {  	_ =	shalt  }
0x83: {  	_ =	shalt  }
0x84: {  	_ =	shalt  }
0x85: {  	_ =	shalt  }
0x86: {  	_ =	shalt  }
0x87: {  	_ =	shalt  }
.Lfunc_end0:
.L_simem_size_0:
called_computation.1_lowered:
.L_overlay_start_0:
0x88: {  	s2 =	sld [smem:$0x3FD9]  }
0x89: {  	s3 =	sld [smem:$0x3FFE];
	_ =	sdelay $0x1  }
0x8a: {  	s1 =	srdreg.scid  }
0x8b: {  	s0 =	sand.u32 $0x1, s1  }
0x8c: {  	s14 =	sshll.u32 s0, $0xA;
	s2 =	sadd.s32 s3, s2  }
0x8d: {  	s2 =	sadd.s32 s2, s14  }
0x8e: {  	[smem:$0x3FC3] =	sst s2  }
0x8f: {  	_ = 	snop  }
0x90: {  	s2 =	sld [smem:$0x3FD0];
	_ =	sdelay $0x2  }
0x91: {  	s15 =	simm.s32 $0xA;
	s4 =	simm.s32 $0x10  }
0x92: {  	[smem:s4], [sflag:s15] =	dma.local [hbm:s2], $0x1  }
0x93: {  	_ =	swait.eq [sflag:s15], $0x1  }
0x94: {  	[sflag:s15] =	ssyncset.done $0x0  }
0x95: {  	[sflag:s15] =	ssyncadd.s32 $0xFFFFFFFF  }
0x96: {  	s16 =	sld [smem:$0x10];
	(tm) =	ssettm $0x1  }
0x97: {  	s17 =	sld [smem:$0x3FFB];
	_ =	sdelay $0x3  }
0x98: {  	_ =	strace s17  }
0x99: {  	s3 =	sld [smem:$0x3FFC];
	_ =	sdelay $0x3  }
0x9a: {  	_ =	strace s3  }
0x9b: {  	s3 =	sld [smem:$0x3FFD];
	_ =	sdelay $0x3  }
0x9c: {  	_ =	strace s3  }
0x9d: {  	_ =	strace $0x8FFFFFFF  }
0x9e: {  	s18 =	sld [smem:$0x3FDB];
	_ =	sdelay $0x1  }
0x9f: {  	s19 =	simm.s32 $_scs_section_size  }
0xa0: {  	s5 =	simm.s32 $_size__tile_overlayer_lowered;
	s6 =	simm.s32 $_tile_overlayer_lowered  }
0xa1: {  	s22 =	simm.s32 $0x1BFF;
	s21 =	sshll.u32 s6, $0x1;
	s3 =	sadd.s32 s19, s18  }
0xa2: {  	s7 =	simm.s32 $0x0;
	s20 =	sshll.u32 s5, $0x1;
	s5 =	sadd.s32 s21, s3  }
0xa3: {  	[timem:s7], [sflag:s22] =	dma.local [hbm:s5], s20  }
0xa4: {  	_ =	swait.ge [sflag:s22], s20  }
0xa5: {  	s4 =	ssub.s32 $0x0, s20;
	[sflag:s22] =	ssyncset.done $0x0  }
0xa6: {  	[sflag:s22] =	ssyncadd.s32 s4;
	_ =	sdelay $0x1  }
0xa7: {  	s23 =	simm.s32 $0x1B8B  }
0xa8: {  	_ =	swait.ge [sflag:s23], $0x1  }
0xa9: {  	[sflag:s23] =	ssyncset.done $0x0  }
0xaa: {  	s25 =	simm.s32 $0x1B8E;
	s24 =	sld [smem:$0x3FFE];
	[sflag:s23] =	ssyncadd.s32 $0xFFFFFFFF  }
0xab: {  	s26 =	simm.s32 $execute0_lowered;
	[smem:$0x3FD2] =	sst s25  }
0xac: {  	s5 =	sshll.u32 s26, $0x1;
	_ =	strace $0x80000049;
	[dreg:$0x1] =	wrdreg $0xFFFFFFFF  }
0xad: {  	s28 =	simm.s32 $_size_execute0_lowered;
	s3 =	sadd.s32 s3, s5;
	[dreg:$0x0] =	wrdreg $0x0  }
0xae: {  	s5 =	sshll.u32 s28, $0x1;
	[dreg:$0x2] =	wrdreg s3  }
0xaf: {  	[dreg:$0x3] =	wrdreg s5  }
0xb0: {  	[dreg:$0x4] =	wrdreg $0xC0  }
0xb1: {  	_ =	task [dreg:s7], $0x5FFFF  }
0xb2: {  	[dreg:$0x1] =	wrdreg $0xFFFFFFFF  }
0xb3: {  	[dreg:$0x0] =	wrdreg $0x60  }
0xb4: {  	[dreg:$0x2] =	wrdreg s24  }
0xb5: {  	[dreg:$0x3] =	wrdreg s16  }
0xb6: {  	[dreg:$0x4] =	wrdreg $0x9  }
0xb7: {  	_ =	task.clear_ibuf [dreg:s7], $0x5FFFF;
	_ =	strace $0x90000049  }
0xb8: {  	s29 =	simm.s32 $0x9;
	_ =	strace $0x8000004B  }
0xb9: {  	_ =	swait.ge [sflag:s29], $0x1  }
0xba: {  	[sflag:s29] =	ssyncadd.s32 $0xFFFFFFFF  }
0xbb: {  	_ =	strace $0x9000004B  }
0xbc: {  	_ =	sfence  }
0xbd: {  	s30 =	sld [smem:$0x0];
	_ =	sdelay $0x2  }
0xbe: {  	s31 =	sshll.u32 s1, $0xD;
	s1 =	sshrl.u32 s1, $0x2  }
0xbf: {  	s3 =	sand.u32 $0x4000, s31;
	s1 =	sadd.s32 s1, s30  }
0xc0: {  	s0 =	sor.u32 s3, s0;
	s1 =	sshll.u32 s1, $0x11  }
0xc1: {  	s0 =	sor.u32 s1, s0  }
0xc2: {  	s0 =	sadd.s32 $0x8F2B, s0  }
0xc3: {  	[sflag:s0] =	ssyncadd.remote.s32 $0x1  }
0xc4: {  	_ =	sfence.sel $0xFFFF  }
0xc5: {  	[dreg:$0x0] =	wrdreg $0xFFFFFFFF;
	(pc) =	sbr.abs _section_cstart, $3  }
0xc6: {  	[dreg:$0x1] =	wrdreg $0xFFFFFFFF  }
0xc7: {  	_ =	task.clear_ibuf [dreg:s7], $0x2FFFF;
	_ =	strace $0x9FFFFFFF  }
0xc8: {  	(tm) =	ssettm $0x7FFFFFFF  }
0xc9: {  	_ =	shalt  }
tec
execute0_lowered:
.L_overlay_start_1:
0x0: {  	(tag) =	ssettag $0x1  }
0x1: {  	s0 =	rddreg [dreg:$0x0]  }
0x2: {  	s1 =	rddreg [dreg:$0x1]  }
0x3: {  	s3 =	srdreg.scid;
	s2 =	simm.s32 $0x0;
	s4 =	stileid.u32  }
0x4: {  	s13 =	simm.s32 $0x3;
	s15 =	simm.s32 $0x100;
	s16 =	simm.s32 $0x180  }
0x5: {  	s17 =	simm.s32 $0x200;
	s28 =	simm.s32 $0x14A00;
	s29 =	simm.s32 $0x15200  }
0x6: {  	s30 =	simm.s32 $0x15A00;
	s31 =	simm.s32 $0x16200;
	s14 =	simm.s32 $0x17A00  }
0x7: {  	s18 =	simm.s32 $0x1;
	s19 =	simm.s32 $0x2;
	s20 =	simm.s32 $0x0  }
0x8: {  	s3 =	sand.u32 $0x1, s3;
	[smem:$0x7FF] =	sst s2;
	s4 =	sshll.u32 s4, $0x4  }
0x9: {  	s5 =	sshll.u32 s3, $0x3;
	_ =	strace $0x8000004A;
	s24 =	ssub.s32 $0x2, s3  }
0xa: {  	s3 =	sadd.s32 $0x80A00, s0;
	s7 =	sor.u32 s5, s4;
	s25 =	sshrl.u32 s24, $0x1  }
0xb: {  	s8 =	sadd.s32 s7, s0;
	s12 =	ssub.s32 s24, s25;
	s9 =	smul.u32 $0x1800, s7  }
0xc: {  	s10 =	smul.u32 $0x300, s7;
	s25 =	simm.s32 $0x6200;
	s4 =	sadd.s32 $0x8000, s8  }
0xd: {  	s5 =	sadd.s32 $0x8200, s8;
	s6 =	sadd.s32 $0x80800, s8;
	s7 =	sadd.s32 $0x80600, s8  }
0xe: {  	v2 =	vlaneseq.u32;
	s8 =	sadd.s32 $0x80B00, s0;
	s12 =	smax.u32 s12, $0x1;
	s11 =	sshrl.u32 s9, $0x3  }
0xf: {  	vm0 =	vmmov $0xffff;
	v1 =	vshrl.u32 v2, $0x3;
	s9 =	sadd.s32 $0x80C00, s0;
	s10 =	sadd.s32 s1, s10;
	s26 =	sadd.s32 s1, s11  }
0x10: {  	v0 =	vand.u32 $0x7, v2;
	v2 =	vor.u32 $0x8, v2;
	v1 =	vmul.u32 $0x8, v1;
	s0 =	simm.s32 $0x16A00;
	s1 =	simm.s32 $0x17200;
	s11 =	sadd.s32 $0xC00, s26  }
.LBB2_1:
0x11: {  	[tilespmem:s2], [sflag:$0x3] =	stream.linear.gather [hbm4b:s4+s2], $0x40, $0x38;
	[tilespmem:$0x18200] =	vst v63  }
0x12: {  	_ =	swait.ge [sflag:s13], $0x40  }
0x13: {  	[sflag:s13] =	ssyncset.done $0x0  }
0x14: {  	s21 =	simm.s32 $0x80;
	[sflag:s13] =	ssyncadd.s32 $0xFFFFFFC0  }
0x15: {  	[tilespmem:s21], [sflag:$0x3] =	stream.linear.gather [hbm4b:s5+s2], $0x40, $0x38;
	[tilespmem:$0x18200] =	vst v63  }
0x16: {  	_ =	swait.ge [sflag:s13], $0x40  }
0x17: {  	[sflag:s13] =	ssyncset.done $0x0  }
0x18: {  	[sflag:s13] =	ssyncadd.s32 $0xFFFFFFC0  }
0x19: {  	[tilespmem:s15], [sflag:$0x3] =	stream.linear.gather [hbm4b:s6+s2], $0x40, $0x38;
	[tilespmem:$0x18200] =	vst v63  }
0x1a: {  	_ =	swait.ge [sflag:s13], $0x40  }
0x1b: {  	[sflag:s13] =	ssyncset.done $0x0  }
0x1c: {  	[sflag:s13] =	ssyncadd.s32 $0xFFFFFFC0  }
0x1d: {  	[tilespmem:s16], [sflag:$0x3] =	stream.linear.gather [hbm4b:s7+s2], $0x40, $0x38;
	[tilespmem:$0x18200] =	vst v63  }
0x1e: {  	_ =	swait.ge [sflag:s13], $0x40  }
0x1f: {  	[sflag:s13] =	ssyncset.done $0x0  }
0x20: {  	[sflag:s13] =	ssyncadd.s32 $0xFFFFFFC0  }
0x21: {  	v3 =	vld [tilespmem:$0x0];
	_ =	sdelay $0x4  }
0x22: {  	v4 =	vshrl.u32 v3, $0x3  }
0x23: {  	v4 =	vmul.u32 $0x30, v4  }
0x24: {  	v3 =	vand.u32 $0x7, v3  }
0x25: {  	v3 =	vor.u32 v3, v4  }
0x26: {  	v4 =	vperm.xlane v3, v0;
	_ =	sdelay $0x1  }
0x27: {  	v4 =	vadd.s32 v1, v4;
	_ =	sdelay $0x3  }
0x28: {  	v3 =	vperm.xlane v3, v2  }
0x29: {  	[tilespmem:s17], [sflag:$0x1] =	stream.indirect_vreg.gather [hbm4b:s3+s2], $0x80, v4, vm0, $0xb8;
	[tilespmem:$0x18200] =	vst v63  }
0x2a: {  	s22 =	simm.s32 $0xA00;
	v3 =	vadd.s32 v1, v3  }
0x2b: {  	[tilespmem:s22], [sflag:$0x1] =	stream.indirect_vreg.gather [hbm4b:s8+s2], $0x80, v4, vm0, $0xb8;
	[tilespmem:$0x18200] =	vst v63  }
0x2c: {  	s23 =	simm.s32 $0x1200  }
0x2d: {  	[tilespmem:s23], [sflag:$0x1] =	stream.indirect_vreg.gather [hbm4b:s9+s2], $0x80, v4, vm0, $0xb8;
	[tilespmem:$0x18200] =	vst v63  }
0x2e: {  	s24 =	simm.s32 $0x1A00  }
0x2f: {  	[tilespmem:s24], [sflag:$0x1] =	stream.indirect_vreg.gather [hbm4b:s3+s2], $0x80, v3, vm0, $0xb8;
	[tilespmem:$0x18200] =	vst v63  }
0x30: {  	s26 =	simm.s32 $0x2200  }
0x31: {  	[tilespmem:s26], [sflag:$0x1] =	stream.indirect_vreg.gather [hbm4b:s8+s2], $0x80, v3, vm0, $0xb8;
	[tilespmem:$0x18200] =	vst v63  }
0x32: {  	s22 =	simm.s32 $0x2A00  }
0x33: {  	[tilespmem:s22], [sflag:$0x1] =	stream.indirect_vreg.gather [hbm4b:s9+s2], $0x80, v3, vm0, $0xb8;
	[tilespmem:$0x18200] =	vst v63  }
0x34: {  	v3 =	vld [tilespmem:$0x10];
	_ =	sdelay $0x4  }
0x35: {  	v4 =	vshrl.u32 v3, $0x3  }
0x36: {  	v4 =	vmul.u32 $0x30, v4  }
0x37: {  	v3 =	vand.u32 $0x7, v3  }
0x38: {  	v3 =	vor.u32 v3, v4  }
0x39: {  	v4 =	vperm.xlane v3, v0;
	_ =	sdelay $0x1  }
0x3a: {  	v4 =	vadd.s32 v1, v4;
	_ =	sdelay $0x3  }
0x3b: {  	s23 =	simm.s32 $0x3200;
	v3 =	vperm.xlane v3, v2  }
0x3c: {  	[tilespmem:s23], [sflag:$0x1] =	stream.indirect_vreg.gather [hbm4b:s3+s2], $0x80, v4, vm0, $0xb8;
	[tilespmem:$0x18200] =	vst v63  }
0x3d: {  	s24 =	simm.s32 $0x3A00;
	v3 =	vadd.s32 v1, v3  }
0x3e: {  	[tilespmem:s24], [sflag:$0x1] =	stream.indirect_vreg.gather [hbm4b:s8+s2], $0x80, v4, vm0, $0xb8;
	[tilespmem:$0x18200] =	vst v63  }
0x3f: {  	s26 =	simm.s32 $0x4200  }
0x40: {  	[tilespmem:s26], [sflag:$0x1] =	stream.indirect_vreg.gather [hbm4b:s9+s2], $0x80, v4, vm0, $0xb8;
	[tilespmem:$0x18200] =	vst v63  }
0x41: {  	s22 =	simm.s32 $0x4A00  }
0x42: {  	[tilespmem:s22], [sflag:$0x1] =	stream.indirect_vreg.gather [hbm4b:s3+s2], $0x80, v3, vm0, $0xb8;
	[tilespmem:$0x18200] =	vst v63  }
0x43: {  	s23 =	simm.s32 $0x5200  }
0x44: {  	[tilespmem:s23], [sflag:$0x1] =	stream.indirect_vreg.gather [hbm4b:s8+s2], $0x80, v3, vm0, $0xb8;
	[tilespmem:$0x18200] =	vst v63  }
0x45: {  	s24 =	simm.s32 $0x5A00  }
0x46: {  	[tilespmem:s24], [sflag:$0x1] =	stream.indirect_vreg.gather [hbm4b:s9+s2], $0x80, v3, vm0, $0xb8;
	[tilespmem:$0x18200] =	vst v63  }
0x47: {  	v3 =	vld [tilespmem:$0x80];
	_ =	sdelay $0x4  }
0x48: {  	v4 =	vshrl.u32 v3, $0x3  }
0x49: {  	v4 =	vmul.u32 $0x30, v4  }
0x4a: {  	v3 =	vand.u32 $0x7, v3  }
0x4b: {  	v3 =	vor.u32 v3, v4  }
0x4c: {  	v4 =	vperm.xlane v3, v0;
	_ =	sdelay $0x1  }
0x4d: {  	v4 =	vadd.s32 v1, v4;
	_ =	sdelay $0x3  }
0x4e: {  	s26 =	simm.s32 $0xC200;
	v3 =	vperm.xlane v3, v2  }
0x4f: {  	[tilespmem:s26], [sflag:$0x1] =	stream.indirect_vreg.gather [hbm4b:s3+s2], $0x80, v4, vm0, $0xb8;
	[tilespmem:$0x18200] =	vst v63  }
0x50: {  	s22 =	simm.s32 $0xCA00;
	v3 =	vadd.s32 v1, v3  }
0x51: {  	[tilespmem:s22], [sflag:$0x1] =	stream.indirect_vreg.gather [hbm4b:s8+s2], $0x80, v4, vm0, $0xb8;
	[tilespmem:$0x18200] =	vst v63  }
0x52: {  	s23 =	simm.s32 $0xD200  }
0x53: {  	[tilespmem:s23], [sflag:$0x1] =	stream.indirect_vreg.gather [hbm4b:s9+s2], $0x80, v4, vm0, $0xb8;
	[tilespmem:$0x18200] =	vst v63  }
0x54: {  	s24 =	simm.s32 $0xDA00  }
0x55: {  	[tilespmem:s24], [sflag:$0x1] =	stream.indirect_vreg.gather [hbm4b:s3+s2], $0x80, v3, vm0, $0xb8;
	[tilespmem:$0x18200] =	vst v63  }
0x56: {  	s26 =	simm.s32 $0xE200  }
0x57: {  	[tilespmem:s26], [sflag:$0x1] =	stream.indirect_vreg.gather [hbm4b:s8+s2], $0x80, v3, vm0, $0xb8;
	[tilespmem:$0x18200] =	vst v63  }
0x58: {  	s22 =	simm.s32 $0xEA00  }
0x59: {  	[tilespmem:s22], [sflag:$0x1] =	stream.indirect_vreg.gather [hbm4b:s9+s2], $0x80, v3, vm0, $0xb8;
	[tilespmem:$0x18200] =	vst v63  }
0x5a: {  	v3 =	vld [tilespmem:$0x90];
	_ =	sdelay $0x4  }
0x5b: {  	v4 =	vshrl.u32 v3, $0x3  }
0x5c: {  	v4 =	vmul.u32 $0x30, v4  }
0x5d: {  	v3 =	vand.u32 $0x7, v3  }
0x5e: {  	v3 =	vor.u32 v3, v4  }
0x5f: {  	v4 =	vperm.xlane v3, v0;
	_ =	sdelay $0x1  }
0x60: {  	v4 =	vadd.s32 v1, v4;
	_ =	sdelay $0x3  }
0x61: {  	s23 =	simm.s32 $0xF200;
	v3 =	vperm.xlane v3, v2  }
0x62: {  	[tilespmem:s23], [sflag:$0x1] =	stream.indirect_vreg.gather [hbm4b:s3+s2], $0x80, v4, vm0, $0xb8;
	[tilespmem:$0x18200] =	vst v63  }
0x63: {  	s24 =	simm.s32 $0xFA00;
	v3 =	vadd.s32 v1, v3  }
0x64: {  	[tilespmem:s24], [sflag:$0x1] =	stream.indirect_vreg.gather [hbm4b:s8+s2], $0x80, v4, vm0, $0xb8;
	[tilespmem:$0x18200] =	vst v63  }
0x65: {  	s26 =	simm.s32 $0x10200  }
0x66: {  	[tilespmem:s26], [sflag:$0x1] =	stream.indirect_vreg.gather [hbm4b:s9+s2], $0x80, v4, vm0, $0xb8;
	[tilespmem:$0x18200] =	vst v63  }
0x67: {  	s22 =	simm.s32 $0x10A00  }
0x68: {  	[tilespmem:s22], [sflag:$0x1] =	stream.indirect_vreg.gather [hbm4b:s3+s2], $0x80, v3, vm0, $0xb8;
	[tilespmem:$0x18200] =	vst v63  }
0x69: {  	s23 =	simm.s32 $0x11200  }
0x6a: {  	[tilespmem:s23], [sflag:$0x1] =	stream.indirect_vreg.gather [hbm4b:s8+s2], $0x80, v3, vm0, $0xb8;
	[tilespmem:$0x18200] =	vst v63  }
0x6b: {  	s24 =	simm.s32 $0x11A00  }
0x6c: {  	[tilespmem:s24], [sflag:$0x1] =	stream.indirect_vreg.gather [hbm4b:s9+s2], $0x80, v3, vm0, $0xb8;
	[tilespmem:$0x18200] =	vst v63  }
0x6d: {  	v3 =	vld [tilespmem:$0x20];
	_ =	sdelay $0x4  }
0x6e: {  	v4 =	vshrl.u32 v3, $0x3  }
0x6f: {  	v4 =	vmul.u32 $0x30, v4  }
0x70: {  	v3 =	vand.u32 $0x7, v3  }
0x71: {  	v3 =	vor.u32 v3, v4  }
0x72: {  	v4 =	vperm.xlane v3, v0;
	_ =	sdelay $0x1  }
0x73: {  	v4 =	vadd.s32 v1, v4;
	_ =	sdelay $0x3  }
0x74: {  	v3 =	vperm.xlane v3, v2  }
0x75: {  	[tilespmem:s25], [sflag:$0x1] =	stream.indirect_vreg.gather [hbm4b:s3+s2], $0x80, v4, vm0, $0xb8;
	[tilespmem:$0x18200] =	vst v63  }
0x76: {  	s26 =	simm.s32 $0x6A00;
	v3 =	vadd.s32 v1, v3  }
0x77: {  	[tilespmem:s26], [sflag:$0x1] =	stream.indirect_vreg.gather [hbm4b:s8+s2], $0x80, v4, vm0, $0xb8;
	[tilespmem:$0x18200] =	vst v63  }
0x78: {  	s22 =	simm.s32 $0x7200  }
0x79: {  	[tilespmem:s22], [sflag:$0x1] =	stream.indirect_vreg.gather [hbm4b:s9+s2], $0x80, v4, vm0, $0xb8;
	[tilespmem:$0x18200] =	vst v63  }
0x7a: {  	s23 =	simm.s32 $0x7A00  }
0x7b: {  	[tilespmem:s23], [sflag:$0x1] =	stream.indirect_vreg.gather [hbm4b:s3+s2], $0x80, v3, vm0, $0xb8;
	[tilespmem:$0x18200] =	vst v63  }
0x7c: {  	s24 =	simm.s32 $0x8200  }
0x7d: {  	[tilespmem:s24], [sflag:$0x1] =	stream.indirect_vreg.gather [hbm4b:s8+s2], $0x80, v3, vm0, $0xb8;
	[tilespmem:$0x18200] =	vst v63  }
0x7e: {  	s26 =	simm.s32 $0x8A00  }
0x7f: {  	[tilespmem:s26], [sflag:$0x1] =	stream.indirect_vreg.gather [hbm4b:s9+s2], $0x80, v3, vm0, $0xb8;
	[tilespmem:$0x18200] =	vst v63  }
0x80: {  	v3 =	vld [tilespmem:$0x30];
	_ =	sdelay $0x4  }
0x81: {  	v4 =	vshrl.u32 v3, $0x3  }
0x82: {  	v4 =	vmul.u32 $0x30, v4  }
0x83: {  	v3 =	vand.u32 $0x7, v3  }
0x84: {  	v3 =	vor.u32 v3, v4  }
0x85: {  	v4 =	vperm.xlane v3, v0;
	_ =	sdelay $0x1  }
0x86: {  	v4 =	vadd.s32 v1, v4;
	_ =	sdelay $0x3  }
0x87: {  	s22 =	simm.s32 $0x9200;
	v3 =	vperm.xlane v3, v2  }
0x88: {  	[tilespmem:s22], [sflag:$0x1] =	stream.indirect_vreg.gather [hbm4b:s3+s2], $0x80, v4, vm0, $0xb8;
	[tilespmem:$0x18200] =	vst v63  }
0x89: {  	s23 =	simm.s32 $0x9A00;
	v3 =	vadd.s32 v1, v3  }
0x8a: {  	[tilespmem:s23], [sflag:$0x1] =	stream.indirect_vreg.gather [hbm4b:s8+s2], $0x80, v4, vm0, $0xb8;
	[tilespmem:$0x18200] =	vst v63  }
0x8b: {  	s24 =	simm.s32 $0xA200  }
0x8c: {  	[tilespmem:s24], [sflag:$0x1] =	stream.indirect_vreg.gather [hbm4b:s9+s2], $0x80, v4, vm0, $0xb8;
	[tilespmem:$0x18200] =	vst v63  }
0x8d: {  	s26 =	simm.s32 $0xAA00  }
0x8e: {  	[tilespmem:s26], [sflag:$0x1] =	stream.indirect_vreg.gather [hbm4b:s3+s2], $0x80, v3, vm0, $0xb8;
	[tilespmem:$0x18200] =	vst v63  }
0x8f: {  	s22 =	simm.s32 $0xB200  }
0x90: {  	[tilespmem:s22], [sflag:$0x1] =	stream.indirect_vreg.gather [hbm4b:s8+s2], $0x80, v3, vm0, $0xb8;
	[tilespmem:$0x18200] =	vst v63  }
0x91: {  	s23 =	simm.s32 $0xBA00  }
0x92: {  	[tilespmem:s23], [sflag:$0x1] =	stream.indirect_vreg.gather [hbm4b:s9+s2], $0x80, v3, vm0, $0xb8;
	[tilespmem:$0x18200] =	vst v63  }
0x93: {  	v3 =	vld [tilespmem:$0xA0];
	_ =	sdelay $0x4  }
0x94: {  	v4 =	vshrl.u32 v3, $0x3  }
0x95: {  	v4 =	vmul.u32 $0x30, v4  }
0x96: {  	v3 =	vand.u32 $0x7, v3  }
0x97: {  	v3 =	vor.u32 v3, v4  }
0x98: {  	v4 =	vperm.xlane v3, v0;
	_ =	sdelay $0x1  }
0x99: {  	v4 =	vadd.s32 v1, v4;
	_ =	sdelay $0x3  }
0x9a: {  	s24 =	simm.s32 $0x12200;
	v3 =	vperm.xlane v3, v2  }
0x9b: {  	[tilespmem:s24], [sflag:$0x1] =	stream.indirect_vreg.gather [hbm4b:s3+s2], $0x80, v4, vm0, $0xb8;
	[tilespmem:$0x18200] =	vst v63  }
0x9c: {  	s26 =	simm.s32 $0x12A00;
	v3 =	vadd.s32 v1, v3  }
0x9d: {  	[tilespmem:s26], [sflag:$0x1] =	stream.indirect_vreg.gather [hbm4b:s8+s2], $0x80, v4, vm0, $0xb8;
	[tilespmem:$0x18200] =	vst v63  }
0x9e: {  	s22 =	simm.s32 $0x13200  }
0x9f: {  	[tilespmem:s22], [sflag:$0x1] =	stream.indirect_vreg.gather [hbm4b:s9+s2], $0x80, v4, vm0, $0xb8;
	[tilespmem:$0x18200] =	vst v63  }
0xa0: {  	s23 =	simm.s32 $0x13A00  }
0xa1: {  	[tilespmem:s23], [sflag:$0x1] =	stream.indirect_vreg.gather [hbm4b:s3+s2], $0x80, v3, vm0, $0xb8;
	[tilespmem:$0x18200] =	vst v63  }
0xa2: {  	s24 =	simm.s32 $0x14200  }
0xa3: {  	[tilespmem:s24], [sflag:$0x1] =	stream.indirect_vreg.gather [hbm4b:s8+s2], $0x80, v3, vm0, $0xb8;
	[tilespmem:$0x18200] =	vst v63  }
0xa4: {  	_ = 	snop  }
0xa5: {  	[tilespmem:s28], [sflag:$0x1] =	stream.indirect_vreg.gather [hbm4b:s9+s2], $0x80, v3, vm0, $0xb8;
	[tilespmem:$0x18200] =	vst v63  }
0xa6: {  	v3 =	vld [tilespmem:$0xB0];
	_ =	sdelay $0x4  }
0xa7: {  	v4 =	vshrl.u32 v3, $0x3  }
0xa8: {  	v4 =	vmul.u32 $0x30, v4  }
0xa9: {  	v3 =	vand.u32 $0x7, v3  }
0xaa: {  	v3 =	vor.u32 v3, v4  }
0xab: {  	v4 =	vperm.xlane v3, v0;
	_ =	sdelay $0x1  }
0xac: {  	v4 =	vadd.s32 v1, v4;
	_ =	sdelay $0x3  }
0xad: {  	v3 =	vperm.xlane v3, v2  }
0xae: {  	[tilespmem:s29], [sflag:$0x1] =	stream.indirect_vreg.gather [hbm4b:s3+s2], $0x80, v4, vm0, $0xb8;
	[tilespmem:$0x18200] =	vst v63  }
0xaf: {  	v3 =	vadd.s32 v1, v3  }
0xb0: {  	[tilespmem:s30], [sflag:$0x1] =	stream.indirect_vreg.gather [hbm4b:s8+s2], $0x80, v4, vm0, $0xb8;
	[tilespmem:$0x18200] =	vst v63  }
0xb1: {  	_ = 	snop  }
0xb2: {  	[tilespmem:s31], [sflag:$0x1] =	stream.indirect_vreg.gather [hbm4b:s9+s2], $0x80, v4, vm0, $0xb8;
	[tilespmem:$0x18200] =	vst v63  }
0xb3: {  	_ = 	snop  }
0xb4: {  	[tilespmem:s0], [sflag:$0x1] =	stream.indirect_vreg.gather [hbm4b:s3+s2], $0x80, v3, vm0, $0xb8;
	[tilespmem:$0x18200] =	vst v63  }
0xb5: {  	_ = 	snop  }
0xb6: {  	[tilespmem:s1], [sflag:$0x1] =	stream.indirect_vreg.gather [hbm4b:s8+s2], $0x80, v3, vm0, $0xb8;
	[tilespmem:$0x18200] =	vst v63  }
0xb7: {  	_ = 	snop  }
0xb8: {  	[tilespmem:s14], [sflag:$0x1] =	stream.indirect_vreg.gather [hbm4b:s9+s2], $0x80, v3, vm0, $0xb8;
	[tilespmem:$0x18200] =	vst v63  }
0xb9: {  	_ =	swait.ge [sflag:s18], $0x6000  }
0xba: {  	[sflag:s18] =	ssyncset.done $0x0  }
0xbb: {  	s26 =	simm.s32 $0x0;
	[sflag:s18] =	ssyncadd.s32 $0xFFFFA000  }
0xbc: {  	s21 =	smul.u32 $0x1800, s26;
	_ =	swait.ge [sflag:s18], $0x6000  }
0xbd: {  	s22 =	sand.u32 $0x380, s2;
	[sflag:s18] =	ssyncset.done $0x0  }
0xbe: {  	s21 =	sor.u32 s22, s21;
	[sflag:s18] =	ssyncadd.s32 $0xFFFFA000  }
0xbf: {  	v4 =	vld [tilespmem:s21+$0x210]  }
0xc0: {  	v3 =	vld [tilespmem:s21+$0xC210]  }
0xc1: {  	v6 =	vld [tilespmem:s21+$0x220]  }
0xc2: {  	v5 =	vld [tilespmem:s21+$0xC220]  }
0xc3: {  	v8 =	vld [tilespmem:s21+$0x230]  }
0xc4: {  	v7 =	vld [tilespmem:s21+$0xC230]  }
0xc5: {  	v10 =	vld [tilespmem:s21+$0x240]  }
0xc6: {  	v9 =	vld [tilespmem:s21+$0xC240]  }
0xc7: {  	v12 =	vld [tilespmem:s21+$0x250]  }
0xc8: {  	v11 =	vld [tilespmem:s21+$0xC250]  }
0xc9: {  	v13 =	vld [tilespmem:s21+$0x260]  }
0xca: {  	v14 =	vld [tilespmem:s21+$0x270]  }
0xcb: {  	v15 =	vld [tilespmem:s21+$0x600]  }
0xcc: {  	v16 =	vld [tilespmem:s21+$0x610]  }
0xcd: {  	v17 =	vld [tilespmem:s21+$0x620]  }
0xce: {  	v18 =	vld [tilespmem:s21+$0x630]  }
0xcf: {  	v19 =	vld [tilespmem:s21+$0x640]  }
0xd0: {  	v20 =	vld [tilespmem:s21+$0x650]  }
0xd1: {  	v21 =	vld [tilespmem:s21+$0x660]  }
0xd2: {  	v22 =	vld [tilespmem:s21+$0x670]  }
0xd3: {  	v23 =	vld [tilespmem:s21+$0xA00]  }
0xd4: {  	v24 =	vld [tilespmem:s21+$0xA10]  }
0xd5: {  	v25 =	vld [tilespmem:s21+$0xA20]  }
0xd6: {  	v26 =	vld [tilespmem:s21+$0xA30]  }
0xd7: {  	v27 =	vld [tilespmem:s21+$0xA40]  }
0xd8: {  	v28 =	vld [tilespmem:s21+$0xA50]  }
0xd9: {  	v29 =	vld [tilespmem:s21+$0xA60]  }
0xda: {  	v30 =	vld [tilespmem:s21+$0xA70]  }
0xdb: {  	v32 =	vld [tilespmem:s21+$0xE00]  }
0xdc: {  	v34 =	vld [tilespmem:s21+$0xE10]  }
0xdd: {  	v35 =	vld [tilespmem:s21+$0xE20]  }
0xde: {  	v36 =	vld [tilespmem:s21+$0xE30]  }
0xdf: {  	v37 =	vld [tilespmem:s21+$0xE40]  }
0xe0: {  	v38 =	vld [tilespmem:s21+$0xE50]  }
0xe1: {  	v39 =	vld [tilespmem:s21+$0xE60]  }
0xe2: {  	v40 =	vld [tilespmem:s21+$0xE70]  }
0xe3: {  	v41 =	vld [tilespmem:s21+$0x1200]  }
0xe4: {  	v42 =	vld [tilespmem:s21+$0x1210]  }
0xe5: {  	v43 =	vld [tilespmem:s21+$0x1220]  }
0xe6: {  	v44 =	vld [tilespmem:s21+$0x1230]  }
0xe7: {  	v45 =	vld [tilespmem:s21+$0x1240]  }
0xe8: {  	v46 =	vld [tilespmem:s21+$0x1250]  }
0xe9: {  	v47 =	vld [tilespmem:s21+$0x1260]  }
0xea: {  	v50 =	vmov s2;
	v48 =	vld [tilespmem:s21+$0x1600]  }
0xeb: {  	s22 =	simm.s32 $0x1;
	s23 =	simm.s32 $0x0;
	v49 =	vld [tilespmem:s21+$0x1610]  }
.LBB2_2:
0xec: {  	p0 =	sne.s32 s22, $0x1F;
	v51 =	vld [tilespmem:s21+$0xD610]  }
0xed: {  	v52 =	vld [tilespmem:s21+$0xD630]  }
0xee: {  	v53 =	vld [tilespmem:s21+$0x1620]  }
0xef: {  	v33 =	vld.idx.msk [tilespmem:v50+s15+$0x0], $0xffff  }
0xf0: {  	v31 =	vld.idx.msk [tilespmem:v50+s16+$0x0], $0xffff  }
0xf1: {  	v50 =	vld [tilespmem:s21+$0x1630]  }
0xf2: {  	v54 =	vld [tilespmem:s21+$0xD620]  }
0xf3: {  	v55 =	vld [tilespmem:s21+$0xD600]  }
0xf4: {  	v56 =	vld [tilespmem:s21+$0x1270]  }
0xf5: {  	v49 =	vmul.f32 v49, v33;
	v53 =	vmul.f32 v53, v33;
	v57 =	vld [tilespmem:s21+$0xD270]  }
0xf6: {  	v52 =	vmul.f32 v52, v31;
	v58 =	vld [tilespmem:s21+$0xD260];
	v50 =	vmul.f32 v50, v33  }
0xf7: {  	v51 =	vmul.f32 v51, v31;
	v59 =	vld [tilespmem:s21+$0xD250];
	v54 =	vmul.f32 v54, v31  }
0xf8: {  	v48 =	vmul.f32 v48, v33;
	v60 =	vld [tilespmem:s21+$0xD240];
	v55 =	vmul.f32 v55, v31;
	v50 =	vadd.f32 v52, v50  }
0xf9: {  	v49 =	vadd.f32 v51, v49;
	v52 =	vld [tilespmem:s21+$0xD230];
	v56 =	vmul.f32 v56, v33;
	v51 =	vadd.f32 v54, v53  }
0xfa: {  	v47 =	vmul.f32 v47, v33;
	v53 =	vld [tilespmem:s21+$0xD220];
	v54 =	vmul.f32 v57, v31;
	v48 =	vadd.f32 v55, v48;
	[tilespmem:s21+$0x1630] =	vst v50  }
0xfb: {  	v46 =	vmul.f32 v46, v33;
	v50 =	vld [tilespmem:s21+$0xD210];
	v55 =	vmul.f32 v58, v31;
	[tilespmem:s21+$0x1620] =	vst v51  }
0xfc: {  	v45 =	vmul.f32 v45, v33;
	v51 =	vld [tilespmem:s21+$0xD200];
	v57 =	vmul.f32 v59, v31;
	v54 =	vadd.f32 v54, v56;
	[tilespmem:s21+$0x1610] =	vst v49  }
0xfd: {  	v44 =	vmul.f32 v44, v33;
	v49 =	vld [tilespmem:s21+$0xCE70];
	v56 =	vmul.f32 v60, v31;
	v47 =	vadd.f32 v55, v47;
	[tilespmem:s21+$0x1600] =	vst v48  }
0xfe: {  	v43 =	vmul.f32 v43, v33;
	v48 =	vld [tilespmem:s21+$0xCE60];
	v52 =	vmul.f32 v52, v31;
	v46 =	vadd.f32 v57, v46;
	[tilespmem:s21+$0x1270] =	vst v54  }
0xff: {  	v42 =	vmul.f32 v42, v33;
	v54 =	vld [tilespmem:s21+$0xCE50];
	v53 =	vmul.f32 v53, v31;
	v45 =	vadd.f32 v56, v45;
	[tilespmem:s21+$0x1260] =	vst v47  }
0x100: {  	v41 =	vmul.f32 v41, v33;
	v47 =	vld [tilespmem:s21+$0xCE40];
	v50 =	vmul.f32 v50, v31;
	v44 =	vadd.f32 v52, v44;
	[tilespmem:s21+$0x1250] =	vst v46  }
0x101: {  	v40 =	vmul.f32 v40, v33;
	v46 =	vld [tilespmem:s21+$0xCE30];
	v51 =	vmul.f32 v51, v31;
	v43 =	vadd.f32 v53, v43;
	[tilespmem:s21+$0x1240] =	vst v45  }
0x102: {  	v39 =	vmul.f32 v39, v33;
	v45 =	vld [tilespmem:s21+$0xCE20];
	v49 =	vmul.f32 v49, v31;
	v42 =	vadd.f32 v50, v42;
	[tilespmem:s21+$0x1230] =	vst v44  }
0x103: {  	v38 =	vmul.f32 v38, v33;
	v44 =	vld [tilespmem:s21+$0xCE10];
	v48 =	vmul.f32 v48, v31;
	v41 =	vadd.f32 v51, v41;
	[tilespmem:s21+$0x1220] =	vst v43  }
0x104: {  	v37 =	vmul.f32 v37, v33;
	v43 =	vld [tilespmem:s21+$0xCE00];
	v50 =	vmul.f32 v54, v31;
	v40 =	vadd.f32 v49, v40;
	[tilespmem:s21+$0x1210] =	vst v42  }
0x105: {  	v36 =	vmul.f32 v36, v33;
	v42 =	vld [tilespmem:s21+$0xCA70];
	v47 =	vmul.f32 v47, v31;
	v39 =	vadd.f32 v48, v39;
	[tilespmem:s21+$0x1200] =	vst v41  }
0x106: {  	v35 =	vmul.f32 v35, v33;
	v41 =	vld [tilespmem:s21+$0xCA60];
	v46 =	vmul.f32 v46, v31;
	v38 =	vadd.f32 v50, v38;
	[tilespmem:s21+$0xE70] =	vst v40  }
0x107: {  	v34 =	vmul.f32 v34, v33;
	v40 =	vld [tilespmem:s21+$0xCA50];
	v45 =	vmul.f32 v45, v31;
	v37 =	vadd.f32 v47, v37;
	[tilespmem:s21+$0xE60] =	vst v39  }
0x108: {  	v32 =	vmul.f32 v32, v33;
	v39 =	vld [tilespmem:s21+$0xCA40];
	v44 =	vmul.f32 v44, v31;
	v36 =	vadd.f32 v46, v36;
	[tilespmem:s21+$0xE50] =	vst v38  }
0x109: {  	v30 =	vmul.f32 v30, v33;
	v38 =	vld [tilespmem:s21+$0xCA30];
	v43 =	vmul.f32 v43, v31;
	v35 =	vadd.f32 v45, v35;
	[tilespmem:s21+$0xE40] =	vst v37  }
0x10a: {  	v29 =	vmul.f32 v29, v33;
	v37 =	vld [tilespmem:s21+$0xCA20];
	v42 =	vmul.f32 v42, v31;
	v34 =	vadd.f32 v44, v34;
	[tilespmem:s21+$0xE30] =	vst v36  }
0x10b: {  	v28 =	vmul.f32 v28, v33;
	v36 =	vld [tilespmem:s21+$0xCA10];
	v41 =	vmul.f32 v41, v31;
	v32 =	vadd.f32 v43, v32;
	[tilespmem:s21+$0xE20] =	vst v35  }
0x10c: {  	v27 =	vmul.f32 v27, v33;
	v35 =	vld [tilespmem:s21+$0xCA00];
	v40 =	vmul.f32 v40, v31;
	v30 =	vadd.f32 v42, v30;
	[tilespmem:s21+$0xE10] =	vst v34  }
0x10d: {  	v26 =	vmul.f32 v26, v33;
	v34 =	vld [tilespmem:s21+$0xC670];
	v39 =	vmul.f32 v39, v31;
	v29 =	vadd.f32 v41, v29;
	[tilespmem:s21+$0xE00] =	vst v32  }
0x10e: {  	v25 =	vmul.f32 v25, v33;
	v32 =	vld [tilespmem:s21+$0xC660];
	v38 =	vmul.f32 v38, v31;
	v28 =	vadd.f32 v40, v28;
	[tilespmem:s21+$0xA70] =	vst v30  }
0x10f: {  	v24 =	vmul.f32 v24, v33;
	v30 =	vld [tilespmem:s21+$0xC650];
	v37 =	vmul.f32 v37, v31;
	v27 =	vadd.f32 v39, v27;
	[tilespmem:s21+$0xA60] =	vst v29  }
0x110: {  	v23 =	vmul.f32 v23, v33;
	v29 =	vld [tilespmem:s21+$0xC640];
	v36 =	vmul.f32 v36, v31;
	v26 =	vadd.f32 v38, v26;
	[tilespmem:s21+$0xA50] =	vst v28  }
0x111: {  	v22 =	vmul.f32 v22, v33;
	v28 =	vld [tilespmem:s21+$0xC630];
	v35 =	vmul.f32 v35, v31;
	v25 =	vadd.f32 v37, v25;
	[tilespmem:s21+$0xA40] =	vst v27  }
0x112: {  	v21 =	vmul.f32 v21, v33;
	v27 =	vld [tilespmem:s21+$0xC620];
	v34 =	vmul.f32 v34, v31;
	v24 =	vadd.f32 v36, v24;
	[tilespmem:s21+$0xA30] =	vst v26  }
0x113: {  	v20 =	vmul.f32 v20, v33;
	v26 =	vld [tilespmem:s21+$0xC610];
	v32 =	vmul.f32 v32, v31;
	v23 =	vadd.f32 v35, v23;
	[tilespmem:s21+$0xA20] =	vst v25  }
0x114: {  	v19 =	vmul.f32 v19, v33;
	v25 =	vld [tilespmem:s21+$0xC600];
	v30 =	vmul.f32 v30, v31;
	v22 =	vadd.f32 v34, v22;
	[tilespmem:s21+$0xA10] =	vst v24  }
0x115: {  	v18 =	vmul.f32 v18, v33;
	v24 =	vld [tilespmem:s21+$0xC270];
	v29 =	vmul.f32 v29, v31;
	v21 =	vadd.f32 v32, v21;
	[tilespmem:s21+$0xA00] =	vst v23  }
0x116: {  	v17 =	vmul.f32 v17, v33;
	v23 =	vld [tilespmem:s21+$0xC260];
	v28 =	vmul.f32 v28, v31;
	v20 =	vadd.f32 v30, v20;
	[tilespmem:s21+$0x670] =	vst v22  }
0x117: {  	v16 =	vmul.f32 v16, v33;
	v22 =	vmul.f32 v27, v31;
	v19 =	vadd.f32 v29, v19;
	[tilespmem:s21+$0x660] =	vst v21;
	v21 =	vld [tilespmem:s21+$0xD640]  }
0x118: {  	v15 =	vmul.f32 v15, v33;
	v26 =	vmul.f32 v26, v31;
	v18 =	vadd.f32 v28, v18;
	[tilespmem:s21+$0x650] =	vst v20;
	v20 =	vld [tilespmem:s21+$0xD650]  }
0x119: {  	v14 =	vmul.f32 v14, v33;
	v25 =	vmul.f32 v25, v31;
	v17 =	vadd.f32 v22, v17;
	[tilespmem:s21+$0x640] =	vst v19;
	v19 =	vld [tilespmem:s21+$0xD660]  }
0x11a: {  	v13 =	vmul.f32 v13, v33;
	v22 =	vmul.f32 v24, v31;
	v16 =	vadd.f32 v26, v16;
	[tilespmem:s21+$0x630] =	vst v18;
	v18 =	vld [tilespmem:s21+$0xD670]  }
0x11b: {  	v12 =	vmul.f32 v12, v33;
	v23 =	vmul.f32 v23, v31;
	v15 =	vadd.f32 v25, v15;
	[tilespmem:s21+$0x620] =	vst v17;
	v17 =	vld [tilespmem:s21+$0x1640]  }
0x11c: {  	v10 =	vmul.f32 v10, v33;
	v11 =	vmul.f32 v11, v31;
	v14 =	vadd.f32 v22, v14;
	[tilespmem:s21+$0x610] =	vst v16;
	v16 =	vld [tilespmem:s21+$0x1650]  }
0x11d: {  	v8 =	vmul.f32 v8, v33;
	v9 =	vmul.f32 v9, v31;
	v13 =	vadd.f32 v23, v13;
	[tilespmem:s21+$0x600] =	vst v15;
	v15 =	vld [tilespmem:s21+$0x1660]  }
0x11e: {  	v6 =	vmul.f32 v6, v33;
	v7 =	vmul.f32 v7, v31;
	v11 =	vadd.f32 v11, v12;
	[tilespmem:s21+$0x270] =	vst v14;
	v12 =	vld [tilespmem:s21+$0x1670]  }
0x11f: {  	v4 =	vmul.f32 v4, v33;
	v5 =	vmul.f32 v5, v31;
	v9 =	vadd.f32 v9, v10;
	v14 =	vld [tilespmem:s21+$0x200];
	[tilespmem:s21+$0x260] =	vst v13  }
0x120: {  	v3 =	vmul.f32 v3, v31;
	v7 =	vadd.f32 v7, v8;
	v10 =	vld [tilespmem:s21+$0xC200];
	[tilespmem:s21+$0x250] =	vst v11;
	v8 =	vmul.f32 v17, v33  }
0x121: {  	s24 =	sshrl.u32 s22, $0x3;
	v5 =	vadd.f32 v5, v6;
	v6 =	vmul.f32 v21, v31;
	[tilespmem:s21+$0x240] =	vst v9;
	v9 =	vmul.f32 v16, v33  }
0x122: {  	s23 =	sadd.s32 $0x80, s23;
	s24 =	smul.u32 $0x1800, s24;
	v3 =	vadd.f32 v3, v4;
	v4 =	vmul.f32 v20, v31;
	[tilespmem:s21+$0x230] =	vst v7;
	v7 =	vmul.f32 v15, v33  }
0x123: {  	s26 =	sand.u32 $0x380, s23;
	[tilespmem:s21+$0x220] =	vst v5;
	v5 =	vadd.f32 v6, v8;
	v6 =	vmul.f32 v19, v31;
	v8 =	vmul.f32 v12, v33  }
0x124: {  	s24 =	sor.u32 s26, s24;
	v9 =	vadd.f32 v4, v9;
	v12 =	vmul.f32 v18, v31;
	v11 =	vmul.f32 v14, v33;
	[tilespmem:s21+$0x210] =	vst v3  }
0x125: {  	v4 =	vld [tilespmem:s24+$0x210];
	v10 =	vmul.f32 v10, v31;
	[tilespmem:s21+$0x1640] =	vst v5;
	v5 =	vadd.f32 v6, v7  }
0x126: {  	v7 =	vadd.f32 v12, v8;
	v3 =	vld [tilespmem:s24+$0xC210];
	[tilespmem:s21+$0x1650] =	vst v9  }
0x127: {  	v6 =	vld [tilespmem:s24+$0x220];
	v9 =	vadd.f32 v10, v11;
	[tilespmem:s21+$0x1660] =	vst v5  }
0x128: {  	v5 =	vld [tilespmem:s24+$0xC220];
	[tilespmem:s21+$0x1670] =	vst v7  }
0x129: {  	v8 =	vld [tilespmem:s24+$0x230];
	[tilespmem:s21+$0x200] =	vst v9;
	s21 =	smov.u32 s24  }
0x12a: {  	v7 =	vld [tilespmem:s21+$0xC230]  }
0x12b: {  	v10 =	vld [tilespmem:s21+$0x240]  }
0x12c: {  	v9 =	vld [tilespmem:s21+$0xC240]  }
0x12d: {  	v12 =	vld [tilespmem:s21+$0x250]  }
0x12e: {  	v11 =	vld [tilespmem:s21+$0xC250]  }
0x12f: {  	v13 =	vld [tilespmem:s21+$0x260]  }
0x130: {  	v14 =	vld [tilespmem:s21+$0x270]  }
0x131: {  	v15 =	vld [tilespmem:s21+$0x600]  }
0x132: {  	v16 =	vld [tilespmem:s21+$0x610]  }
0x133: {  	v17 =	vld [tilespmem:s21+$0x620]  }
0x134: {  	v18 =	vld [tilespmem:s21+$0x630]  }
0x135: {  	v19 =	vld [tilespmem:s21+$0x640]  }
0x136: {  	v20 =	vld [tilespmem:s21+$0x650]  }
0x137: {  	v21 =	vld [tilespmem:s21+$0x660]  }
0x138: {  	v22 =	vld [tilespmem:s21+$0x670]  }
0x139: {  	v23 =	vld [tilespmem:s21+$0xA00]  }
0x13a: {  	v24 =	vld [tilespmem:s21+$0xA10]  }
0x13b: {  	v25 =	vld [tilespmem:s21+$0xA20]  }
0x13c: {  	v26 =	vld [tilespmem:s21+$0xA30]  }
0x13d: {  	v27 =	vld [tilespmem:s21+$0xA40]  }
0x13e: {  	v28 =	vld [tilespmem:s21+$0xA50]  }
0x13f: {  	v29 =	vld [tilespmem:s21+$0xA60]  }
0x140: {  	v30 =	vld [tilespmem:s21+$0xA70]  }
0x141: {  	v32 =	vld [tilespmem:s21+$0xE00]  }
0x142: {  	v34 =	vld [tilespmem:s21+$0xE10]  }
0x143: {  	v35 =	vld [tilespmem:s21+$0xE20]  }
0x144: {  	v36 =	vld [tilespmem:s21+$0xE30]  }
0x145: {  	v37 =	vld [tilespmem:s21+$0xE40]  }
0x146: {  	v38 =	vld [tilespmem:s21+$0xE50]  }
0x147: {  	v39 =	vld [tilespmem:s21+$0xE60]  }
0x148: {  	v40 =	vld [tilespmem:s21+$0xE70]  }
0x149: {  	v41 =	vld [tilespmem:s21+$0x1200]  }
0x14a: {  	v42 =	vld [tilespmem:s21+$0x1210]  }
0x14b: {  	v43 =	vld [tilespmem:s21+$0x1220]  }
0x14c: {  	v44 =	vld [tilespmem:s21+$0x1230]  }
.Ltmp0:
0x14d: {  	v45 =	vld [tilespmem:s21+$0x1240];
	(pc) =	sbr.rel @p0 .LBB2_2-.Ltmp0, $4  }
0x14e: {  	v46 =	vld [tilespmem:s21+$0x1250]  }
0x14f: {  	v47 =	vld [tilespmem:s21+$0x1260]  }
0x150: {  	v50 =	vmov s22;
	v48 =	vld [tilespmem:s21+$0x1600]  }
0x151: {  	s22 =	sadd.s32 $0x1, s22;
	v49 =	vld [tilespmem:s21+$0x1610]  }
0x152: {  	_ = 	snop  }
0x153: {  	v51 =	vld [tilespmem:s21+$0xD610]  }
0x154: {  	v52 =	vld [tilespmem:s21+$0xD630]  }
0x155: {  	v53 =	vld [tilespmem:s21+$0x1620]  }
0x156: {  	v31 =	vld.idx.msk [tilespmem:v50+s15+$0x0], $0xffff  }
0x157: {  	v33 =	vld.idx.msk [tilespmem:v50+s16+$0x0], $0xffff  }
0x158: {  	v61 =	vld [tilespmem:s21+$0x1630]  }
0x159: {  	v54 =	vld [tilespmem:s21+$0xD620]  }
0x15a: {  	v55 =	vld [tilespmem:s21+$0xD600]  }
0x15b: {  	v56 =	vld [tilespmem:s21+$0x1270]  }
0x15c: {  	v57 =	vld [tilespmem:s21+$0xD270]  }
0x15d: {  	v58 =	vld [tilespmem:s21+$0xD260];
	v50 =	vmul.f32 v61, v31;
	v52 =	vmul.f32 v52, v33  }
0x15e: {  	v53 =	vmul.f32 v53, v31;
	v54 =	vmul.f32 v54, v33  }
0x15f: {  	v59 =	vld [tilespmem:s21+$0xD250];
	v49 =	vmul.f32 v49, v31;
	v51 =	vmul.f32 v51, v33  }
0x160: {  	v60 =	vld [tilespmem:s21+$0xD240];
	v48 =	vmul.f32 v48, v31;
	v62 =	vmul.f32 v55, v33  }
0x161: {  	v61 =	vld [tilespmem:s21+$0xD220];
	v63 =	vmul.f32 v56, v31;
	v57 =	vmul.f32 v57, v33;
	v50 =	vadd.f32 v52, v50  }
0x162: {  	v47 =	vmul.f32 v47, v31;
	v58 =	vmul.f32 v58, v33;
	v55 =	vld [tilespmem:s21+$0xCA50];
	v53 =	vadd.f32 v54, v53  }
0x163: {  	v46 =	vmul.f32 v46, v31;
	v45 =	vmul.f32 v45, v31;
	v52 =	vld [tilespmem:s21+$0xD230];
	v49 =	vadd.f32 v51, v49;
	[tilespmem:s21+$0x1630] =	vst v50  }
0x164: {  	v44 =	vmul.f32 v44, v31;
	v43 =	vmul.f32 v43, v31;
	v51 =	vld [tilespmem:s21+$0xD200];
	v48 =	vadd.f32 v62, v48;
	[tilespmem:s21+$0x1620] =	vst v53  }
0x165: {  	v42 =	vmul.f32 v42, v31;
	v62 =	vmul.f32 v59, v33;
	v47 =	vadd.f32 v58, v47;
	v58 =	vld [tilespmem:s21+$0xCE30];
	[tilespmem:s21+$0x1610] =	vst v49  }
0x166: {  	v41 =	vmul.f32 v41, v31;
	v50 =	vld [tilespmem:s21+$0xD210];
	v53 =	vadd.f32 v57, v63;
	[tilespmem:s21+$0x1600] =	vst v48;
	v63 =	vmul.f32 v60, v33  }
0x167: {  	v40 =	vmul.f32 v40, v31;
	v49 =	vld [tilespmem:s21+$0xCE70];
	v46 =	vadd.f32 v62, v46;
	[tilespmem:s21+$0x1260] =	vst v47;
	v59 =	vmul.f32 v61, v33  }
0x168: {  	v39 =	vmul.f32 v39, v31;
	v48 =	vld [tilespmem:s21+$0xCE60];
	[tilespmem:s21+$0x1270] =	vst v53;
	v45 =	vadd.f32 v63, v45;
	v52 =	vmul.f32 v52, v33  }
0x169: {  	v38 =	vmul.f32 v38, v31;
	v57 =	vld [tilespmem:s21+$0xCE40];
	[tilespmem:s21+$0x1250] =	vst v46;
	v43 =	vadd.f32 v59, v43;
	v51 =	vmul.f32 v51, v33  }
0x16a: {  	v36 =	vmul.f32 v36, v31;
	v60 =	vld [tilespmem:s21+$0xCE20];
	v46 =	vmul.f32 v58, v33;
	[tilespmem:s21+$0x1240] =	vst v45;
	v44 =	vadd.f32 v52, v44  }
0x16b: {  	v37 =	vmul.f32 v37, v31;
	v53 =	vld [tilespmem:s21+$0xCE50];
	v50 =	vmul.f32 v50, v33;
	[tilespmem:s21+$0x1220] =	vst v43;
	v41 =	vadd.f32 v51, v41  }
0x16c: {  	v35 =	vmul.f32 v35, v31;
	v61 =	vld [tilespmem:s21+$0xCE10];
	v49 =	vmul.f32 v49, v33;
	v36 =	vadd.f32 v46, v36;
	[tilespmem:s21+$0x1230] =	vst v44  }
0x16d: {  	v34 =	vmul.f32 v34, v31;
	v59 =	vld [tilespmem:s21+$0xCA10];
	v48 =	vmul.f32 v48, v33;
	v42 =	vadd.f32 v50, v42;
	[tilespmem:s21+$0x1200] =	vst v41  }
0x16e: {  	v30 =	vmul.f32 v30, v31;
	v63 =	vld [tilespmem:s21+$0xCA70];
	v47 =	vmul.f32 v57, v33;
	v40 =	vadd.f32 v49, v40;
	[tilespmem:s21+$0xE30] =	vst v36  }
0x16f: {  	v56 =	vld [tilespmem:s21+$0xCA40];
	v29 =	vmul.f32 v29, v31;
	v45 =	vmul.f32 v60, v33;
	v39 =	vadd.f32 v48, v39;
	[tilespmem:s21+$0x1210] =	vst v42  }
0x170: {  	v28 =	vmul.f32 v28, v31;
	v52 =	vld [tilespmem:s21+$0xCA60];
	v54 =	vmul.f32 v53, v33;
	v37 =	vadd.f32 v47, v37;
	[tilespmem:s21+$0xE70] =	vst v40  }
0x171: {  	v27 =	vmul.f32 v27, v31;
	v62 =	vld [tilespmem:s21+$0xCE00];
	v44 =	vmul.f32 v61, v33;
	v35 =	vadd.f32 v45, v35;
	[tilespmem:s21+$0xE60] =	vst v39  }
0x172: {  	v24 =	vmul.f32 v24, v31;
	v58 =	vld [tilespmem:s21+$0xCA20];
	v36 =	vmul.f32 v59, v33;
	v38 =	vadd.f32 v54, v38;
	[tilespmem:s21+$0xE40] =	vst v37  }
0x173: {  	v26 =	vmul.f32 v26, v31;
	v60 =	vld [tilespmem:s21+$0xCA00];
	v34 =	vadd.f32 v44, v34;
	[tilespmem:s21+$0xE20] =	vst v35;
	v42 =	vmul.f32 v63, v33  }
0x174: {  	v25 =	vmul.f32 v25, v31;
	v57 =	vld [tilespmem:s21+$0xCA30];
	v40 =	vmul.f32 v55, v33;
	v24 =	vadd.f32 v36, v24;
	[tilespmem:s21+$0xE50] =	vst v38  }
0x175: {  	v23 =	vmul.f32 v23, v31;
	v61 =	vld [tilespmem:s21+$0xC670];
	v41 =	vmul.f32 v52, v33;
	[tilespmem:s21+$0xE10] =	vst v34;
	v30 =	vadd.f32 v42, v30  }
0x176: {  	v22 =	vmul.f32 v22, v31;
	v39 =	vmul.f32 v56, v33;
	v28 =	vadd.f32 v40, v28;
	[tilespmem:s21+$0xA10] =	vst v24  }
0x177: {  	v43 =	vmul.f32 v62, v33;
	v62 =	vld [tilespmem:s21+$0xC660];
	v37 =	vmul.f32 v58, v33;
	v29 =	vadd.f32 v41, v29;
	[tilespmem:s21+$0xA70] =	vst v30  }
0x178: {  	v21 =	vmul.f32 v21, v31;
	v35 =	vmul.f32 v60, v33;
	v27 =	vadd.f32 v39, v27;
	v30 =	vld [tilespmem:s21+$0xC650];
	[tilespmem:s21+$0xA50] =	vst v28  }
0x179: {  	v10 =	vmul.f32 v10, v31;
	v38 =	vmul.f32 v57, v33;
	v25 =	vadd.f32 v37, v25;
	[tilespmem:s21+$0xA60] =	vst v29;
	v29 =	vld [tilespmem:s21+$0xC640]  }
0x17a: {  	v9 =	vmul.f32 v9, v33;
	v34 =	vmul.f32 v61, v33;
	v23 =	vadd.f32 v35, v23;
	v28 =	vld [tilespmem:s21+$0xC630];
	[tilespmem:s21+$0xA40] =	vst v27  }
0x17b: {  	v12 =	vmul.f32 v12, v31;
	v11 =	vmul.f32 v11, v33;
	v26 =	vadd.f32 v38, v26;
	v27 =	vld [tilespmem:s21+$0xC620];
	[tilespmem:s21+$0xA20] =	vst v25  }
0x17c: {  	v9 =	vadd.f32 v9, v10;
	v10 =	vld [tilespmem:s21+$0xC200];
	v24 =	vmul.f32 v62, v33;
	v22 =	vadd.f32 v34, v22;
	[tilespmem:s21+$0xA00] =	vst v23  }
0x17d: {  	v20 =	vmul.f32 v20, v31;
	v11 =	vadd.f32 v11, v12;
	[tilespmem:s21+$0xA30] =	vst v26;
	v26 =	vld [tilespmem:s21+$0xC610];
	v23 =	vmul.f32 v30, v33  }
0x17e: {  	v19 =	vmul.f32 v19, v31;
	v25 =	vld [tilespmem:s21+$0xC600];
	v21 =	vadd.f32 v24, v21;
	[tilespmem:s21+$0x670] =	vst v22;
	v22 =	vmul.f32 v29, v33  }
0x17f: {  	v18 =	vmul.f32 v18, v31;
	[tilespmem:s21+$0x250] =	vst v11;
	v63 =	vld [tilespmem:s21+$0xC270];
	v20 =	vadd.f32 v23, v20;
	v23 =	vmul.f32 v28, v33  }
0x180: {  	v17 =	vmul.f32 v17, v31;
	v24 =	vld [tilespmem:s21+$0xC260];
	[tilespmem:s21+$0x660] =	vst v21;
	v19 =	vadd.f32 v22, v19;
	v22 =	vmul.f32 v27, v33  }
0x181: {  	v21 =	vld [tilespmem:s21+$0xD640];
	[tilespmem:s21+$0x650] =	vst v20;
	v18 =	vadd.f32 v23, v18  }
0x182: {  	v16 =	vmul.f32 v16, v31;
	v20 =	vld [tilespmem:s21+$0xD650];
	v23 =	vmul.f32 v26, v33;
	[tilespmem:s21+$0x640] =	vst v19;
	v17 =	vadd.f32 v22, v17  }
0x183: {  	v15 =	vmul.f32 v15, v31;
	v19 =	vld [tilespmem:s21+$0xD660];
	[tilespmem:s21+$0x630] =	vst v18;
	v18 =	vmul.f32 v25, v33  }
0x184: {  	v14 =	vmul.f32 v14, v31;
	v22 =	vld [tilespmem:s21+$0xD670];
	v16 =	vadd.f32 v23, v16;
	[tilespmem:s21+$0x620] =	vst v17;
	v17 =	vmul.f32 v63, v33  }
0x185: {  	v8 =	vmul.f32 v8, v31;
	v7 =	vmul.f32 v7, v33;
	[tilespmem:s21+$0x240] =	vst v9;
	v15 =	vadd.f32 v18, v15;
	v18 =	vld [tilespmem:s21+$0x1640]  }
0x186: {  	v6 =	vmul.f32 v6, v31;
	v5 =	vmul.f32 v5, v33;
	[tilespmem:s21+$0x610] =	vst v16;
	v16 =	vld [tilespmem:s21+$0x1650];
	v14 =	vadd.f32 v17, v14  }
0x187: {  	v4 =	vmul.f32 v4, v31;
	v3 =	vmul.f32 v3, v33;
	v7 =	vadd.f32 v7, v8;
	[tilespmem:s21+$0x600] =	vst v15;
	v15 =	vld [tilespmem:s21+$0x1660]  }
0x188: {  	v32 =	vmul.f32 v32, v31;
	v5 =	vadd.f32 v5, v6;
	[tilespmem:s21+$0x270] =	vst v14;
	v14 =	vld [tilespmem:s21+$0x1670]  }
0x189: {  	v13 =	vmul.f32 v13, v31;
	v12 =	vld [tilespmem:s21+$0x200];
	v3 =	vadd.f32 v3, v4;
	[tilespmem:s21+$0x230] =	vst v7;
	v23 =	vmul.f32 v24, v33  }
0x18a: {  	[tilespmem:s21+$0x220] =	vst v5;
	v32 =	vadd.f32 v43, v32;
	v6 =	vmul.f32 v21, v33;
	v8 =	vmul.f32 v18, v31  }
0x18b: {  	[tilespmem:s21+$0x210] =	vst v3;
	v13 =	vadd.f32 v23, v13;
	v4 =	vmul.f32 v20, v33;
	v9 =	vmul.f32 v16, v31  }
0x18c: {  	[tilespmem:s21+$0xE00] =	vst v32;
	v7 =	vmul.f32 v15, v31;
	v5 =	vadd.f32 v6, v8;
	v6 =	vmul.f32 v19, v33  }
0x18d: {  	[tilespmem:s21+$0x260] =	vst v13;
	v3 =	vadd.f32 v4, v9;
	v4 =	vmul.f32 v22, v33;
	v8 =	vmul.f32 v14, v31  }
0x18e: {  	v10 =	vmul.f32 v10, v33;
	v9 =	vmul.f32 v12, v31;
	[tilespmem:s21+$0x1640] =	vst v5;
	v5 =	vadd.f32 v6, v7  }
0x18f: {  	[tilespmem:s21+$0x1650] =	vst v3;
	v3 =	vadd.f32 v4, v8  }
0x190: {  	v4 =	vadd.f32 v10, v9;
	[tilespmem:s21+$0x1660] =	vst v5  }
0x191: {  	[tilespmem:s21+$0x1670] =	vst v3  }
0x192: {  	s22 =	simm.s32 $0x0;
	[tilespmem:s21+$0x200] =	vst v4  }
0x193: {  	[hbm4b:s10+s22] =	stream.linear.scatter [tilespmem:s17], [sflag:$0x2], $0x6000, $0x38;
	[tilespmem:$0x18200] =	vst v63  }
0x194: {  	_ =	swait.ge [sflag:s18], $0x6000  }
0x195: {  	[sflag:s18] =	ssyncset.done $0x0  }
0x196: {  	s24 =	simm.s32 $0x0;
	[sflag:s18] =	ssyncadd.s32 $0xFFFFA000  }
0x197: {  	s21 =	smul.u32 $0x1800, s24;
	_ =	swait.ge [sflag:s18], $0x6000  }
0x198: {  	s23 =	sand.u32 $0x380, s22;
	[sflag:s18] =	ssyncset.done $0x0  }
0x199: {  	s21 =	sor.u32 s23, s21;
	[sflag:s18] =	ssyncadd.s32 $0xFFFFA000  }
0x19a: {  	v4 =	vld [tilespmem:s21+$0x6210]  }
0x19b: {  	v3 =	vld [tilespmem:s21+$0x12210]  }
0x19c: {  	v6 =	vld [tilespmem:s21+$0x6220]  }
0x19d: {  	v5 =	vld [tilespmem:s21+$0x12220]  }
0x19e: {  	v8 =	vld [tilespmem:s21+$0x6230]  }
0x19f: {  	v7 =	vld [tilespmem:s21+$0x12230]  }
0x1a0: {  	v10 =	vld [tilespmem:s21+$0x6240]  }
0x1a1: {  	v9 =	vld [tilespmem:s21+$0x12240]  }
0x1a2: {  	v12 =	vld [tilespmem:s21+$0x6250]  }
0x1a3: {  	v11 =	vld [tilespmem:s21+$0x12250]  }
0x1a4: {  	v13 =	vld [tilespmem:s21+$0x6260]  }
0x1a5: {  	v14 =	vld [tilespmem:s21+$0x6270]  }
0x1a6: {  	v15 =	vld [tilespmem:s21+$0x6600]  }
0x1a7: {  	v16 =	vld [tilespmem:s21+$0x6610]  }
0x1a8: {  	v17 =	vld [tilespmem:s21+$0x6620]  }
0x1a9: {  	v18 =	vld [tilespmem:s21+$0x6630]  }
0x1aa: {  	v19 =	vld [tilespmem:s21+$0x6640]  }
0x1ab: {  	v20 =	vld [tilespmem:s21+$0x6650]  }
0x1ac: {  	v21 =	vld [tilespmem:s21+$0x6660]  }
0x1ad: {  	v22 =	vld [tilespmem:s21+$0x6670]  }
0x1ae: {  	v23 =	vld [tilespmem:s21+$0x6A00]  }
0x1af: {  	v24 =	vld [tilespmem:s21+$0x6A10]  }
0x1b0: {  	v25 =	vld [tilespmem:s21+$0x6A20]  }
0x1b1: {  	v26 =	vld [tilespmem:s21+$0x6A30]  }
0x1b2: {  	v27 =	vld [tilespmem:s21+$0x6A40]  }
0x1b3: {  	v28 =	vld [tilespmem:s21+$0x6A50]  }
0x1b4: {  	v29 =	vld [tilespmem:s21+$0x6A60]  }
0x1b5: {  	v30 =	vld [tilespmem:s21+$0x6A70]  }
0x1b6: {  	v32 =	vld [tilespmem:s21+$0x6E00]  }
0x1b7: {  	v34 =	vld [tilespmem:s21+$0x6E10]  }
0x1b8: {  	v35 =	vld [tilespmem:s21+$0x6E20]  }
0x1b9: {  	v36 =	vld [tilespmem:s21+$0x6E30]  }
0x1ba: {  	v37 =	vld [tilespmem:s21+$0x6E40]  }
0x1bb: {  	v38 =	vld [tilespmem:s21+$0x6E50]  }
0x1bc: {  	v39 =	vld [tilespmem:s21+$0x6E60]  }
0x1bd: {  	v40 =	vld [tilespmem:s21+$0x6E70]  }
0x1be: {  	v41 =	vld [tilespmem:s21+$0x7200]  }
0x1bf: {  	v42 =	vld [tilespmem:s21+$0x7210]  }
0x1c0: {  	v43 =	vld [tilespmem:s21+$0x7220]  }
0x1c1: {  	v44 =	vld [tilespmem:s21+$0x7230]  }
0x1c2: {  	v45 =	vld [tilespmem:s21+$0x7240]  }
0x1c3: {  	v46 =	vld [tilespmem:s21+$0x7250]  }
0x1c4: {  	s26 =	simm.s32 $0x20;
	v47 =	vld [tilespmem:s21+$0x7260]  }
0x1c5: {  	v49 =	vmov s26;
	s23 =	simm.s32 $0x1;
	v48 =	vld [tilespmem:s21+$0x7600]  }
.LBB2_4:
0x1c6: {  	p0 =	sne.s32 s23, $0x1F;
	v50 =	vld [tilespmem:s21+$0x7610]  }
0x1c7: {  	v51 =	vld [tilespmem:s21+$0x13610]  }
0x1c8: {  	v52 =	vld [tilespmem:s21+$0x13630]  }
0x1c9: {  	v53 =	vld [tilespmem:s21+$0x7620]  }
0x1ca: {  	v33 =	vld.idx.msk [tilespmem:v49+s15+$0x0], $0xffff  }
0x1cb: {  	v31 =	vld.idx.msk [tilespmem:v49+s16+$0x0], $0xffff  }
0x1cc: {  	v49 =	vld [tilespmem:s21+$0x7630]  }
0x1cd: {  	v54 =	vld [tilespmem:s21+$0x13620]  }
0x1ce: {  	v55 =	vld [tilespmem:s21+$0x13600]  }
0x1cf: {  	v56 =	vld [tilespmem:s21+$0x7270]  }
0x1d0: {  	v50 =	vmul.f32 v50, v33;
	v53 =	vmul.f32 v53, v33;
	v57 =	vld [tilespmem:s21+$0x13270]  }
0x1d1: {  	v52 =	vmul.f32 v52, v31;
	v58 =	vld [tilespmem:s21+$0x13260];
	v49 =	vmul.f32 v49, v33  }
0x1d2: {  	v51 =	vmul.f32 v51, v31;
	v59 =	vld [tilespmem:s21+$0x13250];
	v54 =	vmul.f32 v54, v31  }
0x1d3: {  	v48 =	vmul.f32 v48, v33;
	v60 =	vld [tilespmem:s21+$0x13240];
	v55 =	vmul.f32 v55, v31;
	v49 =	vadd.f32 v52, v49  }
0x1d4: {  	v50 =	vadd.f32 v51, v50;
	v52 =	vld [tilespmem:s21+$0x13230];
	v56 =	vmul.f32 v56, v33;
	v51 =	vadd.f32 v54, v53  }
0x1d5: {  	v47 =	vmul.f32 v47, v33;
	v53 =	vld [tilespmem:s21+$0x13220];
	v54 =	vmul.f32 v57, v31;
	v48 =	vadd.f32 v55, v48;
	[tilespmem:s21+$0x7630] =	vst v49  }
0x1d6: {  	v46 =	vmul.f32 v46, v33;
	v49 =	vld [tilespmem:s21+$0x13210];
	v55 =	vmul.f32 v58, v31;
	[tilespmem:s21+$0x7620] =	vst v51  }
0x1d7: {  	v45 =	vmul.f32 v45, v33;
	v51 =	vld [tilespmem:s21+$0x13200];
	v57 =	vmul.f32 v59, v31;
	v54 =	vadd.f32 v54, v56;
	[tilespmem:s21+$0x7610] =	vst v50  }
0x1d8: {  	v44 =	vmul.f32 v44, v33;
	v50 =	vld [tilespmem:s21+$0x12E70];
	v56 =	vmul.f32 v60, v31;
	v47 =	vadd.f32 v55, v47;
	[tilespmem:s21+$0x7600] =	vst v48  }
0x1d9: {  	v43 =	vmul.f32 v43, v33;
	v48 =	vld [tilespmem:s21+$0x12E60];
	v52 =	vmul.f32 v52, v31;
	v46 =	vadd.f32 v57, v46;
	[tilespmem:s21+$0x7270] =	vst v54  }
0x1da: {  	v42 =	vmul.f32 v42, v33;
	v54 =	vld [tilespmem:s21+$0x12E50];
	v53 =	vmul.f32 v53, v31;
	v45 =	vadd.f32 v56, v45;
	[tilespmem:s21+$0x7260] =	vst v47  }
0x1db: {  	v41 =	vmul.f32 v41, v33;
	v47 =	vld [tilespmem:s21+$0x12E40];
	v49 =	vmul.f32 v49, v31;
	v44 =	vadd.f32 v52, v44;
	[tilespmem:s21+$0x7250] =	vst v46  }
0x1dc: {  	v40 =	vmul.f32 v40, v33;
	v46 =	vld [tilespmem:s21+$0x12E30];
	v51 =	vmul.f32 v51, v31;
	v43 =	vadd.f32 v53, v43;
	[tilespmem:s21+$0x7240] =	vst v45  }
0x1dd: {  	v39 =	vmul.f32 v39, v33;
	v45 =	vld [tilespmem:s21+$0x12E20];
	v50 =	vmul.f32 v50, v31;
	v42 =	vadd.f32 v49, v42;
	[tilespmem:s21+$0x7230] =	vst v44  }
0x1de: {  	v38 =	vmul.f32 v38, v33;
	v44 =	vld [tilespmem:s21+$0x12E10];
	v48 =	vmul.f32 v48, v31;
	v41 =	vadd.f32 v51, v41;
	[tilespmem:s21+$0x7220] =	vst v43  }
0x1df: {  	v37 =	vmul.f32 v37, v33;
	v43 =	vld [tilespmem:s21+$0x12E00];
	v49 =	vmul.f32 v54, v31;
	v40 =	vadd.f32 v50, v40;
	[tilespmem:s21+$0x7210] =	vst v42  }
0x1e0: {  	v36 =	vmul.f32 v36, v33;
	v42 =	vld [tilespmem:s21+$0x12A70];
	v47 =	vmul.f32 v47, v31;
	v39 =	vadd.f32 v48, v39;
	[tilespmem:s21+$0x7200] =	vst v41  }
0x1e1: {  	v35 =	vmul.f32 v35, v33;
	v41 =	vld [tilespmem:s21+$0x12A60];
	v46 =	vmul.f32 v46, v31;
	v38 =	vadd.f32 v49, v38;
	[tilespmem:s21+$0x6E70] =	vst v40  }
0x1e2: {  	v34 =	vmul.f32 v34, v33;
	v40 =	vld [tilespmem:s21+$0x12A50];
	v45 =	vmul.f32 v45, v31;
	v37 =	vadd.f32 v47, v37;
	[tilespmem:s21+$0x6E60] =	vst v39  }
0x1e3: {  	v32 =	vmul.f32 v32, v33;
	v39 =	vld [tilespmem:s21+$0x12A40];
	v44 =	vmul.f32 v44, v31;
	v36 =	vadd.f32 v46, v36;
	[tilespmem:s21+$0x6E50] =	vst v38  }
0x1e4: {  	v30 =	vmul.f32 v30, v33;
	v38 =	vld [tilespmem:s21+$0x12A30];
	v43 =	vmul.f32 v43, v31;
	v35 =	vadd.f32 v45, v35;
	[tilespmem:s21+$0x6E40] =	vst v37  }
0x1e5: {  	v29 =	vmul.f32 v29, v33;
	v37 =	vld [tilespmem:s21+$0x12A20];
	v42 =	vmul.f32 v42, v31;
	v34 =	vadd.f32 v44, v34;
	[tilespmem:s21+$0x6E30] =	vst v36  }
0x1e6: {  	v28 =	vmul.f32 v28, v33;
	v36 =	vld [tilespmem:s21+$0x12A10];
	v41 =	vmul.f32 v41, v31;
	v32 =	vadd.f32 v43, v32;
	[tilespmem:s21+$0x6E20] =	vst v35  }
0x1e7: {  	v27 =	vmul.f32 v27, v33;
	v35 =	vld [tilespmem:s21+$0x12A00];
	v40 =	vmul.f32 v40, v31;
	v30 =	vadd.f32 v42, v30;
	[tilespmem:s21+$0x6E10] =	vst v34  }
0x1e8: {  	v26 =	vmul.f32 v26, v33;
	v34 =	vld [tilespmem:s21+$0x12670];
	v39 =	vmul.f32 v39, v31;
	v29 =	vadd.f32 v41, v29;
	[tilespmem:s21+$0x6E00] =	vst v32  }
0x1e9: {  	v25 =	vmul.f32 v25, v33;
	v32 =	vld [tilespmem:s21+$0x12660];
	v38 =	vmul.f32 v38, v31;
	v28 =	vadd.f32 v40, v28;
	[tilespmem:s21+$0x6A70] =	vst v30  }
0x1ea: {  	v24 =	vmul.f32 v24, v33;
	v30 =	vld [tilespmem:s21+$0x12650];
	v37 =	vmul.f32 v37, v31;
	v27 =	vadd.f32 v39, v27;
	[tilespmem:s21+$0x6A60] =	vst v29  }
0x1eb: {  	v23 =	vmul.f32 v23, v33;
	v29 =	vld [tilespmem:s21+$0x12640];
	v36 =	vmul.f32 v36, v31;
	v26 =	vadd.f32 v38, v26;
	[tilespmem:s21+$0x6A50] =	vst v28  }
0x1ec: {  	v22 =	vmul.f32 v22, v33;
	v28 =	vld [tilespmem:s21+$0x12630];
	v35 =	vmul.f32 v35, v31;
	v25 =	vadd.f32 v37, v25;
	[tilespmem:s21+$0x6A40] =	vst v27  }
0x1ed: {  	v21 =	vmul.f32 v21, v33;
	v27 =	vld [tilespmem:s21+$0x12620];
	v34 =	vmul.f32 v34, v31;
	v24 =	vadd.f32 v36, v24;
	[tilespmem:s21+$0x6A30] =	vst v26  }
0x1ee: {  	v20 =	vmul.f32 v20, v33;
	v26 =	vld [tilespmem:s21+$0x12610];
	v32 =	vmul.f32 v32, v31;
	v23 =	vadd.f32 v35, v23;
	[tilespmem:s21+$0x6A20] =	vst v25  }
0x1ef: {  	v19 =	vmul.f32 v19, v33;
	v25 =	vld [tilespmem:s21+$0x12600];
	v30 =	vmul.f32 v30, v31;
	v22 =	vadd.f32 v34, v22;
	[tilespmem:s21+$0x6A10] =	vst v24  }
0x1f0: {  	v18 =	vmul.f32 v18, v33;
	v24 =	vld [tilespmem:s21+$0x12270];
	v29 =	vmul.f32 v29, v31;
	v21 =	vadd.f32 v32, v21;
	[tilespmem:s21+$0x6A00] =	vst v23  }
0x1f1: {  	v17 =	vmul.f32 v17, v33;
	v23 =	vld [tilespmem:s21+$0x12260];
	v28 =	vmul.f32 v28, v31;
	v20 =	vadd.f32 v30, v20;
	[tilespmem:s21+$0x6670] =	vst v22  }
0x1f2: {  	v16 =	vmul.f32 v16, v33;
	v22 =	vmul.f32 v27, v31;
	v19 =	vadd.f32 v29, v19;
	[tilespmem:s21+$0x6660] =	vst v21;
	v21 =	vld [tilespmem:s21+$0x13640]  }
0x1f3: {  	v15 =	vmul.f32 v15, v33;
	v26 =	vmul.f32 v26, v31;
	v18 =	vadd.f32 v28, v18;
	[tilespmem:s21+$0x6650] =	vst v20;
	v20 =	vld [tilespmem:s21+$0x13650]  }
0x1f4: {  	v14 =	vmul.f32 v14, v33;
	v25 =	vmul.f32 v25, v31;
	v17 =	vadd.f32 v22, v17;
	[tilespmem:s21+$0x6640] =	vst v19;
	v19 =	vld [tilespmem:s21+$0x13660]  }
0x1f5: {  	v13 =	vmul.f32 v13, v33;
	v22 =	vmul.f32 v24, v31;
	v16 =	vadd.f32 v26, v16;
	[tilespmem:s21+$0x6630] =	vst v18;
	v18 =	vld [tilespmem:s21+$0x13670]  }
0x1f6: {  	v12 =	vmul.f32 v12, v33;
	v23 =	vmul.f32 v23, v31;
	v15 =	vadd.f32 v25, v15;
	[tilespmem:s21+$0x6620] =	vst v17;
	v17 =	vld [tilespmem:s21+$0x7640]  }
0x1f7: {  	v10 =	vmul.f32 v10, v33;
	v11 =	vmul.f32 v11, v31;
	v14 =	vadd.f32 v22, v14;
	[tilespmem:s21+$0x6610] =	vst v16;
	v16 =	vld [tilespmem:s21+$0x7650]  }
0x1f8: {  	v8 =	vmul.f32 v8, v33;
	v9 =	vmul.f32 v9, v31;
	v13 =	vadd.f32 v23, v13;
	[tilespmem:s21+$0x6600] =	vst v15;
	v15 =	vld [tilespmem:s21+$0x7660]  }
0x1f9: {  	v6 =	vmul.f32 v6, v33;
	v7 =	vmul.f32 v7, v31;
	v11 =	vadd.f32 v11, v12;
	[tilespmem:s21+$0x6270] =	vst v14;
	v12 =	vld [tilespmem:s21+$0x7670]  }
0x1fa: {  	v4 =	vmul.f32 v4, v33;
	v5 =	vmul.f32 v5, v31;
	v9 =	vadd.f32 v9, v10;
	v14 =	vld [tilespmem:s21+$0x6200];
	[tilespmem:s21+$0x6260] =	vst v13  }
0x1fb: {  	v3 =	vmul.f32 v3, v31;
	v7 =	vadd.f32 v7, v8;
	v10 =	vld [tilespmem:s21+$0x12200];
	[tilespmem:s21+$0x6250] =	vst v11;
	v8 =	vmul.f32 v17, v33  }
0x1fc: {  	s24 =	sshrl.u32 s23, $0x3;
	v5 =	vadd.f32 v5, v6;
	v6 =	vmul.f32 v21, v31;
	[tilespmem:s21+$0x6240] =	vst v9;
	v9 =	vmul.f32 v16, v33  }
0x1fd: {  	s22 =	sadd.s32 $0x80, s22;
	s24 =	smul.u32 $0x1800, s24;
	v3 =	vadd.f32 v3, v4;
	v4 =	vmul.f32 v20, v31;
	[tilespmem:s21+$0x6230] =	vst v7;
	v7 =	vmul.f32 v15, v33  }
0x1fe: {  	s26 =	sand.u32 $0x380, s22;
	[tilespmem:s21+$0x6220] =	vst v5;
	v5 =	vadd.f32 v6, v8;
	v6 =	vmul.f32 v19, v31;
	v8 =	vmul.f32 v12, v33  }
0x1ff: {  	s24 =	sor.u32 s26, s24;
	v9 =	vadd.f32 v4, v9;
	v12 =	vmul.f32 v18, v31;
	v11 =	vmul.f32 v14, v33;
	[tilespmem:s21+$0x6210] =	vst v3  }
0x200: {  	v4 =	vld [tilespmem:s24+$0x6210];
	v10 =	vmul.f32 v10, v31;
	[tilespmem:s21+$0x7640] =	vst v5;
	v5 =	vadd.f32 v6, v7  }
0x201: {  	v7 =	vadd.f32 v12, v8;
	v3 =	vld [tilespmem:s24+$0x12210];
	[tilespmem:s21+$0x7650] =	vst v9  }
0x202: {  	v6 =	vld [tilespmem:s24+$0x6220];
	v9 =	vadd.f32 v10, v11;
	[tilespmem:s21+$0x7660] =	vst v5  }
0x203: {  	v5 =	vld [tilespmem:s24+$0x12220];
	[tilespmem:s21+$0x7670] =	vst v7  }
0x204: {  	v8 =	vld [tilespmem:s24+$0x6230];
	[tilespmem:s21+$0x6200] =	vst v9;
	s21 =	smov.u32 s24  }
0x205: {  	v7 =	vld [tilespmem:s21+$0x12230]  }
0x206: {  	v10 =	vld [tilespmem:s21+$0x6240]  }
0x207: {  	v9 =	vld [tilespmem:s21+$0x12240]  }
0x208: {  	v12 =	vld [tilespmem:s21+$0x6250]  }
0x209: {  	v11 =	vld [tilespmem:s21+$0x12250]  }
0x20a: {  	v13 =	vld [tilespmem:s21+$0x6260]  }
0x20b: {  	v14 =	vld [tilespmem:s21+$0x6270]  }
0x20c: {  	v15 =	vld [tilespmem:s21+$0x6600]  }
0x20d: {  	v16 =	vld [tilespmem:s21+$0x6610]  }
0x20e: {  	v17 =	vld [tilespmem:s21+$0x6620]  }
0x20f: {  	v18 =	vld [tilespmem:s21+$0x6630]  }
0x210: {  	v19 =	vld [tilespmem:s21+$0x6640]  }
0x211: {  	v20 =	vld [tilespmem:s21+$0x6650]  }
0x212: {  	v21 =	vld [tilespmem:s21+$0x6660]  }
0x213: {  	v22 =	vld [tilespmem:s21+$0x6670]  }
0x214: {  	v23 =	vld [tilespmem:s21+$0x6A00]  }
0x215: {  	v24 =	vld [tilespmem:s21+$0x6A10]  }
0x216: {  	v25 =	vld [tilespmem:s21+$0x6A20]  }
0x217: {  	v26 =	vld [tilespmem:s21+$0x6A30]  }
0x218: {  	v27 =	vld [tilespmem:s21+$0x6A40]  }
0x219: {  	v28 =	vld [tilespmem:s21+$0x6A50]  }
0x21a: {  	v29 =	vld [tilespmem:s21+$0x6A60]  }
0x21b: {  	v30 =	vld [tilespmem:s21+$0x6A70]  }
0x21c: {  	v32 =	vld [tilespmem:s21+$0x6E00]  }
0x21d: {  	v34 =	vld [tilespmem:s21+$0x6E10]  }
0x21e: {  	v35 =	vld [tilespmem:s21+$0x6E20]  }
0x21f: {  	v36 =	vld [tilespmem:s21+$0x6E30]  }
0x220: {  	v37 =	vld [tilespmem:s21+$0x6E40]  }
0x221: {  	v38 =	vld [tilespmem:s21+$0x6E50]  }
0x222: {  	v39 =	vld [tilespmem:s21+$0x6E60]  }
0x223: {  	v40 =	vld [tilespmem:s21+$0x6E70]  }
0x224: {  	v41 =	vld [tilespmem:s21+$0x7200]  }
0x225: {  	v42 =	vld [tilespmem:s21+$0x7210]  }
0x226: {  	v43 =	vld [tilespmem:s21+$0x7220]  }
.Ltmp1:
0x227: {  	v44 =	vld [tilespmem:s21+$0x7230];
	(pc) =	sbr.rel @p0 .LBB2_4-.Ltmp1, $4  }
0x228: {  	v45 =	vld [tilespmem:s21+$0x7240]  }
0x229: {  	v46 =	vld [tilespmem:s21+$0x7250]  }
0x22a: {  	s24 =	sadd.s32 $0x20, s23;
	v47 =	vld [tilespmem:s21+$0x7260]  }
0x22b: {  	s23 =	sadd.s32 $0x1, s23;
	v49 =	vmov s24;
	v48 =	vld [tilespmem:s21+$0x7600]  }
0x22c: {  	v50 =	vld [tilespmem:s21+$0x7610]  }
0x22d: {  	v51 =	vld [tilespmem:s21+$0x13610]  }
0x22e: {  	v52 =	vld [tilespmem:s21+$0x13630]  }
0x22f: {  	v53 =	vld [tilespmem:s21+$0x7620]  }
0x230: {  	v31 =	vld.idx.msk [tilespmem:v49+s15+$0x0], $0xffff  }
0x231: {  	v61 =	vld [tilespmem:s21+$0x7630]  }
0x232: {  	v33 =	vld.idx.msk [tilespmem:v49+s16+$0x0], $0xffff  }
0x233: {  	v54 =	vld [tilespmem:s21+$0x13620]  }
0x234: {  	v55 =	vld [tilespmem:s21+$0x13600]  }
0x235: {  	v56 =	vld [tilespmem:s21+$0x7270]  }
0x236: {  	v58 =	vld [tilespmem:s21+$0x13260];
	v49 =	vmul.f32 v61, v31  }
0x237: {  	v59 =	vld [tilespmem:s21+$0x13250];
	v52 =	vmul.f32 v52, v33;
	v53 =	vmul.f32 v53, v31  }
0x238: {  	v57 =	vld [tilespmem:s21+$0x13270];
	v54 =	vmul.f32 v54, v33;
	v50 =	vmul.f32 v50, v31  }
0x239: {  	v60 =	vld [tilespmem:s21+$0x13240];
	v51 =	vmul.f32 v51, v33;
	v48 =	vmul.f32 v48, v31;
	v49 =	vadd.f32 v52, v49  }
0x23a: {  	v61 =	vld [tilespmem:s21+$0x13220];
	v62 =	vmul.f32 v55, v33;
	v63 =	vmul.f32 v56, v31;
	v53 =	vadd.f32 v54, v53  }
0x23b: {  	v47 =	vmul.f32 v47, v31;
	v58 =	vmul.f32 v58, v33;
	v55 =	vld [tilespmem:s21+$0x12660];
	v50 =	vadd.f32 v51, v50;
	[tilespmem:s21+$0x7630] =	vst v49  }
0x23c: {  	v46 =	vmul.f32 v46, v31;
	v59 =	vmul.f32 v59, v33;
	v56 =	vld [tilespmem:s21+$0x12650];
	v48 =	vadd.f32 v62, v48;
	[tilespmem:s21+$0x7620] =	vst v53  }
0x23d: {  	v12 =	vmul.f32 v12, v31;
	v11 =	vmul.f32 v11, v33;
	v52 =	vld [tilespmem:s21+$0x13230];
	v47 =	vadd.f32 v58, v47;
	[tilespmem:s21+$0x7610] =	vst v50  }
0x23e: {  	v10 =	vmul.f32 v10, v31;
	v9 =	vmul.f32 v9, v33;
	v51 =	vld [tilespmem:s21+$0x13200];
	v46 =	vadd.f32 v59, v46;
	[tilespmem:s21+$0x7600] =	vst v48  }
0x23f: {  	v8 =	vmul.f32 v8, v31;
	v7 =	vmul.f32 v7, v33;
	v58 =	vld [tilespmem:s21+$0x12E10];
	v11 =	vadd.f32 v11, v12;
	[tilespmem:s21+$0x7260] =	vst v47  }
0x240: {  	v6 =	vmul.f32 v6, v31;
	v5 =	vmul.f32 v5, v33;
	v59 =	vld [tilespmem:s21+$0x12E00];
	v9 =	vadd.f32 v9, v10;
	[tilespmem:s21+$0x7250] =	vst v46  }
0x241: {  	v4 =	vmul.f32 v4, v31;
	v3 =	vmul.f32 v3, v33;
	v54 =	vld [tilespmem:s21+$0x12670];
	v7 =	vadd.f32 v7, v8;
	[tilespmem:s21+$0x6250] =	vst v11  }
0x242: {  	v57 =	vmul.f32 v57, v33;
	v5 =	vadd.f32 v5, v6;
	v49 =	vld [tilespmem:s21+$0x13210];
	[tilespmem:s21+$0x6240] =	vst v9  }
0x243: {  	v45 =	vmul.f32 v45, v31;
	v62 =	vmul.f32 v60, v33;
	v3 =	vadd.f32 v3, v4;
	v50 =	vld [tilespmem:s21+$0x12E70];
	[tilespmem:s21+$0x6230] =	vst v7  }
0x244: {  	v43 =	vmul.f32 v43, v31;
	v53 =	vadd.f32 v57, v63;
	v48 =	vld [tilespmem:s21+$0x12E60];
	[tilespmem:s21+$0x6220] =	vst v5;
	v63 =	vmul.f32 v61, v33  }
0x245: {  	v44 =	vmul.f32 v44, v31;
	v47 =	vld [tilespmem:s21+$0x12E40];
	v45 =	vadd.f32 v62, v45;
	[tilespmem:s21+$0x6210] =	vst v3;
	v52 =	vmul.f32 v52, v33  }
0x246: {  	v41 =	vmul.f32 v41, v31;
	v46 =	vld [tilespmem:s21+$0x12E30];
	[tilespmem:s21+$0x7270] =	vst v53;
	v43 =	vadd.f32 v63, v43;
	v51 =	vmul.f32 v51, v33  }
0x247: {  	v42 =	vmul.f32 v42, v31;
	v57 =	vld [tilespmem:s21+$0x12E20];
	[tilespmem:s21+$0x7240] =	vst v45;
	v44 =	vadd.f32 v52, v44;
	v49 =	vmul.f32 v49, v33  }
0x248: {  	v40 =	vmul.f32 v40, v31;
	v62 =	vld [tilespmem:s21+$0x12A60];
	[tilespmem:s21+$0x7220] =	vst v43;
	v60 =	vmul.f32 v50, v33;
	v41 =	vadd.f32 v51, v41  }
0x249: {  	v39 =	vmul.f32 v39, v31;
	v53 =	vld [tilespmem:s21+$0x12E50];
	v48 =	vmul.f32 v48, v33;
	[tilespmem:s21+$0x7230] =	vst v44;
	v42 =	vadd.f32 v49, v42  }
0x24a: {  	v37 =	vmul.f32 v37, v31;
	v61 =	vld [tilespmem:s21+$0x12A70];
	v47 =	vmul.f32 v47, v33;
	v40 =	vadd.f32 v60, v40;
	[tilespmem:s21+$0x7200] =	vst v41  }
0x24b: {  	v36 =	vmul.f32 v36, v31;
	v46 =	vmul.f32 v46, v33;
	v50 =	vld [tilespmem:s21+$0x12A30];
	v39 =	vadd.f32 v48, v39;
	[tilespmem:s21+$0x7210] =	vst v42  }
0x24c: {  	v35 =	vmul.f32 v35, v31;
	v45 =	vmul.f32 v57, v33;
	v51 =	vld [tilespmem:s21+$0x12A20];
	v37 =	vadd.f32 v47, v37;
	[tilespmem:s21+$0x6E70] =	vst v40  }
0x24d: {  	v32 =	vmul.f32 v32, v31;
	v52 =	vld [tilespmem:s21+$0x12A10];
	v43 =	vmul.f32 v59, v33;
	v36 =	vadd.f32 v46, v36;
	[tilespmem:s21+$0x6E60] =	vst v39  }
0x24e: {  	v38 =	vmul.f32 v38, v31;
	v57 =	vld [tilespmem:s21+$0x12640];
	v63 =	vmul.f32 v53, v33;
	v35 =	vadd.f32 v45, v35;
	[tilespmem:s21+$0x6E40] =	vst v37  }
0x24f: {  	v34 =	vmul.f32 v34, v31;
	v59 =	vld [tilespmem:s21+$0x12620];
	v44 =	vmul.f32 v58, v33;
	v32 =	vadd.f32 v43, v32;
	[tilespmem:s21+$0x6E30] =	vst v36  }
0x250: {  	v29 =	vmul.f32 v29, v31;
	v48 =	vld [tilespmem:s21+$0x12A50];
	v41 =	vmul.f32 v62, v33;
	v38 =	vadd.f32 v63, v38;
	[tilespmem:s21+$0x6E20] =	vst v35  }
0x251: {  	v21 =	vmul.f32 v21, v31;
	v49 =	vld [tilespmem:s21+$0x12A40];
	v62 =	vmul.f32 v55, v33;
	v34 =	vadd.f32 v44, v34;
	[tilespmem:s21+$0x6E00] =	vst v32  }
0x252: {  	v30 =	vmul.f32 v30, v31;
	v53 =	vld [tilespmem:s21+$0x12A00];
	v42 =	vmul.f32 v61, v33;
	v29 =	vadd.f32 v41, v29;
	[tilespmem:s21+$0x6E50] =	vst v38  }
0x253: {  	v25 =	vmul.f32 v25, v31;
	v58 =	vld [tilespmem:s21+$0x12630];
	v21 =	vadd.f32 v62, v21;
	v37 =	vmul.f32 v51, v33;
	[tilespmem:s21+$0x6E10] =	vst v34  }
0x254: {  	v24 =	vmul.f32 v24, v31;
	v60 =	vld [tilespmem:s21+$0x12610];
	v36 =	vmul.f32 v52, v33;
	v30 =	vadd.f32 v42, v30;
	[tilespmem:s21+$0x6A60] =	vst v29  }
0x255: {  	v26 =	vmul.f32 v26, v31;
	v43 =	vld [tilespmem:s21+$0x13670];
	v38 =	vmul.f32 v50, v33;
	[tilespmem:s21+$0x6660] =	vst v21;
	v25 =	vadd.f32 v37, v25  }
0x256: {  	v22 =	vmul.f32 v22, v31;
	v45 =	vld [tilespmem:s21+$0x7640];
	v34 =	vmul.f32 v54, v33;
	v24 =	vadd.f32 v36, v24;
	[tilespmem:s21+$0x6A70] =	vst v30  }
0x257: {  	v28 =	vmul.f32 v28, v31;
	v46 =	vld [tilespmem:s21+$0x7650];
	v40 =	vmul.f32 v48, v33;
	v26 =	vadd.f32 v38, v26;
	[tilespmem:s21+$0x6A20] =	vst v25  }
0x258: {  	v27 =	vmul.f32 v27, v31;
	v61 =	vld [tilespmem:s21+$0x12600];
	v39 =	vmul.f32 v49, v33;
	v22 =	vadd.f32 v34, v22;
	[tilespmem:s21+$0x6A10] =	vst v24  }
0x259: {  	v23 =	vmul.f32 v23, v31;
	v63 =	vld [tilespmem:s21+$0x12270];
	v35 =	vmul.f32 v53, v33;
	v28 =	vadd.f32 v40, v28;
	[tilespmem:s21+$0x6A30] =	vst v26  }
0x25a: {  	v18 =	vmul.f32 v18, v31;
	v51 =	vld [tilespmem:s21+$0x6200];
	v37 =	vmul.f32 v58, v33;
	v27 =	vadd.f32 v39, v27;
	[tilespmem:s21+$0x6670] =	vst v22  }
0x25b: {  	v16 =	vmul.f32 v16, v31;
	v50 =	vld [tilespmem:s21+$0x12200];
	v41 =	vmul.f32 v60, v33;
	v23 =	vadd.f32 v35, v23;
	[tilespmem:s21+$0x6A50] =	vst v28  }
0x25c: {  	v20 =	vmul.f32 v20, v31;
	v36 =	vld [tilespmem:s21+$0x13640];
	v30 =	vmul.f32 v56, v33;
	v18 =	vadd.f32 v37, v18;
	[tilespmem:s21+$0x6A40] =	vst v27  }
0x25d: {  	v19 =	vmul.f32 v19, v31;
	v48 =	vld [tilespmem:s21+$0x7660];
	v35 =	vmul.f32 v57, v33;
	v16 =	vadd.f32 v41, v16;
	[tilespmem:s21+$0x6A00] =	vst v23  }
0x25e: {  	v17 =	vmul.f32 v17, v31;
	v34 =	vld [tilespmem:s21+$0x12260];
	v39 =	vmul.f32 v59, v33;
	v20 =	vadd.f32 v30, v20;
	[tilespmem:s21+$0x6630] =	vst v18  }
0x25f: {  	v15 =	vmul.f32 v15, v31;
	v38 =	vld [tilespmem:s21+$0x13650];
	v42 =	vmul.f32 v61, v33;
	v19 =	vadd.f32 v35, v19;
	[tilespmem:s21+$0x6610] =	vst v16  }
0x260: {  	v14 =	vmul.f32 v14, v31;
	v40 =	vld [tilespmem:s21+$0x13660];
	v44 =	vmul.f32 v63, v33;
	v17 =	vadd.f32 v39, v17;
	[tilespmem:s21+$0x6650] =	vst v20  }
0x261: {  	v49 =	vld [tilespmem:s21+$0x7670];
	v61 =	vmul.f32 v51, v31;
	v15 =	vadd.f32 v42, v15;
	v10 =	vmul.f32 v50, v33;
	[tilespmem:s21+$0x6640] =	vst v19  }
0x262: {  	v52 =	vmul.f32 v45, v31;
	v14 =	vadd.f32 v44, v14;
	v53 =	vmul.f32 v36, v33;
	[tilespmem:s21+$0x6620] =	vst v17  }
0x263: {  	v13 =	vmul.f32 v13, v31;
	v47 =	vmul.f32 v34, v33;
	[tilespmem:s21+$0x6600] =	vst v15;
	v63 =	vadd.f32 v10, v61  }
0x264: {  	v54 =	vmul.f32 v46, v31;
	[tilespmem:s21+$0x6270] =	vst v14;
	v55 =	vmul.f32 v38, v33;
	v57 =	vadd.f32 v53, v52  }
0x265: {  	v56 =	vmul.f32 v48, v31;
	v58 =	vmul.f32 v40, v33;
	v13 =	vadd.f32 v47, v13;
	[tilespmem:s21+$0x6200] =	vst v63  }
0x266: {  	v60 =	vmul.f32 v43, v33;
	v59 =	vmul.f32 v49, v31;
	v3 =	vadd.f32 v55, v54;
	[tilespmem:s21+$0x7640] =	vst v57  }
0x267: {  	v62 =	vadd.f32 v58, v56;
	[tilespmem:s21+$0x6260] =	vst v13  }
0x268: {  	[tilespmem:s21+$0x7650] =	vst v3;
	v3 =	vadd.f32 v60, v59  }
0x269: {  	[tilespmem:s21+$0x7660] =	vst v62  }
0x26a: {  	s20 =	sadd.s32 $0x1, s20;
	[tilespmem:s21+$0x7670] =	vst v3  }
0x26b: {  	[hbm4b:s11+s2] =	stream.linear.scatter [tilespmem:s25], [sflag:$0x2], $0x6000, $0x38;
	[tilespmem:$0x18200] =	vst v63  }
0x26c: {  	p0 =	sne.s32 s20, s12;
	_ =	swait.ge [sflag:s19], $0x6000  }
.Ltmp2:
0x26d: {  	[sflag:s19] =	ssyncset.done $0x0;
	(pc) =	sbr.rel @p0 .LBB2_1-.Ltmp2, $4  }
0x26e: {  	[sflag:s19] =	ssyncadd.s32 $0xFFFFA000  }
0x26f: {  	_ =	swait.ge [sflag:s19], $0x6000  }
0x270: {  	[sflag:s19] =	ssyncset.done $0x0  }
0x271: {  	[sflag:s19] =	ssyncadd.s32 $0xFFFFA000  }
0x272: {  	_ =	sfence.sel $0x180000  }
0x273: {  	[bflag:$0x0] =	sbarrier.arrive $0xFFFF  }
0x274: {  	_ =	strace $0x9000004A  }
0x275: {  	s0 =	stileid.u32;
	[bflag:$0x2] =	sbarrier.arrive $0xFFFF  }
0x276: {  	p0 =	sne.s32 s0, $0x0;
	s0 =	rddreg [dreg:$0x2]  }
0x277: {  	s0 =	sadd.s32 @!p0 $0x100000, s0  }
0x278: {  	[sflag:s0] =	ssyncadd.tile.s32 @!p0 $0x1;
	_ =	shalt  }
.Lfunc_end2:
_tile_overlayer_lowered:
.L_overlay_start_2:
0x279: {  	(tag) =	ssettag $0x2  }
0x27a: {  	s0 =	rddreg [dreg:$0x0];
	s2 =	stileid.u32  }
0x27b: {  	s1 =	rddreg [dreg:$0x1];
	p0 =	sne.s32 s2, $0x0  }
0x27c: {  	s3 =	rddreg [dreg:$0x2];
	[bflag:$0x3] =	sbarrier.arrive $0xFFFF;
	s2 =	simm.s32 @!p0 $0x1C03  }
0x27d: {  	[timem:s3], [sflag:s2] =	dma.local @!p0 [hbm:s0], s1  }
0x27e: {  	s0 =	simm.s32 @!p0 $0x3  }
0x27f: {  	_ =	swait.ge @!p0 [sflag:s0], s1  }
0x280: {  	s1 =	ssub.s32 @!p0 $0x0, s1;
	[sflag:s0] =	ssyncset.done @!p0 $0x0  }
0x281: {  	[sflag:s0] =	ssyncadd.s32 @!p0 s1  }
0x282: {  	[bflag:$0x3] =	sbarrier.arrive $0xFFFF  }
0x283: {  	_ =	shalt  }

</sc_bundles>
